<compile_context>
chip_gen: v7x
topology: tpu7x:2x2x1
jax: 0.10.2.dev20260603
libtpu: 0.0.44.dev20260713+nightly
codegen_flags: <defaults>
</compile_context>

<pallas_src>
import functools

import jax
import jax.numpy as jnp
from jax import lax
from jax.experimental import pallas as pl
from jax.experimental.pallas import tpu as pltpu
from jax.experimental.pallas import tpu_sc as plsc

N = 10000
D = 128
E = 320000

NB = 128
KB = 80
NW = 32
E_PAD = NW * KB * NB
N_PAD = 10240
ROWS_PER_TILE = N_PAD // 16
DEG_W = 16

_MESH = plsc.VectorSubcoreMesh(core_axis_name="c", subcore_axis_name="s")



@functools.partial(
    pl.kernel,
    out_type=jax.ShapeDtypeStruct((2, N_PAD, DEG_W), jnp.float32),
    mesh=_MESH,
    compiler_params=pltpu.CompilerParams(use_tc_tiling_on_sc=False),
    scratch_types=[
        pltpu.VMEM((KB, NB), jnp.int32),
        pltpu.VMEM((NB, DEG_W), jnp.float32),
        pltpu.VMEM_SHARED((N_PAD, DEG_W), jnp.float32),
    ],
)
def _sc_degree(dst_hbm, zeros_hbm, ones_hbm, out_hbm, dst_v, ones_v, acc):
    c = lax.axis_index("c")
    s = lax.axis_index("s")
    wid = c * 16 + s
    r0 = s * ROWS_PER_TILE
    pltpu.sync_copy(zeros_hbm, acc.at[pl.ds(r0, ROWS_PER_TILE)])
    pltpu.sync_copy(ones_hbm, ones_v)
    pltpu.sync_copy(dst_hbm.at[wid], dst_v)
    plsc.subcore_barrier()

    @pl.loop(0, KB)
    def _(j):
        pltpu.sync_copy(ones_v, acc.at[dst_v.at[j]], add=True)

    plsc.subcore_barrier()
    pltpu.sync_copy(acc.at[pl.ds(r0, ROWS_PER_TILE)],
                    out_hbm.at[c, pl.ds(r0, ROWS_PER_TILE)])


@functools.partial(
    pl.kernel,
    out_type=jax.ShapeDtypeStruct((2, N_PAD, D), jnp.float32),
    mesh=_MESH,
    scratch_types=[
        pltpu.VMEM((KB // 2, NB), jnp.int32),
        pltpu.VMEM((KB // 2, NB), jnp.int32),
        pltpu.VMEM((NB, D), jnp.float32),
        pltpu.VMEM((NB, D), jnp.float32),
        pltpu.SemaphoreType.DMA,
        pltpu.SemaphoreType.DMA,
        pltpu.VMEM_SHARED((N_PAD, D), jnp.float32),
    ],
)
def _sc_scatter(u_hbm, src_hbm, dst_hbm, zeros_hbm, out_hbm,
                src_v, dst_v, rows0, rows1, gsem, ssem, acc):
    c = lax.axis_index("c")
    s = lax.axis_index("s")
    wid = c * 16 + s
    r0 = s * ROWS_PER_TILE
    hkb = KB // 2
    pltpu.sync_copy(zeros_hbm, acc.at[pl.ds(r0, ROWS_PER_TILE)])
    plsc.subcore_barrier()

    rows = (rows0, rows1)
    for h in range(2):
        pltpu.sync_copy(src_hbm.at[wid, pl.ds(h * hkb, hkb)], src_v)
        pltpu.sync_copy(dst_hbm.at[wid, pl.ds(h * hkb, hkb)], dst_v)
        pltpu.async_copy(u_hbm.at[src_v.at[0]], rows0, gsem)

        @pl.loop(0, hkb, step=2)
        def _(j):
            for b in range(2):
                jj = j + b
                other = rows[1 - b]
                if b == 0:
                    @pl.when(j > 0)
                    def _():
                        pltpu.make_async_copy(other, acc.at[dst_v.at[jj]],
                                              ssem).wait()
                    pltpu.async_copy(u_hbm.at[src_v.at[jj + 1]], other, gsem)
                else:
                    pltpu.make_async_copy(other, acc.at[dst_v.at[jj]],
                                          ssem).wait()

                    @pl.when(j < hkb - 2)
                    def _():
                        pltpu.async_copy(u_hbm.at[src_v.at[jj + 1]], other,
                                         gsem)
                pltpu.make_async_copy(u_hbm.at[src_v.at[jj]], rows[b],
                                      gsem).wait()
                pltpu.async_copy(rows[b], acc.at[dst_v.at[jj]], ssem,
                                 add=True)

        pltpu.make_async_copy(rows1, acc.at[dst_v.at[hkb - 1]], ssem).wait()
    plsc.subcore_barrier()
    pltpu.sync_copy(acc.at[pl.ds(r0, ROWS_PER_TILE)],
                    out_hbm.at[c, pl.ds(r0, ROWS_PER_TILE)])



_R = 400


def _dinv_block(d0_ref, d1_ref):
    deg = d0_ref[0, :, 0:1] + d1_ref[0, :, 0:1] + 1.0
    return lax.rsqrt(deg)


def _tc_pre_body(x_ref, we_ref, be_ref, w1_ref, d0_ref, d1_ref, u_ref):
    dinv = _dinv_block(d0_ref, d1_ref)
    h = jnp.dot(x_ref[...], we_ref[...],
                preferred_element_type=jnp.float32) + be_ref[...]
    t = jnp.dot(h, w1_ref[...], preferred_element_type=jnp.float32)
    u_ref[...] = dinv * t


def _tc_mid_body(p0_ref, p1_ref, u_ref, d0_ref, d1_ref, b_ref, w_ref, o_ref):
    dinv = _dinv_block(d0_ref, d1_ref)
    a = dinv * (p0_ref[0] + p1_ref[0] + u_ref[...]) + b_ref[...]
    a = jnp.maximum(a, 0.0)
    o_ref[...] = dinv * jnp.dot(a, w_ref[...],
                                preferred_element_type=jnp.float32)


def _tc_post_body(p0_ref, p1_ref, u_ref, d0_ref, d1_ref, b_ref, wd_ref,
                  bd_ref, o_ref):
    dinv = _dinv_block(d0_ref, d1_ref)
    a = dinv * (p0_ref[0] + p1_ref[0] + u_ref[...]) + b_ref[...]
    a = jnp.maximum(a, 0.0)
    o_ref[...] = jnp.dot(a, wd_ref[...],
                         preferred_element_type=jnp.float32) + bd_ref[...]


def _deg_specs():
    return [
        pl.BlockSpec((1, _R, DEG_W), lambda i: (0, i, 0)),
        pl.BlockSpec((1, _R, DEG_W), lambda i: (1, i, 0)),
    ]


def _full(shape):
    return pl.BlockSpec(shape, lambda i: tuple(0 for _ in shape))


def _tc_pre(x, We, be, W1, degp):
    return pl.pallas_call(
        _tc_pre_body,
        grid=(N // _R,),
        in_specs=[
            pl.BlockSpec((_R, D), lambda i: (i, 0)),
            _full((D, D)),
            _full((1, D)),
            _full((D, D)),
        ] + _deg_specs(),
        out_specs=pl.BlockSpec((_R, D), lambda i: (i, 0)),
        out_shape=jax.ShapeDtypeStruct((N, D), jnp.float32),
    )(x, We, be.reshape(1, D), W1, degp, degp)


def _p_specs():
    return [
        pl.BlockSpec((1, _R, D), lambda i: (0, i, 0)),
        pl.BlockSpec((1, _R, D), lambda i: (1, i, 0)),
    ]


def _tc_mid(p, u, degp, b, W):
    return pl.pallas_call(
        _tc_mid_body,
        grid=(N // _R,),
        in_specs=_p_specs() + [
            pl.BlockSpec((_R, D), lambda i: (i, 0)),
        ] + _deg_specs() + [
            _full((1, D)),
            _full((D, D)),
        ],
        out_specs=pl.BlockSpec((_R, D), lambda i: (i, 0)),
        out_shape=jax.ShapeDtypeStruct((N, D), jnp.float32),
    )(p, p, u, degp, degp, b.reshape(1, D), W)


def _tc_post(p, u, degp, b, Wd, bd):
    return pl.pallas_call(
        _tc_post_body,
        grid=(N // _R,),
        in_specs=_p_specs() + [
            pl.BlockSpec((_R, D), lambda i: (i, 0)),
        ] + _deg_specs() + [
            _full((1, D)),
            _full((D, 1)),
            _full((1, 1)),
        ],
        out_specs=pl.BlockSpec((_R, 1), lambda i: (i, 0)),
        out_shape=jax.ShapeDtypeStruct((N, 1), jnp.float32),
    )(p, p, u, degp, degp, b.reshape(1, D), Wd, bd.reshape(1, 1))



def kernel(x, edge_index, We, be, W1, b1, W2, b2, W3, b3, Wd, bd):
    src = edge_index[0].astype(jnp.int32)
    dst = edge_index[1].astype(jnp.int32)
    pad = E_PAD - E
    pad_iota = jnp.arange(pad, dtype=jnp.int32)
    src3 = jnp.concatenate([src, pad_iota % N]).reshape(NW, KB, NB)
    dst3 = jnp.concatenate([dst, N + pad_iota % (N_PAD - N)]).reshape(
        NW, KB, NB)
    zrows = jnp.zeros((ROWS_PER_TILE, D), jnp.float32)
    zdeg = jnp.zeros((ROWS_PER_TILE, DEG_W), jnp.float32)
    ones = jnp.ones((NB, DEG_W), jnp.float32)

    degp = _sc_degree(dst3, zdeg, ones)
    u = _tc_pre(x, We, be, W1, degp)
    p = _sc_scatter(u, src3, dst3, zrows)
    u = _tc_mid(p, u, degp, b1, W2)
    p = _sc_scatter(u, src3, dst3, zrows)
    u = _tc_mid(p, u, degp, b2, W3)
    p = _sc_scatter(u, src3, dst3, zrows)
    return _tc_post(p, u, degp, b3, Wd, bd)

# --- scband reference (transcript-rebuilt; emitter-appended) ---
"""Pipeline reference for scband-reg-net-37005438222411 (READ-ONLY COPY).

The authoritative reference and input builder live on the scoring server;
editing this copy changes nothing except your own understanding.
"""

import jax, jax.numpy as jnp
import numpy as np

N = 10000
E = 320000
D = 128

def setup_inputs(seed: int = 0) -> dict:
    key = jax.random.key(seed)
    ks = jax.random.split(key, 12)
    x = jax.random.normal(ks[0], (N, D), dtype=jnp.float32)
    edge_index = jax.random.randint(ks[1], (2, E), 0, N, dtype=jnp.int64 if jax.config.jax_enable_x64 else jnp.int32)
    s = 1.0 / np.sqrt(D)
    We = jax.random.uniform(ks[2], (D, D), jnp.float32, -s, s)
    be = jax.random.uniform(ks[3], (D,), jnp.float32, -s, s)
    W1 = jax.random.uniform(ks[4], (D, D), jnp.float32, -s, s)
    b1 = jnp.zeros((D,), jnp.float32)
    W2 = jax.random.uniform(ks[5], (D, D), jnp.float32, -s, s)
    b2 = jnp.zeros((D,), jnp.float32)
    W3 = jax.random.uniform(ks[6], (D, D), jnp.float32, -s, s)
    b3 = jnp.zeros((D,), jnp.float32)
    Wd = jax.random.uniform(ks[7], (D, 1), jnp.float32, -s, s)
    bd = jax.random.uniform(ks[8], (1,), jnp.float32, -s, s)
    return {"x": x, "edge_index": edge_index, "We": We, "be": be, "W1": W1, "b1": b1, "W2": W2, "b2": b2, "W3": W3, "b3": b3, "Wd": Wd, "bd": bd}

def _gcn_conv(x, src, dst, norm, W, b):
    h = x @ W
    msg = h[src] * norm[:, None]
    out = jnp.zeros_like(h).at[dst].add(msg)
    return out + b

def reference(x, edge_index, We, be, W1, b1, W2, b2, W3, b3, Wd, bd):
    n = x.shape[0]
    loop = jnp.arange(n, dtype=edge_index.dtype)
    src = jnp.concatenate([edge_index[0], loop])
    dst = jnp.concatenate([edge_index[1], loop])
    deg = jnp.zeros((n,), jnp.float32).at[dst].add(1.0)
    dinv = jnp.where(deg > 0, 1.0 / jnp.sqrt(deg), 0.0)
    norm = dinv[src] * dinv[dst]
    h = x @ We + be
    x0 = _gcn_conv(h, src, dst, norm, W1, b1)
    x0a = jax.nn.relu(x0)
    x1 = _gcn_conv(x0a, src, dst, norm, W2, b2)
    out = jax.nn.relu(x1)
    out = _gcn_conv(out, src, dst, norm, W3, b3)
    out = jax.nn.relu(out)
    return out @ Wd + bd

if __name__ == "__main__":
    import jax
    _d = setup_inputs()
    print(jax.jit(kernel)(*tuple(_d.values())))

</pallas_src>

<mosaic_0001>
#map = affine_map<(d0, d1) -> (0, 0)>
#map1 = affine_map<(d0, d1) -> (0, 0, 0)>
module attributes {stable_mosaic.version = 14 : i64} {
  func.func @_sc_scatter(%arg0: i32, %arg1: i32, %arg2: memref<10000x128xf32, #tpu.memory_space<hbm>>, %arg3: memref<32x80x128xi32, #tpu.memory_space<hbm>>, %arg4: memref<32x80x128xi32, #tpu.memory_space<hbm>>, %arg5: memref<640x128xf32, #tpu.memory_space<hbm>>, %arg6: memref<2x10240x128xf32, #tpu.memory_space<hbm>>, %arg7: memref<40x128xi32, #tpu.memory_space<vmem>>, %arg8: memref<40x128xi32, #tpu.memory_space<vmem>>, %arg9: memref<128x128xf32, #tpu.memory_space<vmem>>, %arg10: memref<128x128xf32, #tpu.memory_space<vmem>>, %arg11: memref<!tpu.dma_semaphore, #tpu.memory_space<semaphore_mem>>, %arg12: memref<!tpu.dma_semaphore, #tpu.memory_space<semaphore_mem>>, %arg13: memref<10240x128xf32, #tpu.memory_space<vmem_shared>>) attributes {dimension_semantics = [#tpu.dimension_semantics<core_parallel>, #tpu.dimension_semantics<subcore_parallel>], iteration_bounds = array<i64: 2, 16>, scalar_prefetch = 0 : i64, scratch_operands = 7 : i64, tpu.core_type = #tpu.core_type<sc_vector_subcore>, window_params = [{transform_indices = #map}, {transform_indices = #map1}, {transform_indices = #map1}, {transform_indices = #map}, {transform_indices = #map1}]} {
    %mul3A = arith.constant 16 : i32
    %mul3A_0 = arith.muli %arg0, %mul3A : i32
    %add3A = arith.addi %mul3A_0, %arg1 : i32
    %mul3A_1 = arith.constant 640 : i32
    %mul3A_2 = arith.muli %arg1, %mul3A_1 : i32
    "tpu.region"() ({
      %run_scoped3A = tpu.sem_alloc : memref<!tpu.dma_semaphore, #tpu.memory_space<semaphore_mem>>
      %dma_start3A_39 = arith.constant 0 : i32
      %dma_start3A_40 = tpu.memref_slice %arg13[%mul3A_2, %dma_start3A_39] : memref<10240x128xf32, #tpu.memory_space<vmem_shared>> -> memref<640x128xf32, #tpu.memory_space<vmem_shared>>
      tpu.enqueue_dma source(%arg5 : memref<640x128xf32, #tpu.memory_space<hbm>>) target(%dma_start3A_40 : memref<640x128xf32, #tpu.memory_space<vmem_shared>>) target_semaphore(%run_scoped3A : memref<!tpu.dma_semaphore, #tpu.memory_space<semaphore_mem>>)
      %dma_wait3A_41 = arith.constant 0 : i32
      %dma_wait3A_42 = tpu.memref_slice %arg13[%mul3A_2, %dma_wait3A_41] : memref<10240x128xf32, #tpu.memory_space<vmem_shared>> -> memref<640x128xf32, #tpu.memory_space<vmem_shared>>
      tpu.wait_dma2 semaphore(%run_scoped3A : memref<!tpu.dma_semaphore, #tpu.memory_space<semaphore_mem>>) src(%arg5 : memref<640x128xf32, #tpu.memory_space<hbm>>) dst(%dma_wait3A_42 : memref<640x128xf32, #tpu.memory_space<vmem_shared>>)
      tpu.yield
    }) : () -> ()
    %barrier3A = arith.constant 0 : index
    tpu.barrier barrier_id(%barrier3A)
    "tpu.region"() ({
      %run_scoped3A = tpu.sem_alloc : memref<!tpu.dma_semaphore, #tpu.memory_space<semaphore_mem>>
      %dma_start3A_39 = arith.constant 0 : i32
      %dma_start3A_40 = arith.constant 0 : i32
      %dma_start3A_41 = tpu.memref_slice %arg3[%add3A, %dma_start3A_39, %dma_start3A_40] : memref<32x80x128xi32, #tpu.memory_space<hbm>> -> memref<1x40x128xi32, #tpu.memory_space<hbm>>
      %dma_start3A_42 = tpu.memref_squeeze %dma_start3A_41 : memref<1x40x128xi32, #tpu.memory_space<hbm>> -> memref<40x128xi32, #tpu.memory_space<hbm>>
      %dma_start3A_43 = arith.constant 0 : i32
      %dma_start3A_44 = arith.constant 0 : i32
      %dma_start3A_45 = tpu.memref_slice %arg3[%add3A, %dma_start3A_43, %dma_start3A_44] : memref<32x80x128xi32, #tpu.memory_space<hbm>> -> memref<1x40x128xi32, #tpu.memory_space<hbm>>
      %dma_start3A_46 = tpu.memref_squeeze %dma_start3A_45 : memref<1x40x128xi32, #tpu.memory_space<hbm>> -> memref<40x128xi32, #tpu.memory_space<hbm>>
      tpu.enqueue_dma source(%dma_start3A_46 : memref<40x128xi32, #tpu.memory_space<hbm>>) target(%arg7 : memref<40x128xi32, #tpu.memory_space<vmem>>) target_semaphore(%run_scoped3A : memref<!tpu.dma_semaphore, #tpu.memory_space<semaphore_mem>>)
      %dma_wait3A_47 = arith.constant 0 : i32
      %dma_wait3A_48 = arith.constant 0 : i32
      %dma_wait3A_49 = tpu.memref_slice %arg3[%add3A, %dma_wait3A_47, %dma_wait3A_48] : memref<32x80x128xi32, #tpu.memory_space<hbm>> -> memref<1x40x128xi32, #tpu.memory_space<hbm>>
      %dma_wait3A_50 = tpu.memref_squeeze %dma_wait3A_49 : memref<1x40x128xi32, #tpu.memory_space<hbm>> -> memref<40x128xi32, #tpu.memory_space<hbm>>
      %dma_wait3A_51 = arith.constant 0 : i32
      %dma_wait3A_52 = arith.constant 0 : i32
      %dma_wait3A_53 = tpu.memref_slice %arg3[%add3A, %dma_wait3A_51, %dma_wait3A_52] : memref<32x80x128xi32, #tpu.memory_space<hbm>> -> memref<1x40x128xi32, #tpu.memory_space<hbm>>
      %dma_wait3A_54 = tpu.memref_squeeze %dma_wait3A_53 : memref<1x40x128xi32, #tpu.memory_space<hbm>> -> memref<40x128xi32, #tpu.memory_space<hbm>>
      tpu.wait_dma2 semaphore(%run_scoped3A : memref<!tpu.dma_semaphore, #tpu.memory_space<semaphore_mem>>) src(%dma_wait3A_54 : memref<40x128xi32, #tpu.memory_space<hbm>>) dst(%arg7 : memref<40x128xi32, #tpu.memory_space<vmem>>)
      tpu.yield
    }) : () -> ()
    "tpu.region"() ({
      %run_scoped3A = tpu.sem_alloc : memref<!tpu.dma_semaphore, #tpu.memory_space<semaphore_mem>>
      %dma_start3A_39 = arith.constant 0 : i32
      %dma_start3A_40 = arith.constant 0 : i32
      %dma_start3A_41 = tpu.memref_slice %arg4[%add3A, %dma_start3A_39, %dma_start3A_40] : memref<32x80x128xi32, #tpu.memory_space<hbm>> -> memref<1x40x128xi32, #tpu.memory_space<hbm>>
      %dma_start3A_42 = tpu.memref_squeeze %dma_start3A_41 : memref<1x40x128xi32, #tpu.memory_space<hbm>> -> memref<40x128xi32, #tpu.memory_space<hbm>>
      %dma_start3A_43 = arith.constant 0 : i32
      %dma_start3A_44 = arith.constant 0 : i32
      %dma_start3A_45 = tpu.memref_slice %arg4[%add3A, %dma_start3A_43, %dma_start3A_44] : memref<32x80x128xi32, #tpu.memory_space<hbm>> -> memref<1x40x128xi32, #tpu.memory_space<hbm>>
      %dma_start3A_46 = tpu.memref_squeeze %dma_start3A_45 : memref<1x40x128xi32, #tpu.memory_space<hbm>> -> memref<40x128xi32, #tpu.memory_space<hbm>>
      tpu.enqueue_dma source(%dma_start3A_46 : memref<40x128xi32, #tpu.memory_space<hbm>>) target(%arg8 : memref<40x128xi32, #tpu.memory_space<vmem>>) target_semaphore(%run_scoped3A : memref<!tpu.dma_semaphore, #tpu.memory_space<semaphore_mem>>)
      %dma_wait3A_47 = arith.constant 0 : i32
      %dma_wait3A_48 = arith.constant 0 : i32
      %dma_wait3A_49 = tpu.memref_slice %arg4[%add3A, %dma_wait3A_47, %dma_wait3A_48] : memref<32x80x128xi32, #tpu.memory_space<hbm>> -> memref<1x40x128xi32, #tpu.memory_space<hbm>>
      %dma_wait3A_50 = tpu.memref_squeeze %dma_wait3A_49 : memref<1x40x128xi32, #tpu.memory_space<hbm>> -> memref<40x128xi32, #tpu.memory_space<hbm>>
      %dma_wait3A_51 = arith.constant 0 : i32
      %dma_wait3A_52 = arith.constant 0 : i32
      %dma_wait3A_53 = tpu.memref_slice %arg4[%add3A, %dma_wait3A_51, %dma_wait3A_52] : memref<32x80x128xi32, #tpu.memory_space<hbm>> -> memref<1x40x128xi32, #tpu.memory_space<hbm>>
      %dma_wait3A_54 = tpu.memref_squeeze %dma_wait3A_53 : memref<1x40x128xi32, #tpu.memory_space<hbm>> -> memref<40x128xi32, #tpu.memory_space<hbm>>
      tpu.wait_dma2 semaphore(%run_scoped3A : memref<!tpu.dma_semaphore, #tpu.memory_space<semaphore_mem>>) src(%dma_wait3A_54 : memref<40x128xi32, #tpu.memory_space<hbm>>) dst(%arg8 : memref<40x128xi32, #tpu.memory_space<vmem>>)
      tpu.yield
    }) : () -> ()
    %dma_start3A = arith.constant 0 : i32
    %dma_start3A_3 = arith.constant 0 : i32
    %dma_start3A_4 = tpu.memref_slice %arg7[%dma_start3A, %dma_start3A_3] : memref<40x128xi32, #tpu.memory_space<vmem>> -> memref<1x128xi32, #tpu.memory_space<vmem>>
    %dma_start3A_5 = tpu.memref_squeeze %dma_start3A_4 : memref<1x128xi32, #tpu.memory_space<vmem>> -> memref<128xi32, #tpu.memory_space<vmem>>
    %dma_start3A_6 = arith.constant 0 : i32
    %dma_start3A_7 = arith.constant 0 : i32
    %dma_start3A_8 = tpu.memref_slice %arg2[%dma_start3A_6, %dma_start3A_7] : memref<10000x128xf32, #tpu.memory_space<hbm>> -> memref<10000x128xf32, #tpu.memory_space<hbm>>
    tpu.enqueue_indirect_dma source(%dma_start3A_8 : memref<10000x128xf32, #tpu.memory_space<hbm>>) target(%arg9 : memref<128x128xf32, #tpu.memory_space<vmem>>) offsets(%dma_start3A_5 : memref<128xi32, #tpu.memory_space<vmem>>) semaphore(%arg11 : memref<!tpu.dma_semaphore, #tpu.memory_space<semaphore_mem>>)
    %scan3A = arith.constant 0 : i32
    %scan3A_9 = arith.constant 20 : i32
    %scan3A_10 = arith.addi %scan3A, %scan3A_9 : i32
    %scan3A_11 = arith.constant 1 : i32
    scf.for %scan3A_39 = %scan3A to %scan3A_10 step %scan3A_11  : i32 {
      %mul3A_40 = arith.constant 2 : i32
      %mul3A_41 = arith.muli %scan3A_39, %mul3A_40 : i32
      %add3A_42 = arith.constant 0 : i32
      %add3A_43 = arith.addi %add3A_42, %mul3A_41 : i32
      %add3A_44 = arith.constant 0 : i32
      %add3A_45 = arith.addi %add3A_43, %add3A_44 : i32
      %gt3A = arith.constant 0 : i32
      %gt3A_46 = arith.cmpi sgt, %add3A_43, %gt3A : i32
      %convert_element_type3A = arith.extui %gt3A_46 : i1 to i32
      %cond3A = arith.constant 0 : i32
      %cond3A_47 = arith.cmpi ne, %convert_element_type3A, %cond3A : i32
      scf.if %cond3A_47 {
        %dma_wait3A_92 = arith.constant 0 : i32
        %dma_wait3A_93 = tpu.memref_slice %arg8[%add3A_45, %dma_wait3A_92] : memref<40x128xi32, #tpu.memory_space<vmem>> -> memref<1x128xi32, #tpu.memory_space<vmem>>
        %dma_wait3A_94 = tpu.memref_squeeze %dma_wait3A_93 : memref<1x128xi32, #tpu.memory_space<vmem>> -> memref<128xi32, #tpu.memory_space<vmem>>
        %dma_wait3A_95 = arith.constant 0 : i32
        %dma_wait3A_96 = arith.constant 0 : i32
        %dma_wait3A_97 = tpu.memref_slice %arg13[%dma_wait3A_95, %dma_wait3A_96] : memref<10240x128xf32, #tpu.memory_space<vmem_shared>> -> memref<10240x128xf32, #tpu.memory_space<vmem_shared>>
        tpu.wait_indirect_dma semaphore(%arg12 : memref<!tpu.dma_semaphore, #tpu.memory_space<semaphore_mem>>) src(%arg10 : memref<128x128xf32, #tpu.memory_space<vmem>>) dst(%dma_wait3A_97 : memref<10240x128xf32, #tpu.memory_space<vmem_shared>>)
      } else {
      }
      %add3A_48 = arith.constant 1 : i32
      %add3A_49 = arith.addi %add3A_45, %add3A_48 : i32
      %dma_start3A_50 = arith.constant 0 : i32
      %dma_start3A_51 = tpu.memref_slice %arg7[%add3A_49, %dma_start3A_50] : memref<40x128xi32, #tpu.memory_space<vmem>> -> memref<1x128xi32, #tpu.memory_space<vmem>>
      %dma_start3A_52 = tpu.memref_squeeze %dma_start3A_51 : memref<1x128xi32, #tpu.memory_space<vmem>> -> memref<128xi32, #tpu.memory_space<vmem>>
      %dma_start3A_53 = arith.constant 0 : i32
      %dma_start3A_54 = arith.constant 0 : i32
      %dma_start3A_55 = tpu.memref_slice %arg2[%dma_start3A_53, %dma_start3A_54] : memref<10000x128xf32, #tpu.memory_space<hbm>> -> memref<10000x128xf32, #tpu.memory_space<hbm>>
      tpu.enqueue_indirect_dma source(%dma_start3A_55 : memref<10000x128xf32, #tpu.memory_space<hbm>>) target(%arg10 : memref<128x128xf32, #tpu.memory_space<vmem>>) offsets(%dma_start3A_52 : memref<128xi32, #tpu.memory_space<vmem>>) semaphore(%arg11 : memref<!tpu.dma_semaphore, #tpu.memory_space<semaphore_mem>>)
      %dma_wait3A_56 = arith.constant 0 : i32
      %dma_wait3A_57 = tpu.memref_slice %arg7[%add3A_45, %dma_wait3A_56] : memref<40x128xi32, #tpu.memory_space<vmem>> -> memref<1x128xi32, #tpu.memory_space<vmem>>
      %dma_wait3A_58 = tpu.memref_squeeze %dma_wait3A_57 : memref<1x128xi32, #tpu.memory_space<vmem>> -> memref<128xi32, #tpu.memory_space<vmem>>
      %dma_wait3A_59 = arith.constant 0 : i32
      %dma_wait3A_60 = arith.constant 0 : i32
      %dma_wait3A_61 = tpu.memref_slice %arg2[%dma_wait3A_59, %dma_wait3A_60] : memref<10000x128xf32, #tpu.memory_space<hbm>> -> memref<10000x128xf32, #tpu.memory_space<hbm>>
      tpu.wait_indirect_dma semaphore(%arg11 : memref<!tpu.dma_semaphore, #tpu.memory_space<semaphore_mem>>) src(%dma_wait3A_61 : memref<10000x128xf32, #tpu.memory_space<hbm>>) dst(%arg9 : memref<128x128xf32, #tpu.memory_space<vmem>>)
      %dma_start3A_62 = arith.constant 0 : i32
      %dma_start3A_63 = tpu.memref_slice %arg8[%add3A_45, %dma_start3A_62] : memref<40x128xi32, #tpu.memory_space<vmem>> -> memref<1x128xi32, #tpu.memory_space<vmem>>
      %dma_start3A_64 = tpu.memref_squeeze %dma_start3A_63 : memref<1x128xi32, #tpu.memory_space<vmem>> -> memref<128xi32, #tpu.memory_space<vmem>>
      %dma_start3A_65 = arith.constant 0 : i32
      %dma_start3A_66 = arith.constant 0 : i32
      %dma_start3A_67 = tpu.memref_slice %arg13[%dma_start3A_65, %dma_start3A_66] : memref<10240x128xf32, #tpu.memory_space<vmem_shared>> -> memref<10240x128xf32, #tpu.memory_space<vmem_shared>>
      tpu.enqueue_indirect_dma source(%arg9 : memref<128x128xf32, #tpu.memory_space<vmem>>) target(%dma_start3A_67 : memref<10240x128xf32, #tpu.memory_space<vmem_shared>>) offsets(%dma_start3A_64 : memref<128xi32, #tpu.memory_space<vmem>>) semaphore(%arg12 : memref<!tpu.dma_semaphore, #tpu.memory_space<semaphore_mem>>) {add = true}
      %add3A_68 = arith.constant 1 : i32
      %add3A_69 = arith.addi %add3A_43, %add3A_68 : i32
      %dma_wait3A_70 = arith.constant 0 : i32
      %dma_wait3A_71 = tpu.memref_slice %arg8[%add3A_69, %dma_wait3A_70] : memref<40x128xi32, #tpu.memory_space<vmem>> -> memref<1x128xi32, #tpu.memory_space<vmem>>
      %dma_wait3A_72 = tpu.memref_squeeze %dma_wait3A_71 : memref<1x128xi32, #tpu.memory_space<vmem>> -> memref<128xi32, #tpu.memory_space<vmem>>
      %dma_wait3A_73 = arith.constant 0 : i32
      %dma_wait3A_74 = arith.constant 0 : i32
      %dma_wait3A_75 = tpu.memref_slice %arg13[%dma_wait3A_73, %dma_wait3A_74] : memref<10240x128xf32, #tpu.memory_space<vmem_shared>> -> memref<10240x128xf32, #tpu.memory_space<vmem_shared>>
      tpu.wait_indirect_dma semaphore(%arg12 : memref<!tpu.dma_semaphore, #tpu.memory_space<semaphore_mem>>) src(%arg9 : memref<128x128xf32, #tpu.memory_space<vmem>>) dst(%dma_wait3A_75 : memref<10240x128xf32, #tpu.memory_space<vmem_shared>>)
      %lt3A = arith.constant 38 : i32
      %lt3A_76 = arith.cmpi slt, %add3A_43, %lt3A : i32
      %convert_element_type3A_77 = arith.extui %lt3A_76 : i1 to i32
      %cond3A_78 = arith.constant 0 : i32
      %cond3A_79 = arith.cmpi ne, %convert_element_type3A_77, %cond3A_78 : i32
      scf.if %cond3A_79 {
        %add3A_92 = arith.constant 1 : i32
        %add3A_93 = arith.addi %add3A_69, %add3A_92 : i32
        %dma_start3A_94 = arith.constant 0 : i32
        %dma_start3A_95 = tpu.memref_slice %arg7[%add3A_93, %dma_start3A_94] : memref<40x128xi32, #tpu.memory_space<vmem>> -> memref<1x128xi32, #tpu.memory_space<vmem>>
        %dma_start3A_96 = tpu.memref_squeeze %dma_start3A_95 : memref<1x128xi32, #tpu.memory_space<vmem>> -> memref<128xi32, #tpu.memory_space<vmem>>
        %dma_start3A_97 = arith.constant 0 : i32
        %dma_start3A_98 = arith.constant 0 : i32
        %dma_start3A_99 = tpu.memref_slice %arg2[%dma_start3A_97, %dma_start3A_98] : memref<10000x128xf32, #tpu.memory_space<hbm>> -> memref<10000x128xf32, #tpu.memory_space<hbm>>
        tpu.enqueue_indirect_dma source(%dma_start3A_99 : memref<10000x128xf32, #tpu.memory_space<hbm>>) target(%arg9 : memref<128x128xf32, #tpu.memory_space<vmem>>) offsets(%dma_start3A_96 : memref<128xi32, #tpu.memory_space<vmem>>) semaphore(%arg11 : memref<!tpu.dma_semaphore, #tpu.memory_space<semaphore_mem>>)
      } else {
      }
      %dma_wait3A_80 = arith.constant 0 : i32
      %dma_wait3A_81 = tpu.memref_slice %arg7[%add3A_69, %dma_wait3A_80] : memref<40x128xi32, #tpu.memory_space<vmem>> -> memref<1x128xi32, #tpu.memory_space<vmem>>
      %dma_wait3A_82 = tpu.memref_squeeze %dma_wait3A_81 : memref<1x128xi32, #tpu.memory_space<vmem>> -> memref<128xi32, #tpu.memory_space<vmem>>
      %dma_wait3A_83 = arith.constant 0 : i32
      %dma_wait3A_84 = arith.constant 0 : i32
      %dma_wait3A_85 = tpu.memref_slice %arg2[%dma_wait3A_83, %dma_wait3A_84] : memref<10000x128xf32, #tpu.memory_space<hbm>> -> memref<10000x128xf32, #tpu.memory_space<hbm>>
      tpu.wait_indirect_dma semaphore(%arg11 : memref<!tpu.dma_semaphore, #tpu.memory_space<semaphore_mem>>) src(%dma_wait3A_85 : memref<10000x128xf32, #tpu.memory_space<hbm>>) dst(%arg10 : memref<128x128xf32, #tpu.memory_space<vmem>>)
      %dma_start3A_86 = arith.constant 0 : i32
      %dma_start3A_87 = tpu.memref_slice %arg8[%add3A_69, %dma_start3A_86] : memref<40x128xi32, #tpu.memory_space<vmem>> -> memref<1x128xi32, #tpu.memory_space<vmem>>
      %dma_start3A_88 = tpu.memref_squeeze %dma_start3A_87 : memref<1x128xi32, #tpu.memory_space<vmem>> -> memref<128xi32, #tpu.memory_space<vmem>>
      %dma_start3A_89 = arith.constant 0 : i32
      %dma_start3A_90 = arith.constant 0 : i32
      %dma_start3A_91 = tpu.memref_slice %arg13[%dma_start3A_89, %dma_start3A_90] : memref<10240x128xf32, #tpu.memory_space<vmem_shared>> -> memref<10240x128xf32, #tpu.memory_space<vmem_shared>>
      tpu.enqueue_indirect_dma source(%arg10 : memref<128x128xf32, #tpu.memory_space<vmem>>) target(%dma_start3A_91 : memref<10240x128xf32, #tpu.memory_space<vmem_shared>>) offsets(%dma_start3A_88 : memref<128xi32, #tpu.memory_space<vmem>>) semaphore(%arg12 : memref<!tpu.dma_semaphore, #tpu.memory_space<semaphore_mem>>) {add = true}
    }
    %scan3A_12 = arith.constant 20 : i32
    %dma_wait3A = arith.constant 39 : i32
    %dma_wait3A_13 = arith.constant 0 : i32
    %dma_wait3A_14 = tpu.memref_slice %arg8[%dma_wait3A, %dma_wait3A_13] : memref<40x128xi32, #tpu.memory_space<vmem>> -> memref<1x128xi32, #tpu.memory_space<vmem>>
    %dma_wait3A_15 = tpu.memref_squeeze %dma_wait3A_14 : memref<1x128xi32, #tpu.memory_space<vmem>> -> memref<128xi32, #tpu.memory_space<vmem>>
    %dma_wait3A_16 = arith.constant 0 : i32
    %dma_wait3A_17 = arith.constant 0 : i32
    %dma_wait3A_18 = tpu.memref_slice %arg13[%dma_wait3A_16, %dma_wait3A_17] : memref<10240x128xf32, #tpu.memory_space<vmem_shared>> -> memref<10240x128xf32, #tpu.memory_space<vmem_shared>>
    tpu.wait_indirect_dma semaphore(%arg12 : memref<!tpu.dma_semaphore, #tpu.memory_space<semaphore_mem>>) src(%arg10 : memref<128x128xf32, #tpu.memory_space<vmem>>) dst(%dma_wait3A_18 : memref<10240x128xf32, #tpu.memory_space<vmem_shared>>)
    "tpu.region"() ({
      %run_scoped3A = tpu.sem_alloc : memref<!tpu.dma_semaphore, #tpu.memory_space<semaphore_mem>>
      %dma_start3A_39 = arith.constant 40 : i32
      %dma_start3A_40 = arith.constant 0 : i32
      %dma_start3A_41 = tpu.memref_slice %arg3[%add3A, %dma_start3A_39, %dma_start3A_40] : memref<32x80x128xi32, #tpu.memory_space<hbm>> -> memref<1x40x128xi32, #tpu.memory_space<hbm>>
      %dma_start3A_42 = tpu.memref_squeeze %dma_start3A_41 : memref<1x40x128xi32, #tpu.memory_space<hbm>> -> memref<40x128xi32, #tpu.memory_space<hbm>>
      %dma_start3A_43 = arith.constant 40 : i32
      %dma_start3A_44 = arith.constant 0 : i32
      %dma_start3A_45 = tpu.memref_slice %arg3[%add3A, %dma_start3A_43, %dma_start3A_44] : memref<32x80x128xi32, #tpu.memory_space<hbm>> -> memref<1x40x128xi32, #tpu.memory_space<hbm>>
      %dma_start3A_46 = tpu.memref_squeeze %dma_start3A_45 : memref<1x40x128xi32, #tpu.memory_space<hbm>> -> memref<40x128xi32, #tpu.memory_space<hbm>>
      tpu.enqueue_dma source(%dma_start3A_46 : memref<40x128xi32, #tpu.memory_space<hbm>>) target(%arg7 : memref<40x128xi32, #tpu.memory_space<vmem>>) target_semaphore(%run_scoped3A : memref<!tpu.dma_semaphore, #tpu.memory_space<semaphore_mem>>)
      %dma_wait3A_47 = arith.constant 40 : i32
      %dma_wait3A_48 = arith.constant 0 : i32
      %dma_wait3A_49 = tpu.memref_slice %arg3[%add3A, %dma_wait3A_47, %dma_wait3A_48] : memref<32x80x128xi32, #tpu.memory_space<hbm>> -> memref<1x40x128xi32, #tpu.memory_space<hbm>>
      %dma_wait3A_50 = tpu.memref_squeeze %dma_wait3A_49 : memref<1x40x128xi32, #tpu.memory_space<hbm>> -> memref<40x128xi32, #tpu.memory_space<hbm>>
      %dma_wait3A_51 = arith.constant 40 : i32
      %dma_wait3A_52 = arith.constant 0 : i32
      %dma_wait3A_53 = tpu.memref_slice %arg3[%add3A, %dma_wait3A_51, %dma_wait3A_52] : memref<32x80x128xi32, #tpu.memory_space<hbm>> -> memref<1x40x128xi32, #tpu.memory_space<hbm>>
      %dma_wait3A_54 = tpu.memref_squeeze %dma_wait3A_53 : memref<1x40x128xi32, #tpu.memory_space<hbm>> -> memref<40x128xi32, #tpu.memory_space<hbm>>
      tpu.wait_dma2 semaphore(%run_scoped3A : memref<!tpu.dma_semaphore, #tpu.memory_space<semaphore_mem>>) src(%dma_wait3A_54 : memref<40x128xi32, #tpu.memory_space<hbm>>) dst(%arg7 : memref<40x128xi32, #tpu.memory_space<vmem>>)
      tpu.yield
    }) : () -> ()
    "tpu.region"() ({
      %run_scoped3A = tpu.sem_alloc : memref<!tpu.dma_semaphore, #tpu.memory_space<semaphore_mem>>
      %dma_start3A_39 = arith.constant 40 : i32
      %dma_start3A_40 = arith.constant 0 : i32
      %dma_start3A_41 = tpu.memref_slice %arg4[%add3A, %dma_start3A_39, %dma_start3A_40] : memref<32x80x128xi32, #tpu.memory_space<hbm>> -> memref<1x40x128xi32, #tpu.memory_space<hbm>>
      %dma_start3A_42 = tpu.memref_squeeze %dma_start3A_41 : memref<1x40x128xi32, #tpu.memory_space<hbm>> -> memref<40x128xi32, #tpu.memory_space<hbm>>
      %dma_start3A_43 = arith.constant 40 : i32
      %dma_start3A_44 = arith.constant 0 : i32
      %dma_start3A_45 = tpu.memref_slice %arg4[%add3A, %dma_start3A_43, %dma_start3A_44] : memref<32x80x128xi32, #tpu.memory_space<hbm>> -> memref<1x40x128xi32, #tpu.memory_space<hbm>>
      %dma_start3A_46 = tpu.memref_squeeze %dma_start3A_45 : memref<1x40x128xi32, #tpu.memory_space<hbm>> -> memref<40x128xi32, #tpu.memory_space<hbm>>
      tpu.enqueue_dma source(%dma_start3A_46 : memref<40x128xi32, #tpu.memory_space<hbm>>) target(%arg8 : memref<40x128xi32, #tpu.memory_space<vmem>>) target_semaphore(%run_scoped3A : memref<!tpu.dma_semaphore, #tpu.memory_space<semaphore_mem>>)
      %dma_wait3A_47 = arith.constant 40 : i32
      %dma_wait3A_48 = arith.constant 0 : i32
      %dma_wait3A_49 = tpu.memref_slice %arg4[%add3A, %dma_wait3A_47, %dma_wait3A_48] : memref<32x80x128xi32, #tpu.memory_space<hbm>> -> memref<1x40x128xi32, #tpu.memory_space<hbm>>
      %dma_wait3A_50 = tpu.memref_squeeze %dma_wait3A_49 : memref<1x40x128xi32, #tpu.memory_space<hbm>> -> memref<40x128xi32, #tpu.memory_space<hbm>>
      %dma_wait3A_51 = arith.constant 40 : i32
      %dma_wait3A_52 = arith.constant 0 : i32
      %dma_wait3A_53 = tpu.memref_slice %arg4[%add3A, %dma_wait3A_51, %dma_wait3A_52] : memref<32x80x128xi32, #tpu.memory_space<hbm>> -> memref<1x40x128xi32, #tpu.memory_space<hbm>>
      %dma_wait3A_54 = tpu.memref_squeeze %dma_wait3A_53 : memref<1x40x128xi32, #tpu.memory_space<hbm>> -> memref<40x128xi32, #tpu.memory_space<hbm>>
      tpu.wait_dma2 semaphore(%run_scoped3A : memref<!tpu.dma_semaphore, #tpu.memory_space<semaphore_mem>>) src(%dma_wait3A_54 : memref<40x128xi32, #tpu.memory_space<hbm>>) dst(%arg8 : memref<40x128xi32, #tpu.memory_space<vmem>>)
      tpu.yield
    }) : () -> ()
    %dma_start3A_19 = arith.constant 0 : i32
    %dma_start3A_20 = arith.constant 0 : i32
    %dma_start3A_21 = tpu.memref_slice %arg7[%dma_start3A_19, %dma_start3A_20] : memref<40x128xi32, #tpu.memory_space<vmem>> -> memref<1x128xi32, #tpu.memory_space<vmem>>
    %dma_start3A_22 = tpu.memref_squeeze %dma_start3A_21 : memref<1x128xi32, #tpu.memory_space<vmem>> -> memref<128xi32, #tpu.memory_space<vmem>>
    %dma_start3A_23 = arith.constant 0 : i32
    %dma_start3A_24 = arith.constant 0 : i32
    %dma_start3A_25 = tpu.memref_slice %arg2[%dma_start3A_23, %dma_start3A_24] : memref<10000x128xf32, #tpu.memory_space<hbm>> -> memref<10000x128xf32, #tpu.memory_space<hbm>>
    tpu.enqueue_indirect_dma source(%dma_start3A_25 : memref<10000x128xf32, #tpu.memory_space<hbm>>) target(%arg9 : memref<128x128xf32, #tpu.memory_space<vmem>>) offsets(%dma_start3A_22 : memref<128xi32, #tpu.memory_space<vmem>>) semaphore(%arg11 : memref<!tpu.dma_semaphore, #tpu.memory_space<semaphore_mem>>)
    %scan3A_26 = arith.constant 0 : i32
    %scan3A_27 = arith.constant 20 : i32
    %scan3A_28 = arith.addi %scan3A_26, %scan3A_27 : i32
    %scan3A_29 = arith.constant 1 : i32
    scf.for %scan3A_39 = %scan3A_26 to %scan3A_28 step %scan3A_29  : i32 {
      %mul3A_40 = arith.constant 2 : i32
      %mul3A_41 = arith.muli %scan3A_39, %mul3A_40 : i32
      %add3A_42 = arith.constant 0 : i32
      %add3A_43 = arith.addi %add3A_42, %mul3A_41 : i32
      %add3A_44 = arith.constant 0 : i32
      %add3A_45 = arith.addi %add3A_43, %add3A_44 : i32
      %gt3A = arith.constant 0 : i32
      %gt3A_46 = arith.cmpi sgt, %add3A_43, %gt3A : i32
      %convert_element_type3A = arith.extui %gt3A_46 : i1 to i32
      %cond3A = arith.constant 0 : i32
      %cond3A_47 = arith.cmpi ne, %convert_element_type3A, %cond3A : i32
      scf.if %cond3A_47 {
        %dma_wait3A_92 = arith.constant 0 : i32
        %dma_wait3A_93 = tpu.memref_slice %arg8[%add3A_45, %dma_wait3A_92] : memref<40x128xi32, #tpu.memory_space<vmem>> -> memref<1x128xi32, #tpu.memory_space<vmem>>
        %dma_wait3A_94 = tpu.memref_squeeze %dma_wait3A_93 : memref<1x128xi32, #tpu.memory_space<vmem>> -> memref<128xi32, #tpu.memory_space<vmem>>
        %dma_wait3A_95 = arith.constant 0 : i32
        %dma_wait3A_96 = arith.constant 0 : i32
        %dma_wait3A_97 = tpu.memref_slice %arg13[%dma_wait3A_95, %dma_wait3A_96] : memref<10240x128xf32, #tpu.memory_space<vmem_shared>> -> memref<10240x128xf32, #tpu.memory_space<vmem_shared>>
        tpu.wait_indirect_dma semaphore(%arg12 : memref<!tpu.dma_semaphore, #tpu.memory_space<semaphore_mem>>) src(%arg10 : memref<128x128xf32, #tpu.memory_space<vmem>>) dst(%dma_wait3A_97 : memref<10240x128xf32, #tpu.memory_space<vmem_shared>>)
      } else {
      }
      %add3A_48 = arith.constant 1 : i32
      %add3A_49 = arith.addi %add3A_45, %add3A_48 : i32
      %dma_start3A_50 = arith.constant 0 : i32
      %dma_start3A_51 = tpu.memref_slice %arg7[%add3A_49, %dma_start3A_50] : memref<40x128xi32, #tpu.memory_space<vmem>> -> memref<1x128xi32, #tpu.memory_space<vmem>>
      %dma_start3A_52 = tpu.memref_squeeze %dma_start3A_51 : memref<1x128xi32, #tpu.memory_space<vmem>> -> memref<128xi32, #tpu.memory_space<vmem>>
      %dma_start3A_53 = arith.constant 0 : i32
      %dma_start3A_54 = arith.constant 0 : i32
      %dma_start3A_55 = tpu.memref_slice %arg2[%dma_start3A_53, %dma_start3A_54] : memref<10000x128xf32, #tpu.memory_space<hbm>> -> memref<10000x128xf32, #tpu.memory_space<hbm>>
      tpu.enqueue_indirect_dma source(%dma_start3A_55 : memref<10000x128xf32, #tpu.memory_space<hbm>>) target(%arg10 : memref<128x128xf32, #tpu.memory_space<vmem>>) offsets(%dma_start3A_52 : memref<128xi32, #tpu.memory_space<vmem>>) semaphore(%arg11 : memref<!tpu.dma_semaphore, #tpu.memory_space<semaphore_mem>>)
      %dma_wait3A_56 = arith.constant 0 : i32
      %dma_wait3A_57 = tpu.memref_slice %arg7[%add3A_45, %dma_wait3A_56] : memref<40x128xi32, #tpu.memory_space<vmem>> -> memref<1x128xi32, #tpu.memory_space<vmem>>
      %dma_wait3A_58 = tpu.memref_squeeze %dma_wait3A_57 : memref<1x128xi32, #tpu.memory_space<vmem>> -> memref<128xi32, #tpu.memory_space<vmem>>
      %dma_wait3A_59 = arith.constant 0 : i32
      %dma_wait3A_60 = arith.constant 0 : i32
      %dma_wait3A_61 = tpu.memref_slice %arg2[%dma_wait3A_59, %dma_wait3A_60] : memref<10000x128xf32, #tpu.memory_space<hbm>> -> memref<10000x128xf32, #tpu.memory_space<hbm>>
      tpu.wait_indirect_dma semaphore(%arg11 : memref<!tpu.dma_semaphore, #tpu.memory_space<semaphore_mem>>) src(%dma_wait3A_61 : memref<10000x128xf32, #tpu.memory_space<hbm>>) dst(%arg9 : memref<128x128xf32, #tpu.memory_space<vmem>>)
      %dma_start3A_62 = arith.constant 0 : i32
      %dma_start3A_63 = tpu.memref_slice %arg8[%add3A_45, %dma_start3A_62] : memref<40x128xi32, #tpu.memory_space<vmem>> -> memref<1x128xi32, #tpu.memory_space<vmem>>
      %dma_start3A_64 = tpu.memref_squeeze %dma_start3A_63 : memref<1x128xi32, #tpu.memory_space<vmem>> -> memref<128xi32, #tpu.memory_space<vmem>>
      %dma_start3A_65 = arith.constant 0 : i32
      %dma_start3A_66 = arith.constant 0 : i32
      %dma_start3A_67 = tpu.memref_slice %arg13[%dma_start3A_65, %dma_start3A_66] : memref<10240x128xf32, #tpu.memory_space<vmem_shared>> -> memref<10240x128xf32, #tpu.memory_space<vmem_shared>>
      tpu.enqueue_indirect_dma source(%arg9 : memref<128x128xf32, #tpu.memory_space<vmem>>) target(%dma_start3A_67 : memref<10240x128xf32, #tpu.memory_space<vmem_shared>>) offsets(%dma_start3A_64 : memref<128xi32, #tpu.memory_space<vmem>>) semaphore(%arg12 : memref<!tpu.dma_semaphore, #tpu.memory_space<semaphore_mem>>) {add = true}
      %add3A_68 = arith.constant 1 : i32
      %add3A_69 = arith.addi %add3A_43, %add3A_68 : i32
      %dma_wait3A_70 = arith.constant 0 : i32
      %dma_wait3A_71 = tpu.memref_slice %arg8[%add3A_69, %dma_wait3A_70] : memref<40x128xi32, #tpu.memory_space<vmem>> -> memref<1x128xi32, #tpu.memory_space<vmem>>
      %dma_wait3A_72 = tpu.memref_squeeze %dma_wait3A_71 : memref<1x128xi32, #tpu.memory_space<vmem>> -> memref<128xi32, #tpu.memory_space<vmem>>
      %dma_wait3A_73 = arith.constant 0 : i32
      %dma_wait3A_74 = arith.constant 0 : i32
      %dma_wait3A_75 = tpu.memref_slice %arg13[%dma_wait3A_73, %dma_wait3A_74] : memref<10240x128xf32, #tpu.memory_space<vmem_shared>> -> memref<10240x128xf32, #tpu.memory_space<vmem_shared>>
      tpu.wait_indirect_dma semaphore(%arg12 : memref<!tpu.dma_semaphore, #tpu.memory_space<semaphore_mem>>) src(%arg9 : memref<128x128xf32, #tpu.memory_space<vmem>>) dst(%dma_wait3A_75 : memref<10240x128xf32, #tpu.memory_space<vmem_shared>>)
      %lt3A = arith.constant 38 : i32
      %lt3A_76 = arith.cmpi slt, %add3A_43, %lt3A : i32
      %convert_element_type3A_77 = arith.extui %lt3A_76 : i1 to i32
      %cond3A_78 = arith.constant 0 : i32
      %cond3A_79 = arith.cmpi ne, %convert_element_type3A_77, %cond3A_78 : i32
      scf.if %cond3A_79 {
        %add3A_92 = arith.constant 1 : i32
        %add3A_93 = arith.addi %add3A_69, %add3A_92 : i32
        %dma_start3A_94 = arith.constant 0 : i32
        %dma_start3A_95 = tpu.memref_slice %arg7[%add3A_93, %dma_start3A_94] : memref<40x128xi32, #tpu.memory_space<vmem>> -> memref<1x128xi32, #tpu.memory_space<vmem>>
        %dma_start3A_96 = tpu.memref_squeeze %dma_start3A_95 : memref<1x128xi32, #tpu.memory_space<vmem>> -> memref<128xi32, #tpu.memory_space<vmem>>
        %dma_start3A_97 = arith.constant 0 : i32
        %dma_start3A_98 = arith.constant 0 : i32
        %dma_start3A_99 = tpu.memref_slice %arg2[%dma_start3A_97, %dma_start3A_98] : memref<10000x128xf32, #tpu.memory_space<hbm>> -> memref<10000x128xf32, #tpu.memory_space<hbm>>
        tpu.enqueue_indirect_dma source(%dma_start3A_99 : memref<10000x128xf32, #tpu.memory_space<hbm>>) target(%arg9 : memref<128x128xf32, #tpu.memory_space<vmem>>) offsets(%dma_start3A_96 : memref<128xi32, #tpu.memory_space<vmem>>) semaphore(%arg11 : memref<!tpu.dma_semaphore, #tpu.memory_space<semaphore_mem>>)
      } else {
      }
      %dma_wait3A_80 = arith.constant 0 : i32
      %dma_wait3A_81 = tpu.memref_slice %arg7[%add3A_69, %dma_wait3A_80] : memref<40x128xi32, #tpu.memory_space<vmem>> -> memref<1x128xi32, #tpu.memory_space<vmem>>
      %dma_wait3A_82 = tpu.memref_squeeze %dma_wait3A_81 : memref<1x128xi32, #tpu.memory_space<vmem>> -> memref<128xi32, #tpu.memory_space<vmem>>
      %dma_wait3A_83 = arith.constant 0 : i32
      %dma_wait3A_84 = arith.constant 0 : i32
      %dma_wait3A_85 = tpu.memref_slice %arg2[%dma_wait3A_83, %dma_wait3A_84] : memref<10000x128xf32, #tpu.memory_space<hbm>> -> memref<10000x128xf32, #tpu.memory_space<hbm>>
      tpu.wait_indirect_dma semaphore(%arg11 : memref<!tpu.dma_semaphore, #tpu.memory_space<semaphore_mem>>) src(%dma_wait3A_85 : memref<10000x128xf32, #tpu.memory_space<hbm>>) dst(%arg10 : memref<128x128xf32, #tpu.memory_space<vmem>>)
      %dma_start3A_86 = arith.constant 0 : i32
      %dma_start3A_87 = tpu.memref_slice %arg8[%add3A_69, %dma_start3A_86] : memref<40x128xi32, #tpu.memory_space<vmem>> -> memref<1x128xi32, #tpu.memory_space<vmem>>
      %dma_start3A_88 = tpu.memref_squeeze %dma_start3A_87 : memref<1x128xi32, #tpu.memory_space<vmem>> -> memref<128xi32, #tpu.memory_space<vmem>>
      %dma_start3A_89 = arith.constant 0 : i32
      %dma_start3A_90 = arith.constant 0 : i32
      %dma_start3A_91 = tpu.memref_slice %arg13[%dma_start3A_89, %dma_start3A_90] : memref<10240x128xf32, #tpu.memory_space<vmem_shared>> -> memref<10240x128xf32, #tpu.memory_space<vmem_shared>>
      tpu.enqueue_indirect_dma source(%arg10 : memref<128x128xf32, #tpu.memory_space<vmem>>) target(%dma_start3A_91 : memref<10240x128xf32, #tpu.memory_space<vmem_shared>>) offsets(%dma_start3A_88 : memref<128xi32, #tpu.memory_space<vmem>>) semaphore(%arg12 : memref<!tpu.dma_semaphore, #tpu.memory_space<semaphore_mem>>) {add = true}
    }
    %scan3A_30 = arith.constant 20 : i32
    %dma_wait3A_31 = arith.constant 39 : i32
    %dma_wait3A_32 = arith.constant 0 : i32
    %dma_wait3A_33 = tpu.memref_slice %arg8[%dma_wait3A_31, %dma_wait3A_32] : memref<40x128xi32, #tpu.memory_space<vmem>> -> memref<1x128xi32, #tpu.memory_space<vmem>>
    %dma_wait3A_34 = tpu.memref_squeeze %dma_wait3A_33 : memref<1x128xi32, #tpu.memory_space<vmem>> -> memref<128xi32, #tpu.memory_space<vmem>>
    %dma_wait3A_35 = arith.constant 0 : i32
    %dma_wait3A_36 = arith.constant 0 : i32
    %dma_wait3A_37 = tpu.memref_slice %arg13[%dma_wait3A_35, %dma_wait3A_36] : memref<10240x128xf32, #tpu.memory_space<vmem_shared>> -> memref<10240x128xf32, #tpu.memory_space<vmem_shared>>
    tpu.wait_indirect_dma semaphore(%arg12 : memref<!tpu.dma_semaphore, #tpu.memory_space<semaphore_mem>>) src(%arg10 : memref<128x128xf32, #tpu.memory_space<vmem>>) dst(%dma_wait3A_37 : memref<10240x128xf32, #tpu.memory_space<vmem_shared>>)
    %barrier3A_38 = arith.constant 0 : index
    tpu.barrier barrier_id(%barrier3A_38)
    "tpu.region"() ({
      %run_scoped3A = tpu.sem_alloc : memref<!tpu.dma_semaphore, #tpu.memory_space<semaphore_mem>>
      %dma_start3A_39 = arith.constant 0 : i32
      %dma_start3A_40 = tpu.memref_slice %arg6[%arg0, %mul3A_2, %dma_start3A_39] : memref<2x10240x128xf32, #tpu.memory_space<hbm>> -> memref<1x640x128xf32, #tpu.memory_space<hbm>>
      %dma_start3A_41 = tpu.memref_squeeze %dma_start3A_40 : memref<1x640x128xf32, #tpu.memory_space<hbm>> -> memref<640x128xf32, #tpu.memory_space<hbm>>
      %dma_start3A_42 = arith.constant 0 : i32
      %dma_start3A_43 = tpu.memref_slice %arg13[%mul3A_2, %dma_start3A_42] : memref<10240x128xf32, #tpu.memory_space<vmem_shared>> -> memref<640x128xf32, #tpu.memory_space<vmem_shared>>
      tpu.enqueue_dma source(%dma_start3A_43 : memref<640x128xf32, #tpu.memory_space<vmem_shared>>) target(%dma_start3A_41 : memref<640x128xf32, #tpu.memory_space<hbm>>) target_semaphore(%run_scoped3A : memref<!tpu.dma_semaphore, #tpu.memory_space<semaphore_mem>>)
      %dma_wait3A_44 = arith.constant 0 : i32
      %dma_wait3A_45 = tpu.memref_slice %arg6[%arg0, %mul3A_2, %dma_wait3A_44] : memref<2x10240x128xf32, #tpu.memory_space<hbm>> -> memref<1x640x128xf32, #tpu.memory_space<hbm>>
      %dma_wait3A_46 = tpu.memref_squeeze %dma_wait3A_45 : memref<1x640x128xf32, #tpu.memory_space<hbm>> -> memref<640x128xf32, #tpu.memory_space<hbm>>
      %dma_wait3A_47 = arith.constant 0 : i32
      %dma_wait3A_48 = tpu.memref_slice %arg13[%mul3A_2, %dma_wait3A_47] : memref<10240x128xf32, #tpu.memory_space<vmem_shared>> -> memref<640x128xf32, #tpu.memory_space<vmem_shared>>
      tpu.wait_dma2 semaphore(%run_scoped3A : memref<!tpu.dma_semaphore, #tpu.memory_space<semaphore_mem>>) src(%dma_wait3A_48 : memref<640x128xf32, #tpu.memory_space<vmem_shared>>) dst(%dma_wait3A_46 : memref<640x128xf32, #tpu.memory_space<hbm>>)
      tpu.yield
    }) : () -> ()
    return
  }
}

#map = affine_map<(d0, d1) -> (0, 0, 0)>
#map1 = affine_map<(d0, d1) -> (0, 0)>
module attributes {stable_mosaic.version = 14 : i64} {
  func.func @_sc_degree(%arg0: i32, %arg1: i32, %arg2: memref<32x80x128xi32, #tpu.memory_space<hbm>>, %arg3: memref<640x16xf32, #tpu.memory_space<hbm>>, %arg4: memref<128x16xf32, #tpu.memory_space<hbm>>, %arg5: memref<2x10240x16xf32, #tpu.memory_space<hbm>>, %arg6: memref<80x128xi32, #tpu.memory_space<vmem>>, %arg7: memref<128x16xf32, #tpu.memory_space<vmem>>, %arg8: memref<10240x16xf32, #tpu.memory_space<vmem_shared>>) attributes {dimension_semantics = [#tpu.dimension_semantics<core_parallel>, #tpu.dimension_semantics<subcore_parallel>], iteration_bounds = array<i64: 2, 16>, scalar_prefetch = 0 : i64, scratch_operands = 3 : i64, tpu.core_type = #tpu.core_type<sc_vector_subcore>, window_params = [{transform_indices = #map}, {transform_indices = #map1}, {transform_indices = #map1}, {transform_indices = #map}]} {
    %mul3A = arith.constant 16 : i32
    %mul3A_0 = arith.muli %arg0, %mul3A : i32
    %add3A = arith.addi %mul3A_0, %arg1 : i32
    %mul3A_1 = arith.constant 640 : i32
    %mul3A_2 = arith.muli %arg1, %mul3A_1 : i32
    "tpu.region"() ({
      %run_scoped3A = tpu.sem_alloc : memref<!tpu.dma_semaphore, #tpu.memory_space<semaphore_mem>>
      %dma_start3A = arith.constant 0 : i32
      %dma_start3A_8 = tpu.memref_slice %arg8[%mul3A_2, %dma_start3A] : memref<10240x16xf32, #tpu.memory_space<vmem_shared>> -> memref<640x16xf32, #tpu.memory_space<vmem_shared>>
      tpu.enqueue_dma source(%arg3 : memref<640x16xf32, #tpu.memory_space<hbm>>) target(%dma_start3A_8 : memref<640x16xf32, #tpu.memory_space<vmem_shared>>) target_semaphore(%run_scoped3A : memref<!tpu.dma_semaphore, #tpu.memory_space<semaphore_mem>>)
      %dma_wait3A = arith.constant 0 : i32
      %dma_wait3A_9 = tpu.memref_slice %arg8[%mul3A_2, %dma_wait3A] : memref<10240x16xf32, #tpu.memory_space<vmem_shared>> -> memref<640x16xf32, #tpu.memory_space<vmem_shared>>
      tpu.wait_dma2 semaphore(%run_scoped3A : memref<!tpu.dma_semaphore, #tpu.memory_space<semaphore_mem>>) src(%arg3 : memref<640x16xf32, #tpu.memory_space<hbm>>) dst(%dma_wait3A_9 : memref<640x16xf32, #tpu.memory_space<vmem_shared>>)
      tpu.yield
    }) : () -> ()
    "tpu.region"() ({
      %run_scoped3A = tpu.sem_alloc : memref<!tpu.dma_semaphore, #tpu.memory_space<semaphore_mem>>
      tpu.enqueue_dma source(%arg4 : memref<128x16xf32, #tpu.memory_space<hbm>>) target(%arg7 : memref<128x16xf32, #tpu.memory_space<vmem>>) target_semaphore(%run_scoped3A : memref<!tpu.dma_semaphore, #tpu.memory_space<semaphore_mem>>)
      tpu.wait_dma2 semaphore(%run_scoped3A : memref<!tpu.dma_semaphore, #tpu.memory_space<semaphore_mem>>) src(%arg4 : memref<128x16xf32, #tpu.memory_space<hbm>>) dst(%arg7 : memref<128x16xf32, #tpu.memory_space<vmem>>)
      tpu.yield
    }) : () -> ()
    "tpu.region"() ({
      %run_scoped3A = tpu.sem_alloc : memref<!tpu.dma_semaphore, #tpu.memory_space<semaphore_mem>>
      %dma_start3A = arith.constant 0 : i32
      %dma_start3A_8 = arith.constant 0 : i32
      %dma_start3A_9 = tpu.memref_slice %arg2[%add3A, %dma_start3A, %dma_start3A_8] : memref<32x80x128xi32, #tpu.memory_space<hbm>> -> memref<1x80x128xi32, #tpu.memory_space<hbm>>
      %dma_start3A_10 = tpu.memref_squeeze %dma_start3A_9 : memref<1x80x128xi32, #tpu.memory_space<hbm>> -> memref<80x128xi32, #tpu.memory_space<hbm>>
      %dma_start3A_11 = arith.constant 0 : i32
      %dma_start3A_12 = arith.constant 0 : i32
      %dma_start3A_13 = tpu.memref_slice %arg2[%add3A, %dma_start3A_11, %dma_start3A_12] : memref<32x80x128xi32, #tpu.memory_space<hbm>> -> memref<1x80x128xi32, #tpu.memory_space<hbm>>
      %dma_start3A_14 = tpu.memref_squeeze %dma_start3A_13 : memref<1x80x128xi32, #tpu.memory_space<hbm>> -> memref<80x128xi32, #tpu.memory_space<hbm>>
      tpu.enqueue_dma source(%dma_start3A_14 : memref<80x128xi32, #tpu.memory_space<hbm>>) target(%arg6 : memref<80x128xi32, #tpu.memory_space<vmem>>) target_semaphore(%run_scoped3A : memref<!tpu.dma_semaphore, #tpu.memory_space<semaphore_mem>>)
      %dma_wait3A = arith.constant 0 : i32
      %dma_wait3A_15 = arith.constant 0 : i32
      %dma_wait3A_16 = tpu.memref_slice %arg2[%add3A, %dma_wait3A, %dma_wait3A_15] : memref<32x80x128xi32, #tpu.memory_space<hbm>> -> memref<1x80x128xi32, #tpu.memory_space<hbm>>
      %dma_wait3A_17 = tpu.memref_squeeze %dma_wait3A_16 : memref<1x80x128xi32, #tpu.memory_space<hbm>> -> memref<80x128xi32, #tpu.memory_space<hbm>>
      %dma_wait3A_18 = arith.constant 0 : i32
      %dma_wait3A_19 = arith.constant 0 : i32
      %dma_wait3A_20 = tpu.memref_slice %arg2[%add3A, %dma_wait3A_18, %dma_wait3A_19] : memref<32x80x128xi32, #tpu.memory_space<hbm>> -> memref<1x80x128xi32, #tpu.memory_space<hbm>>
      %dma_wait3A_21 = tpu.memref_squeeze %dma_wait3A_20 : memref<1x80x128xi32, #tpu.memory_space<hbm>> -> memref<80x128xi32, #tpu.memory_space<hbm>>
      tpu.wait_dma2 semaphore(%run_scoped3A : memref<!tpu.dma_semaphore, #tpu.memory_space<semaphore_mem>>) src(%dma_wait3A_21 : memref<80x128xi32, #tpu.memory_space<hbm>>) dst(%arg6 : memref<80x128xi32, #tpu.memory_space<vmem>>)
      tpu.yield
    }) : () -> ()
    %barrier3A = arith.constant 0 : index
    tpu.barrier barrier_id(%barrier3A)
    %scan3A = arith.constant 0 : i32
    %scan3A_3 = arith.constant 80 : i32
    %scan3A_4 = arith.addi %scan3A, %scan3A_3 : i32
    %scan3A_5 = arith.constant 1 : i32
    scf.for %scan3A_8 = %scan3A to %scan3A_4 step %scan3A_5  : i32 {
      %mul3A_9 = arith.constant 1 : i32
      %mul3A_10 = arith.muli %scan3A_8, %mul3A_9 : i32
      %add3A_11 = arith.constant 0 : i32
      %add3A_12 = arith.addi %add3A_11, %mul3A_10 : i32
      "tpu.region"() ({
        %run_scoped3A = tpu.sem_alloc : memref<!tpu.dma_semaphore, #tpu.memory_space<semaphore_mem>>
        %dma_start3A = arith.constant 0 : i32
        %dma_start3A_13 = tpu.memref_slice %arg6[%add3A_12, %dma_start3A] : memref<80x128xi32, #tpu.memory_space<vmem>> -> memref<1x128xi32, #tpu.memory_space<vmem>>
        %dma_start3A_14 = tpu.memref_squeeze %dma_start3A_13 : memref<1x128xi32, #tpu.memory_space<vmem>> -> memref<128xi32, #tpu.memory_space<vmem>>
        %dma_start3A_15 = arith.constant 0 : i32
        %dma_start3A_16 = arith.constant 0 : i32
        %dma_start3A_17 = tpu.memref_slice %arg8[%dma_start3A_15, %dma_start3A_16] : memref<10240x16xf32, #tpu.memory_space<vmem_shared>> -> memref<10240x16xf32, #tpu.memory_space<vmem_shared>>
        tpu.enqueue_indirect_dma source(%arg7 : memref<128x16xf32, #tpu.memory_space<vmem>>) target(%dma_start3A_17 : memref<10240x16xf32, #tpu.memory_space<vmem_shared>>) offsets(%dma_start3A_14 : memref<128xi32, #tpu.memory_space<vmem>>) semaphore(%run_scoped3A : memref<!tpu.dma_semaphore, #tpu.memory_space<semaphore_mem>>) {add = true}
        %dma_wait3A = arith.constant 0 : i32
        %dma_wait3A_18 = tpu.memref_slice %arg6[%add3A_12, %dma_wait3A] : memref<80x128xi32, #tpu.memory_space<vmem>> -> memref<1x128xi32, #tpu.memory_space<vmem>>
        %dma_wait3A_19 = tpu.memref_squeeze %dma_wait3A_18 : memref<1x128xi32, #tpu.memory_space<vmem>> -> memref<128xi32, #tpu.memory_space<vmem>>
        %dma_wait3A_20 = arith.constant 0 : i32
        %dma_wait3A_21 = arith.constant 0 : i32
        %dma_wait3A_22 = tpu.memref_slice %arg8[%dma_wait3A_20, %dma_wait3A_21] : memref<10240x16xf32, #tpu.memory_space<vmem_shared>> -> memref<10240x16xf32, #tpu.memory_space<vmem_shared>>
        tpu.wait_indirect_dma semaphore(%run_scoped3A : memref<!tpu.dma_semaphore, #tpu.memory_space<semaphore_mem>>) src(%arg7 : memref<128x16xf32, #tpu.memory_space<vmem>>) dst(%dma_wait3A_22 : memref<10240x16xf32, #tpu.memory_space<vmem_shared>>)
        tpu.yield
      }) : () -> ()
    }
    %scan3A_6 = arith.constant 80 : i32
    %barrier3A_7 = arith.constant 0 : index
    tpu.barrier barrier_id(%barrier3A_7)
    "tpu.region"() ({
      %run_scoped3A = tpu.sem_alloc : memref<!tpu.dma_semaphore, #tpu.memory_space<semaphore_mem>>
      %dma_start3A = arith.constant 0 : i32
      %dma_start3A_8 = tpu.memref_slice %arg5[%arg0, %mul3A_2, %dma_start3A] : memref<2x10240x16xf32, #tpu.memory_space<hbm>> -> memref<1x640x16xf32, #tpu.memory_space<hbm>>
      %dma_start3A_9 = tpu.memref_squeeze %dma_start3A_8 : memref<1x640x16xf32, #tpu.memory_space<hbm>> -> memref<640x16xf32, #tpu.memory_space<hbm>>
      %dma_start3A_10 = arith.constant 0 : i32
      %dma_start3A_11 = tpu.memref_slice %arg8[%mul3A_2, %dma_start3A_10] : memref<10240x16xf32, #tpu.memory_space<vmem_shared>> -> memref<640x16xf32, #tpu.memory_space<vmem_shared>>
      tpu.enqueue_dma source(%dma_start3A_11 : memref<640x16xf32, #tpu.memory_space<vmem_shared>>) target(%dma_start3A_9 : memref<640x16xf32, #tpu.memory_space<hbm>>) target_semaphore(%run_scoped3A : memref<!tpu.dma_semaphore, #tpu.memory_space<semaphore_mem>>)
      %dma_wait3A = arith.constant 0 : i32
      %dma_wait3A_12 = tpu.memref_slice %arg5[%arg0, %mul3A_2, %dma_wait3A] : memref<2x10240x16xf32, #tpu.memory_space<hbm>> -> memref<1x640x16xf32, #tpu.memory_space<hbm>>
      %dma_wait3A_13 = tpu.memref_squeeze %dma_wait3A_12 : memref<1x640x16xf32, #tpu.memory_space<hbm>> -> memref<640x16xf32, #tpu.memory_space<hbm>>
      %dma_wait3A_14 = arith.constant 0 : i32
      %dma_wait3A_15 = tpu.memref_slice %arg8[%mul3A_2, %dma_wait3A_14] : memref<10240x16xf32, #tpu.memory_space<vmem_shared>> -> memref<640x16xf32, #tpu.memory_space<vmem_shared>>
      tpu.wait_dma2 semaphore(%run_scoped3A : memref<!tpu.dma_semaphore, #tpu.memory_space<semaphore_mem>>) src(%dma_wait3A_15 : memref<640x16xf32, #tpu.memory_space<vmem_shared>>) dst(%dma_wait3A_13 : memref<640x16xf32, #tpu.memory_space<hbm>>)
      tpu.yield
    }) : () -> ()
    return
  }
}

#map = affine_map<(d0, d1) -> (0, 0)>
#map1 = affine_map<(d0, d1) -> (0, 0, 0)>
module attributes {stable_mosaic.version = 14 : i64} {
  func.func @_sc_scatter(%arg0: i32, %arg1: i32, %arg2: memref<10000x128xf32, #tpu.memory_space<hbm>>, %arg3: memref<32x80x128xi32, #tpu.memory_space<hbm>>, %arg4: memref<32x80x128xi32, #tpu.memory_space<hbm>>, %arg5: memref<640x128xf32, #tpu.memory_space<hbm>>, %arg6: memref<2x10240x128xf32, #tpu.memory_space<hbm>>, %arg7: memref<40x128xi32, #tpu.memory_space<vmem>>, %arg8: memref<40x128xi32, #tpu.memory_space<vmem>>, %arg9: memref<128x128xf32, #tpu.memory_space<vmem>>, %arg10: memref<128x128xf32, #tpu.memory_space<vmem>>, %arg11: memref<!tpu.dma_semaphore, #tpu.memory_space<semaphore_mem>>, %arg12: memref<!tpu.dma_semaphore, #tpu.memory_space<semaphore_mem>>, %arg13: memref<10240x128xf32, #tpu.memory_space<vmem_shared>>) attributes {dimension_semantics = [#tpu.dimension_semantics<core_parallel>, #tpu.dimension_semantics<subcore_parallel>], iteration_bounds = array<i64: 2, 16>, scalar_prefetch = 0 : i64, scratch_operands = 7 : i64, tpu.core_type = #tpu.core_type<sc_vector_subcore>, window_params = [{transform_indices = #map}, {transform_indices = #map1}, {transform_indices = #map1}, {transform_indices = #map}, {transform_indices = #map1}]} {
    %mul3A = arith.constant 16 : i32
    %mul3A_0 = arith.muli %arg0, %mul3A : i32
    %add3A = arith.addi %mul3A_0, %arg1 : i32
    %mul3A_1 = arith.constant 640 : i32
    %mul3A_2 = arith.muli %arg1, %mul3A_1 : i32
    "tpu.region"() ({
      %run_scoped3A = tpu.sem_alloc : memref<!tpu.dma_semaphore, #tpu.memory_space<semaphore_mem>>
      %dma_start3A_39 = arith.constant 0 : i32
      %dma_start3A_40 = tpu.memref_slice %arg13[%mul3A_2, %dma_start3A_39] : memref<10240x128xf32, #tpu.memory_space<vmem_shared>> -> memref<640x128xf32, #tpu.memory_space<vmem_shared>>
      tpu.enqueue_dma source(%arg5 : memref<640x128xf32, #tpu.memory_space<hbm>>) target(%dma_start3A_40 : memref<640x128xf32, #tpu.memory_space<vmem_shared>>) target_semaphore(%run_scoped3A : memref<!tpu.dma_semaphore, #tpu.memory_space<semaphore_mem>>)
      %dma_wait3A_41 = arith.constant 0 : i32
      %dma_wait3A_42 = tpu.memref_slice %arg13[%mul3A_2, %dma_wait3A_41] : memref<10240x128xf32, #tpu.memory_space<vmem_shared>> -> memref<640x128xf32, #tpu.memory_space<vmem_shared>>
      tpu.wait_dma2 semaphore(%run_scoped3A : memref<!tpu.dma_semaphore, #tpu.memory_space<semaphore_mem>>) src(%arg5 : memref<640x128xf32, #tpu.memory_space<hbm>>) dst(%dma_wait3A_42 : memref<640x128xf32, #tpu.memory_space<vmem_shared>>)
      tpu.yield
    }) : () -> ()
    %barrier3A = arith.constant 0 : index
    tpu.barrier barrier_id(%barrier3A)
    "tpu.region"() ({
      %run_scoped3A = tpu.sem_alloc : memref<!tpu.dma_semaphore, #tpu.memory_space<semaphore_mem>>
      %dma_start3A_39 = arith.constant 0 : i32
      %dma_start3A_40 = arith.constant 0 : i32
      %dma_start3A_41 = tpu.memref_slice %arg3[%add3A, %dma_start3A_39, %dma_start3A_40] : memref<32x80x128xi32, #tpu.memory_space<hbm>> -> memref<1x40x128xi32, #tpu.memory_space<hbm>>
      %dma_start3A_42 = tpu.memref_squeeze %dma_start3A_41 : memref<1x40x128xi32, #tpu.memory_space<hbm>> -> memref<40x128xi32, #tpu.memory_space<hbm>>
      %dma_start3A_43 = arith.constant 0 : i32
      %dma_start3A_44 = arith.constant 0 : i32
      %dma_start3A_45 = tpu.memref_slice %arg3[%add3A, %dma_start3A_43, %dma_start3A_44] : memref<32x80x128xi32, #tpu.memory_space<hbm>> -> memref<1x40x128xi32, #tpu.memory_space<hbm>>
      %dma_start3A_46 = tpu.memref_squeeze %dma_start3A_45 : memref<1x40x128xi32, #tpu.memory_space<hbm>> -> memref<40x128xi32, #tpu.memory_space<hbm>>
      tpu.enqueue_dma source(%dma_start3A_46 : memref<40x128xi32, #tpu.memory_space<hbm>>) target(%arg7 : memref<40x128xi32, #tpu.memory_space<vmem>>) target_semaphore(%run_scoped3A : memref<!tpu.dma_semaphore, #tpu.memory_space<semaphore_mem>>)
      %dma_wait3A_47 = arith.constant 0 : i32
      %dma_wait3A_48 = arith.constant 0 : i32
      %dma_wait3A_49 = tpu.memref_slice %arg3[%add3A, %dma_wait3A_47, %dma_wait3A_48] : memref<32x80x128xi32, #tpu.memory_space<hbm>> -> memref<1x40x128xi32, #tpu.memory_space<hbm>>
      %dma_wait3A_50 = tpu.memref_squeeze %dma_wait3A_49 : memref<1x40x128xi32, #tpu.memory_space<hbm>> -> memref<40x128xi32, #tpu.memory_space<hbm>>
      %dma_wait3A_51 = arith.constant 0 : i32
      %dma_wait3A_52 = arith.constant 0 : i32
      %dma_wait3A_53 = tpu.memref_slice %arg3[%add3A, %dma_wait3A_51, %dma_wait3A_52] : memref<32x80x128xi32, #tpu.memory_space<hbm>> -> memref<1x40x128xi32, #tpu.memory_space<hbm>>
      %dma_wait3A_54 = tpu.memref_squeeze %dma_wait3A_53 : memref<1x40x128xi32, #tpu.memory_space<hbm>> -> memref<40x128xi32, #tpu.memory_space<hbm>>
      tpu.wait_dma2 semaphore(%run_scoped3A : memref<!tpu.dma_semaphore, #tpu.memory_space<semaphore_mem>>) src(%dma_wait3A_54 : memref<40x128xi32, #tpu.memory_space<hbm>>) dst(%arg7 : memref<40x128xi32, #tpu.memory_space<vmem>>)
      tpu.yield
    }) : () -> ()
    "tpu.region"() ({
      %run_scoped3A = tpu.sem_alloc : memref<!tpu.dma_semaphore, #tpu.memory_space<semaphore_mem>>
      %dma_start3A_39 = arith.constant 0 : i32
      %dma_start3A_40 = arith.constant 0 : i32
      %dma_start3A_41 = tpu.memref_slice %arg4[%add3A, %dma_start3A_39, %dma_start3A_40] : memref<32x80x128xi32, #tpu.memory_space<hbm>> -> memref<1x40x128xi32, #tpu.memory_space<hbm>>
      %dma_start3A_42 = tpu.memref_squeeze %dma_start3A_41 : memref<1x40x128xi32, #tpu.memory_space<hbm>> -> memref<40x128xi32, #tpu.memory_space<hbm>>
      %dma_start3A_43 = arith.constant 0 : i32
      %dma_start3A_44 = arith.constant 0 : i32
      %dma_start3A_45 = tpu.memref_slice %arg4[%add3A, %dma_start3A_43, %dma_start3A_44] : memref<32x80x128xi32, #tpu.memory_space<hbm>> -> memref<1x40x128xi32, #tpu.memory_space<hbm>>
      %dma_start3A_46 = tpu.memref_squeeze %dma_start3A_45 : memref<1x40x128xi32, #tpu.memory_space<hbm>> -> memref<40x128xi32, #tpu.memory_space<hbm>>
      tpu.enqueue_dma source(%dma_start3A_46 : memref<40x128xi32, #tpu.memory_space<hbm>>) target(%arg8 : memref<40x128xi32, #tpu.memory_space<vmem>>) target_semaphore(%run_scoped3A : memref<!tpu.dma_semaphore, #tpu.memory_space<semaphore_mem>>)
      %dma_wait3A_47 = arith.constant 0 : i32
      %dma_wait3A_48 = arith.constant 0 : i32
      %dma_wait3A_49 = tpu.memref_slice %arg4[%add3A, %dma_wait3A_47, %dma_wait3A_48] : memref<32x80x128xi32, #tpu.memory_space<hbm>> -> memref<1x40x128xi32, #tpu.memory_space<hbm>>
      %dma_wait3A_50 = tpu.memref_squeeze %dma_wait3A_49 : memref<1x40x128xi32, #tpu.memory_space<hbm>> -> memref<40x128xi32, #tpu.memory_space<hbm>>
      %dma_wait3A_51 = arith.constant 0 : i32
      %dma_wait3A_52 = arith.constant 0 : i32
      %dma_wait3A_53 = tpu.memref_slice %arg4[%add3A, %dma_wait3A_51, %dma_wait3A_52] : memref<32x80x128xi32, #tpu.memory_space<hbm>> -> memref<1x40x128xi32, #tpu.memory_space<hbm>>
      %dma_wait3A_54 = tpu.memref_squeeze %dma_wait3A_53 : memref<1x40x128xi32, #tpu.memory_space<hbm>> -> memref<40x128xi32, #tpu.memory_space<hbm>>
      tpu.wait_dma2 semaphore(%run_scoped3A : memref<!tpu.dma_semaphore, #tpu.memory_space<semaphore_mem>>) src(%dma_wait3A_54 : memref<40x128xi32, #tpu.memory_space<hbm>>) dst(%arg8 : memref<40x128xi32, #tpu.memory_space<vmem>>)
      tpu.yield
    }) : () -> ()
    %dma_start3A = arith.constant 0 : i32
    %dma_start3A_3 = arith.constant 0 : i32
    %dma_start3A_4 = tpu.memref_slice %arg7[%dma_start3A, %dma_start3A_3] : memref<40x128xi32, #tpu.memory_space<vmem>> -> memref<1x128xi32, #tpu.memory_space<vmem>>
    %dma_start3A_5 = tpu.memref_squeeze %dma_start3A_4 : memref<1x128xi32, #tpu.memory_space<vmem>> -> memref<128xi32, #tpu.memory_space<vmem>>
    %dma_start3A_6 = arith.constant 0 : i32
    %dma_start3A_7 = arith.constant 0 : i32
    %dma_start3A_8 = tpu.memref_slice %arg2[%dma_start3A_6, %dma_start3A_7] : memref<10000x128xf32, #tpu.memory_space<hbm>> -> memref<10000x128xf32, #tpu.memory_space<hbm>>
    tpu.enqueue_indirect_dma source(%dma_start3A_8 : memref<10000x128xf32, #tpu.memory_space<hbm>>) target(%arg9 : memref<128x128xf32, #tpu.memory_space<vmem>>) offsets(%dma_start3A_5 : memref<128xi32, #tpu.memory_space<vmem>>) semaphore(%arg11 : memref<!tpu.dma_semaphore, #tpu.memory_space<semaphore_mem>>)
    %scan3A = arith.constant 0 : i32
    %scan3A_9 = arith.constant 20 : i32
    %scan3A_10 = arith.addi %scan3A, %scan3A_9 : i32
    %scan3A_11 = arith.constant 1 : i32
    scf.for %scan3A_39 = %scan3A to %scan3A_10 step %scan3A_11  : i32 {
      %mul3A_40 = arith.constant 2 : i32
      %mul3A_41 = arith.muli %scan3A_39, %mul3A_40 : i32
      %add3A_42 = arith.constant 0 : i32
      %add3A_43 = arith.addi %add3A_42, %mul3A_41 : i32
      %add3A_44 = arith.constant 0 : i32
      %add3A_45 = arith.addi %add3A_43, %add3A_44 : i32
      %gt3A = arith.constant 0 : i32
      %gt3A_46 = arith.cmpi sgt, %add3A_43, %gt3A : i32
      %convert_element_type3A = arith.extui %gt3A_46 : i1 to i32
      %cond3A = arith.constant 0 : i32
      %cond3A_47 = arith.cmpi ne, %convert_element_type3A, %cond3A : i32
      scf.if %cond3A_47 {
        %dma_wait3A_92 = arith.constant 0 : i32
        %dma_wait3A_93 = tpu.memref_slice %arg8[%add3A_45, %dma_wait3A_92] : memref<40x128xi32, #tpu.memory_space<vmem>> -> memref<1x128xi32, #tpu.memory_space<vmem>>
        %dma_wait3A_94 = tpu.memref_squeeze %dma_wait3A_93 : memref<1x128xi32, #tpu.memory_space<vmem>> -> memref<128xi32, #tpu.memory_space<vmem>>
        %dma_wait3A_95 = arith.constant 0 : i32
        %dma_wait3A_96 = arith.constant 0 : i32
        %dma_wait3A_97 = tpu.memref_slice %arg13[%dma_wait3A_95, %dma_wait3A_96] : memref<10240x128xf32, #tpu.memory_space<vmem_shared>> -> memref<10240x128xf32, #tpu.memory_space<vmem_shared>>
        tpu.wait_indirect_dma semaphore(%arg12 : memref<!tpu.dma_semaphore, #tpu.memory_space<semaphore_mem>>) src(%arg10 : memref<128x128xf32, #tpu.memory_space<vmem>>) dst(%dma_wait3A_97 : memref<10240x128xf32, #tpu.memory_space<vmem_shared>>)
      } else {
      }
      %add3A_48 = arith.constant 1 : i32
      %add3A_49 = arith.addi %add3A_45, %add3A_48 : i32
      %dma_start3A_50 = arith.constant 0 : i32
      %dma_start3A_51 = tpu.memref_slice %arg7[%add3A_49, %dma_start3A_50] : memref<40x128xi32, #tpu.memory_space<vmem>> -> memref<1x128xi32, #tpu.memory_space<vmem>>
      %dma_start3A_52 = tpu.memref_squeeze %dma_start3A_51 : memref<1x128xi32, #tpu.memory_space<vmem>> -> memref<128xi32, #tpu.memory_space<vmem>>
      %dma_start3A_53 = arith.constant 0 : i32
      %dma_start3A_54 = arith.constant 0 : i32
      %dma_start3A_55 = tpu.memref_slice %arg2[%dma_start3A_53, %dma_start3A_54] : memref<10000x128xf32, #tpu.memory_space<hbm>> -> memref<10000x128xf32, #tpu.memory_space<hbm>>
      tpu.enqueue_indirect_dma source(%dma_start3A_55 : memref<10000x128xf32, #tpu.memory_space<hbm>>) target(%arg10 : memref<128x128xf32, #tpu.memory_space<vmem>>) offsets(%dma_start3A_52 : memref<128xi32, #tpu.memory_space<vmem>>) semaphore(%arg11 : memref<!tpu.dma_semaphore, #tpu.memory_space<semaphore_mem>>)
      %dma_wait3A_56 = arith.constant 0 : i32
      %dma_wait3A_57 = tpu.memref_slice %arg7[%add3A_45, %dma_wait3A_56] : memref<40x128xi32, #tpu.memory_space<vmem>> -> memref<1x128xi32, #tpu.memory_space<vmem>>
      %dma_wait3A_58 = tpu.memref_squeeze %dma_wait3A_57 : memref<1x128xi32, #tpu.memory_space<vmem>> -> memref<128xi32, #tpu.memory_space<vmem>>
      %dma_wait3A_59 = arith.constant 0 : i32
      %dma_wait3A_60 = arith.constant 0 : i32
      %dma_wait3A_61 = tpu.memref_slice %arg2[%dma_wait3A_59, %dma_wait3A_60] : memref<10000x128xf32, #tpu.memory_space<hbm>> -> memref<10000x128xf32, #tpu.memory_space<hbm>>
      tpu.wait_indirect_dma semaphore(%arg11 : memref<!tpu.dma_semaphore, #tpu.memory_space<semaphore_mem>>) src(%dma_wait3A_61 : memref<10000x128xf32, #tpu.memory_space<hbm>>) dst(%arg9 : memref<128x128xf32, #tpu.memory_space<vmem>>)
      %dma_start3A_62 = arith.constant 0 : i32
      %dma_start3A_63 = tpu.memref_slice %arg8[%add3A_45, %dma_start3A_62] : memref<40x128xi32, #tpu.memory_space<vmem>> -> memref<1x128xi32, #tpu.memory_space<vmem>>
      %dma_start3A_64 = tpu.memref_squeeze %dma_start3A_63 : memref<1x128xi32, #tpu.memory_space<vmem>> -> memref<128xi32, #tpu.memory_space<vmem>>
      %dma_start3A_65 = arith.constant 0 : i32
      %dma_start3A_66 = arith.constant 0 : i32
      %dma_start3A_67 = tpu.memref_slice %arg13[%dma_start3A_65, %dma_start3A_66] : memref<10240x128xf32, #tpu.memory_space<vmem_shared>> -> memref<10240x128xf32, #tpu.memory_space<vmem_shared>>
      tpu.enqueue_indirect_dma source(%arg9 : memref<128x128xf32, #tpu.memory_space<vmem>>) target(%dma_start3A_67 : memref<10240x128xf32, #tpu.memory_space<vmem_shared>>) offsets(%dma_start3A_64 : memref<128xi32, #tpu.memory_space<vmem>>) semaphore(%arg12 : memref<!tpu.dma_semaphore, #tpu.memory_space<semaphore_mem>>) {add = true}
      %add3A_68 = arith.constant 1 : i32
      %add3A_69 = arith.addi %add3A_43, %add3A_68 : i32
      %dma_wait3A_70 = arith.constant 0 : i32
      %dma_wait3A_71 = tpu.memref_slice %arg8[%add3A_69, %dma_wait3A_70] : memref<40x128xi32, #tpu.memory_space<vmem>> -> memref<1x128xi32, #tpu.memory_space<vmem>>
      %dma_wait3A_72 = tpu.memref_squeeze %dma_wait3A_71 : memref<1x128xi32, #tpu.memory_space<vmem>> -> memref<128xi32, #tpu.memory_space<vmem>>
      %dma_wait3A_73 = arith.constant 0 : i32
      %dma_wait3A_74 = arith.constant 0 : i32
      %dma_wait3A_75 = tpu.memref_slice %arg13[%dma_wait3A_73, %dma_wait3A_74] : memref<10240x128xf32, #tpu.memory_space<vmem_shared>> -> memref<10240x128xf32, #tpu.memory_space<vmem_shared>>
      tpu.wait_indirect_dma semaphore(%arg12 : memref<!tpu.dma_semaphore, #tpu.memory_space<semaphore_mem>>) src(%arg9 : memref<128x128xf32, #tpu.memory_space<vmem>>) dst(%dma_wait3A_75 : memref<10240x128xf32, #tpu.memory_space<vmem_shared>>)
      %lt3A = arith.constant 38 : i32
      %lt3A_76 = arith.cmpi slt, %add3A_43, %lt3A : i32
      %convert_element_type3A_77 = arith.extui %lt3A_76 : i1 to i32
      %cond3A_78 = arith.constant 0 : i32
      %cond3A_79 = arith.cmpi ne, %convert_element_type3A_77, %cond3A_78 : i32
      scf.if %cond3A_79 {
        %add3A_92 = arith.constant 1 : i32
        %add3A_93 = arith.addi %add3A_69, %add3A_92 : i32
        %dma_start3A_94 = arith.constant 0 : i32
        %dma_start3A_95 = tpu.memref_slice %arg7[%add3A_93, %dma_start3A_94] : memref<40x128xi32, #tpu.memory_space<vmem>> -> memref<1x128xi32, #tpu.memory_space<vmem>>
        %dma_start3A_96 = tpu.memref_squeeze %dma_start3A_95 : memref<1x128xi32, #tpu.memory_space<vmem>> -> memref<128xi32, #tpu.memory_space<vmem>>
        %dma_start3A_97 = arith.constant 0 : i32
        %dma_start3A_98 = arith.constant 0 : i32
        %dma_start3A_99 = tpu.memref_slice %arg2[%dma_start3A_97, %dma_start3A_98] : memref<10000x128xf32, #tpu.memory_space<hbm>> -> memref<10000x128xf32, #tpu.memory_space<hbm>>
        tpu.enqueue_indirect_dma source(%dma_start3A_99 : memref<10000x128xf32, #tpu.memory_space<hbm>>) target(%arg9 : memref<128x128xf32, #tpu.memory_space<vmem>>) offsets(%dma_start3A_96 : memref<128xi32, #tpu.memory_space<vmem>>) semaphore(%arg11 : memref<!tpu.dma_semaphore, #tpu.memory_space<semaphore_mem>>)
      } else {
      }
      %dma_wait3A_80 = arith.constant 0 : i32
      %dma_wait3A_81 = tpu.memref_slice %arg7[%add3A_69, %dma_wait3A_80] : memref<40x128xi32, #tpu.memory_space<vmem>> -> memref<1x128xi32, #tpu.memory_space<vmem>>
      %dma_wait3A_82 = tpu.memref_squeeze %dma_wait3A_81 : memref<1x128xi32, #tpu.memory_space<vmem>> -> memref<128xi32, #tpu.memory_space<vmem>>
      %dma_wait3A_83 = arith.constant 0 : i32
      %dma_wait3A_84 = arith.constant 0 : i32
      %dma_wait3A_85 = tpu.memref_slice %arg2[%dma_wait3A_83, %dma_wait3A_84] : memref<10000x128xf32, #tpu.memory_space<hbm>> -> memref<10000x128xf32, #tpu.memory_space<hbm>>
      tpu.wait_indirect_dma semaphore(%arg11 : memref<!tpu.dma_semaphore, #tpu.memory_space<semaphore_mem>>) src(%dma_wait3A_85 : memref<10000x128xf32, #tpu.memory_space<hbm>>) dst(%arg10 : memref<128x128xf32, #tpu.memory_space<vmem>>)
      %dma_start3A_86 = arith.constant 0 : i32
      %dma_start3A_87 = tpu.memref_slice %arg8[%add3A_69, %dma_start3A_86] : memref<40x128xi32, #tpu.memory_space<vmem>> -> memref<1x128xi32, #tpu.memory_space<vmem>>
      %dma_start3A_88 = tpu.memref_squeeze %dma_start3A_87 : memref<1x128xi32, #tpu.memory_space<vmem>> -> memref<128xi32, #tpu.memory_space<vmem>>
      %dma_start3A_89 = arith.constant 0 : i32
      %dma_start3A_90 = arith.constant 0 : i32
      %dma_start3A_91 = tpu.memref_slice %arg13[%dma_start3A_89, %dma_start3A_90] : memref<10240x128xf32, #tpu.memory_space<vmem_shared>> -> memref<10240x128xf32, #tpu.memory_space<vmem_shared>>
      tpu.enqueue_indirect_dma source(%arg10 : memref<128x128xf32, #tpu.memory_space<vmem>>) target(%dma_start3A_91 : memref<10240x128xf32, #tpu.memory_space<vmem_shared>>) offsets(%dma_start3A_88 : memref<128xi32, #tpu.memory_space<vmem>>) semaphore(%arg12 : memref<!tpu.dma_semaphore, #tpu.memory_space<semaphore_mem>>) {add = true}
    }
    %scan3A_12 = arith.constant 20 : i32
    %dma_wait3A = arith.constant 39 : i32
    %dma_wait3A_13 = arith.constant 0 : i32
    %dma_wait3A_14 = tpu.memref_slice %arg8[%dma_wait3A, %dma_wait3A_13] : memref<40x128xi32, #tpu.memory_space<vmem>> -> memref<1x128xi32, #tpu.memory_space<vmem>>
    %dma_wait3A_15 = tpu.memref_squeeze %dma_wait3A_14 : memref<1x128xi32, #tpu.memory_space<vmem>> -> memref<128xi32, #tpu.memory_space<vmem>>
    %dma_wait3A_16 = arith.constant 0 : i32
    %dma_wait3A_17 = arith.constant 0 : i32
    %dma_wait3A_18 = tpu.memref_slice %arg13[%dma_wait3A_16, %dma_wait3A_17] : memref<10240x128xf32, #tpu.memory_space<vmem_shared>> -> memref<10240x128xf32, #tpu.memory_space<vmem_shared>>
    tpu.wait_indirect_dma semaphore(%arg12 : memref<!tpu.dma_semaphore, #tpu.memory_space<semaphore_mem>>) src(%arg10 : memref<128x128xf32, #tpu.memory_space<vmem>>) dst(%dma_wait3A_18 : memref<10240x128xf32, #tpu.memory_space<vmem_shared>>)
    "tpu.region"() ({
      %run_scoped3A = tpu.sem_alloc : memref<!tpu.dma_semaphore, #tpu.memory_space<semaphore_mem>>
      %dma_start3A_39 = arith.constant 40 : i32
      %dma_start3A_40 = arith.constant 0 : i32
      %dma_start3A_41 = tpu.memref_slice %arg3[%add3A, %dma_start3A_39, %dma_start3A_40] : memref<32x80x128xi32, #tpu.memory_space<hbm>> -> memref<1x40x128xi32, #tpu.memory_space<hbm>>
      %dma_start3A_42 = tpu.memref_squeeze %dma_start3A_41 : memref<1x40x128xi32, #tpu.memory_space<hbm>> -> memref<40x128xi32, #tpu.memory_space<hbm>>
      %dma_start3A_43 = arith.constant 40 : i32
      %dma_start3A_44 = arith.constant 0 : i32
      %dma_start3A_45 = tpu.memref_slice %arg3[%add3A, %dma_start3A_43, %dma_start3A_44] : memref<32x80x128xi32, #tpu.memory_space<hbm>> -> memref<1x40x128xi32, #tpu.memory_space<hbm>>
      %dma_start3A_46 = tpu.memref_squeeze %dma_start3A_45 : memref<1x40x128xi32, #tpu.memory_space<hbm>> -> memref<40x128xi32, #tpu.memory_space<hbm>>
      tpu.enqueue_dma source(%dma_start3A_46 : memref<40x128xi32, #tpu.memory_space<hbm>>) target(%arg7 : memref<40x128xi32, #tpu.memory_space<vmem>>) target_semaphore(%run_scoped3A : memref<!tpu.dma_semaphore, #tpu.memory_space<semaphore_mem>>)
      %dma_wait3A_47 = arith.constant 40 : i32
      %dma_wait3A_48 = arith.constant 0 : i32
      %dma_wait3A_49 = tpu.memref_slice %arg3[%add3A, %dma_wait3A_47, %dma_wait3A_48] : memref<32x80x128xi32, #tpu.memory_space<hbm>> -> memref<1x40x128xi32, #tpu.memory_space<hbm>>
      %dma_wait3A_50 = tpu.memref_squeeze %dma_wait3A_49 : memref<1x40x128xi32, #tpu.memory_space<hbm>> -> memref<40x128xi32, #tpu.memory_space<hbm>>
      %dma_wait3A_51 = arith.constant 40 : i32
      %dma_wait3A_52 = arith.constant 0 : i32
      %dma_wait3A_53 = tpu.memref_slice %arg3[%add3A, %dma_wait3A_51, %dma_wait3A_52] : memref<32x80x128xi32, #tpu.memory_space<hbm>> -> memref<1x40x128xi32, #tpu.memory_space<hbm>>
      %dma_wait3A_54 = tpu.memref_squeeze %dma_wait3A_53 : memref<1x40x128xi32, #tpu.memory_space<hbm>> -> memref<40x128xi32, #tpu.memory_space<hbm>>
      tpu.wait_dma2 semaphore(%run_scoped3A : memref<!tpu.dma_semaphore, #tpu.memory_space<semaphore_mem>>) src(%dma_wait3A_54 : memref<40x128xi32, #tpu.memory_space<hbm>>) dst(%arg7 : memref<40x128xi32, #tpu.memory_space<vmem>>)
      tpu.yield
    }) : () -> ()
    "tpu.region"() ({
      %run_scoped3A = tpu.sem_alloc : memref<!tpu.dma_semaphore, #tpu.memory_space<semaphore_mem>>
      %dma_start3A_39 = arith.constant 40 : i32
      %dma_start3A_40 = arith.constant 0 : i32
      %dma_start3A_41 = tpu.memref_slice %arg4[%add3A, %dma_start3A_39, %dma_start3A_40] : memref<32x80x128xi32, #tpu.memory_space<hbm>> -> memref<1x40x128xi32, #tpu.memory_space<hbm>>
      %dma_start3A_42 = tpu.memref_squeeze %dma_start3A_41 : memref<1x40x128xi32, #tpu.memory_space<hbm>> -> memref<40x128xi32, #tpu.memory_space<hbm>>
      %dma_start3A_43 = arith.constant 40 : i32
      %dma_start3A_44 = arith.constant 0 : i32
      %dma_start3A_45 = tpu.memref_slice %arg4[%add3A, %dma_start3A_43, %dma_start3A_44] : memref<32x80x128xi32, #tpu.memory_space<hbm>> -> memref<1x40x128xi32, #tpu.memory_space<hbm>>
      %dma_start3A_46 = tpu.memref_squeeze %dma_start3A_45 : memref<1x40x128xi32, #tpu.memory_space<hbm>> -> memref<40x128xi32, #tpu.memory_space<hbm>>
      tpu.enqueue_dma source(%dma_start3A_46 : memref<40x128xi32, #tpu.memory_space<hbm>>) target(%arg8 : memref<40x128xi32, #tpu.memory_space<vmem>>) target_semaphore(%run_scoped3A : memref<!tpu.dma_semaphore, #tpu.memory_space<semaphore_mem>>)
      %dma_wait3A_47 = arith.constant 40 : i32
      %dma_wait3A_48 = arith.constant 0 : i32
      %dma_wait3A_49 = tpu.memref_slice %arg4[%add3A, %dma_wait3A_47, %dma_wait3A_48] : memref<32x80x128xi32, #tpu.memory_space<hbm>> -> memref<1x40x128xi32, #tpu.memory_space<hbm>>
      %dma_wait3A_50 = tpu.memref_squeeze %dma_wait3A_49 : memref<1x40x128xi32, #tpu.memory_space<hbm>> -> memref<40x128xi32, #tpu.memory_space<hbm>>
      %dma_wait3A_51 = arith.constant 40 : i32
      %dma_wait3A_52 = arith.constant 0 : i32
      %dma_wait3A_53 = tpu.memref_slice %arg4[%add3A, %dma_wait3A_51, %dma_wait3A_52] : memref<32x80x128xi32, #tpu.memory_space<hbm>> -> memref<1x40x128xi32, #tpu.memory_space<hbm>>
      %dma_wait3A_54 = tpu.memref_squeeze %dma_wait3A_53 : memref<1x40x128xi32, #tpu.memory_space<hbm>> -> memref<40x128xi32, #tpu.memory_space<hbm>>
      tpu.wait_dma2 semaphore(%run_scoped3A : memref<!tpu.dma_semaphore, #tpu.memory_space<semaphore_mem>>) src(%dma_wait3A_54 : memref<40x128xi32, #tpu.memory_space<hbm>>) dst(%arg8 : memref<40x128xi32, #tpu.memory_space<vmem>>)
      tpu.yield
    }) : () -> ()
    %dma_start3A_19 = arith.constant 0 : i32
    %dma_start3A_20 = arith.constant 0 : i32
    %dma_start3A_21 = tpu.memref_slice %arg7[%dma_start3A_19, %dma_start3A_20] : memref<40x128xi32, #tpu.memory_space<vmem>> -> memref<1x128xi32, #tpu.memory_space<vmem>>
    %dma_start3A_22 = tpu.memref_squeeze %dma_start3A_21 : memref<1x128xi32, #tpu.memory_space<vmem>> -> memref<128xi32, #tpu.memory_space<vmem>>
    %dma_start3A_23 = arith.constant 0 : i32
    %dma_start3A_24 = arith.constant 0 : i32
    %dma_start3A_25 = tpu.memref_slice %arg2[%dma_start3A_23, %dma_start3A_24] : memref<10000x128xf32, #tpu.memory_space<hbm>> -> memref<10000x128xf32, #tpu.memory_space<hbm>>
    tpu.enqueue_indirect_dma source(%dma_start3A_25 : memref<10000x128xf32, #tpu.memory_space<hbm>>) target(%arg9 : memref<128x128xf32, #tpu.memory_space<vmem>>) offsets(%dma_start3A_22 : memref<128xi32, #tpu.memory_space<vmem>>) semaphore(%arg11 : memref<!tpu.dma_semaphore, #tpu.memory_space<semaphore_mem>>)
    %scan3A_26 = arith.constant 0 : i32
    %scan3A_27 = arith.constant 20 : i32
    %scan3A_28 = arith.addi %scan3A_26, %scan3A_27 : i32
    %scan3A_29 = arith.constant 1 : i32
    scf.for %scan3A_39 = %scan3A_26 to %scan3A_28 step %scan3A_29  : i32 {
      %mul3A_40 = arith.constant 2 : i32
      %mul3A_41 = arith.muli %scan3A_39, %mul3A_40 : i32
      %add3A_42 = arith.constant 0 : i32
      %add3A_43 = arith.addi %add3A_42, %mul3A_41 : i32
      %add3A_44 = arith.constant 0 : i32
      %add3A_45 = arith.addi %add3A_43, %add3A_44 : i32
      %gt3A = arith.constant 0 : i32
      %gt3A_46 = arith.cmpi sgt, %add3A_43, %gt3A : i32
      %convert_element_type3A = arith.extui %gt3A_46 : i1 to i32
      %cond3A = arith.constant 0 : i32
      %cond3A_47 = arith.cmpi ne, %convert_element_type3A, %cond3A : i32
      scf.if %cond3A_47 {
        %dma_wait3A_92 = arith.constant 0 : i32
        %dma_wait3A_93 = tpu.memref_slice %arg8[%add3A_45, %dma_wait3A_92] : memref<40x128xi32, #tpu.memory_space<vmem>> -> memref<1x128xi32, #tpu.memory_space<vmem>>
        %dma_wait3A_94 = tpu.memref_squeeze %dma_wait3A_93 : memref<1x128xi32, #tpu.memory_space<vmem>> -> memref<128xi32, #tpu.memory_space<vmem>>
        %dma_wait3A_95 = arith.constant 0 : i32
        %dma_wait3A_96 = arith.constant 0 : i32
        %dma_wait3A_97 = tpu.memref_slice %arg13[%dma_wait3A_95, %dma_wait3A_96] : memref<10240x128xf32, #tpu.memory_space<vmem_shared>> -> memref<10240x128xf32, #tpu.memory_space<vmem_shared>>
        tpu.wait_indirect_dma semaphore(%arg12 : memref<!tpu.dma_semaphore, #tpu.memory_space<semaphore_mem>>) src(%arg10 : memref<128x128xf32, #tpu.memory_space<vmem>>) dst(%dma_wait3A_97 : memref<10240x128xf32, #tpu.memory_space<vmem_shared>>)
      } else {
      }
      %add3A_48 = arith.constant 1 : i32
      %add3A_49 = arith.addi %add3A_45, %add3A_48 : i32
      %dma_start3A_50 = arith.constant 0 : i32
      %dma_start3A_51 = tpu.memref_slice %arg7[%add3A_49, %dma_start3A_50] : memref<40x128xi32, #tpu.memory_space<vmem>> -> memref<1x128xi32, #tpu.memory_space<vmem>>
      %dma_start3A_52 = tpu.memref_squeeze %dma_start3A_51 : memref<1x128xi32, #tpu.memory_space<vmem>> -> memref<128xi32, #tpu.memory_space<vmem>>
      %dma_start3A_53 = arith.constant 0 : i32
      %dma_start3A_54 = arith.constant 0 : i32
      %dma_start3A_55 = tpu.memref_slice %arg2[%dma_start3A_53, %dma_start3A_54] : memref<10000x128xf32, #tpu.memory_space<hbm>> -> memref<10000x128xf32, #tpu.memory_space<hbm>>
      tpu.enqueue_indirect_dma source(%dma_start3A_55 : memref<10000x128xf32, #tpu.memory_space<hbm>>) target(%arg10 : memref<128x128xf32, #tpu.memory_space<vmem>>) offsets(%dma_start3A_52 : memref<128xi32, #tpu.memory_space<vmem>>) semaphore(%arg11 : memref<!tpu.dma_semaphore, #tpu.memory_space<semaphore_mem>>)
      %dma_wait3A_56 = arith.constant 0 : i32
      %dma_wait3A_57 = tpu.memref_slice %arg7[%add3A_45, %dma_wait3A_56] : memref<40x128xi32, #tpu.memory_space<vmem>> -> memref<1x128xi32, #tpu.memory_space<vmem>>
      %dma_wait3A_58 = tpu.memref_squeeze %dma_wait3A_57 : memref<1x128xi32, #tpu.memory_space<vmem>> -> memref<128xi32, #tpu.memory_space<vmem>>
      %dma_wait3A_59 = arith.constant 0 : i32
      %dma_wait3A_60 = arith.constant 0 : i32
      %dma_wait3A_61 = tpu.memref_slice %arg2[%dma_wait3A_59, %dma_wait3A_60] : memref<10000x128xf32, #tpu.memory_space<hbm>> -> memref<10000x128xf32, #tpu.memory_space<hbm>>
      tpu.wait_indirect_dma semaphore(%arg11 : memref<!tpu.dma_semaphore, #tpu.memory_space<semaphore_mem>>) src(%dma_wait3A_61 : memref<10000x128xf32, #tpu.memory_space<hbm>>) dst(%arg9 : memref<128x128xf32, #tpu.memory_space<vmem>>)
      %dma_start3A_62 = arith.constant 0 : i32
      %dma_start3A_63 = tpu.memref_slice %arg8[%add3A_45, %dma_start3A_62] : memref<40x128xi32, #tpu.memory_space<vmem>> -> memref<1x128xi32, #tpu.memory_space<vmem>>
      %dma_start3A_64 = tpu.memref_squeeze %dma_start3A_63 : memref<1x128xi32, #tpu.memory_space<vmem>> -> memref<128xi32, #tpu.memory_space<vmem>>
      %dma_start3A_65 = arith.constant 0 : i32
      %dma_start3A_66 = arith.constant 0 : i32
      %dma_start3A_67 = tpu.memref_slice %arg13[%dma_start3A_65, %dma_start3A_66] : memref<10240x128xf32, #tpu.memory_space<vmem_shared>> -> memref<10240x128xf32, #tpu.memory_space<vmem_shared>>
      tpu.enqueue_indirect_dma source(%arg9 : memref<128x128xf32, #tpu.memory_space<vmem>>) target(%dma_start3A_67 : memref<10240x128xf32, #tpu.memory_space<vmem_shared>>) offsets(%dma_start3A_64 : memref<128xi32, #tpu.memory_space<vmem>>) semaphore(%arg12 : memref<!tpu.dma_semaphore, #tpu.memory_space<semaphore_mem>>) {add = true}
      %add3A_68 = arith.constant 1 : i32
      %add3A_69 = arith.addi %add3A_43, %add3A_68 : i32
      %dma_wait3A_70 = arith.constant 0 : i32
      %dma_wait3A_71 = tpu.memref_slice %arg8[%add3A_69, %dma_wait3A_70] : memref<40x128xi32, #tpu.memory_space<vmem>> -> memref<1x128xi32, #tpu.memory_space<vmem>>
      %dma_wait3A_72 = tpu.memref_squeeze %dma_wait3A_71 : memref<1x128xi32, #tpu.memory_space<vmem>> -> memref<128xi32, #tpu.memory_space<vmem>>
      %dma_wait3A_73 = arith.constant 0 : i32
      %dma_wait3A_74 = arith.constant 0 : i32
      %dma_wait3A_75 = tpu.memref_slice %arg13[%dma_wait3A_73, %dma_wait3A_74] : memref<10240x128xf32, #tpu.memory_space<vmem_shared>> -> memref<10240x128xf32, #tpu.memory_space<vmem_shared>>
      tpu.wait_indirect_dma semaphore(%arg12 : memref<!tpu.dma_semaphore, #tpu.memory_space<semaphore_mem>>) src(%arg9 : memref<128x128xf32, #tpu.memory_space<vmem>>) dst(%dma_wait3A_75 : memref<10240x128xf32, #tpu.memory_space<vmem_shared>>)
      %lt3A = arith.constant 38 : i32
      %lt3A_76 = arith.cmpi slt, %add3A_43, %lt3A : i32
      %convert_element_type3A_77 = arith.extui %lt3A_76 : i1 to i32
      %cond3A_78 = arith.constant 0 : i32
      %cond3A_79 = arith.cmpi ne, %convert_element_type3A_77, %cond3A_78 : i32
      scf.if %cond3A_79 {
        %add3A_92 = arith.constant 1 : i32
        %add3A_93 = arith.addi %add3A_69, %add3A_92 : i32
        %dma_start3A_94 = arith.constant 0 : i32
        %dma_start3A_95 = tpu.memref_slice %arg7[%add3A_93, %dma_start3A_94] : memref<40x128xi32, #tpu.memory_space<vmem>> -> memref<1x128xi32, #tpu.memory_space<vmem>>
        %dma_start3A_96 = tpu.memref_squeeze %dma_start3A_95 : memref<1x128xi32, #tpu.memory_space<vmem>> -> memref<128xi32, #tpu.memory_space<vmem>>
        %dma_start3A_97 = arith.constant 0 : i32
        %dma_start3A_98 = arith.constant 0 : i32
        %dma_start3A_99 = tpu.memref_slice %arg2[%dma_start3A_97, %dma_start3A_98] : memref<10000x128xf32, #tpu.memory_space<hbm>> -> memref<10000x128xf32, #tpu.memory_space<hbm>>
        tpu.enqueue_indirect_dma source(%dma_start3A_99 : memref<10000x128xf32, #tpu.memory_space<hbm>>) target(%arg9 : memref<128x128xf32, #tpu.memory_space<vmem>>) offsets(%dma_start3A_96 : memref<128xi32, #tpu.memory_space<vmem>>) semaphore(%arg11 : memref<!tpu.dma_semaphore, #tpu.memory_space<semaphore_mem>>)
      } else {
      }
      %dma_wait3A_80 = arith.constant 0 : i32
      %dma_wait3A_81 = tpu.memref_slice %arg7[%add3A_69, %dma_wait3A_80] : memref<40x128xi32, #tpu.memory_space<vmem>> -> memref<1x128xi32, #tpu.memory_space<vmem>>
      %dma_wait3A_82 = tpu.memref_squeeze %dma_wait3A_81 : memref<1x128xi32, #tpu.memory_space<vmem>> -> memref<128xi32, #tpu.memory_space<vmem>>
      %dma_wait3A_83 = arith.constant 0 : i32
      %dma_wait3A_84 = arith.constant 0 : i32
      %dma_wait3A_85 = tpu.memref_slice %arg2[%dma_wait3A_83, %dma_wait3A_84] : memref<10000x128xf32, #tpu.memory_space<hbm>> -> memref<10000x128xf32, #tpu.memory_space<hbm>>
      tpu.wait_indirect_dma semaphore(%arg11 : memref<!tpu.dma_semaphore, #tpu.memory_space<semaphore_mem>>) src(%dma_wait3A_85 : memref<10000x128xf32, #tpu.memory_space<hbm>>) dst(%arg10 : memref<128x128xf32, #tpu.memory_space<vmem>>)
      %dma_start3A_86 = arith.constant 0 : i32
      %dma_start3A_87 = tpu.memref_slice %arg8[%add3A_69, %dma_start3A_86] : memref<40x128xi32, #tpu.memory_space<vmem>> -> memref<1x128xi32, #tpu.memory_space<vmem>>
      %dma_start3A_88 = tpu.memref_squeeze %dma_start3A_87 : memref<1x128xi32, #tpu.memory_space<vmem>> -> memref<128xi32, #tpu.memory_space<vmem>>
      %dma_start3A_89 = arith.constant 0 : i32
      %dma_start3A_90 = arith.constant 0 : i32
      %dma_start3A_91 = tpu.memref_slice %arg13[%dma_start3A_89, %dma_start3A_90] : memref<10240x128xf32, #tpu.memory_space<vmem_shared>> -> memref<10240x128xf32, #tpu.memory_space<vmem_shared>>
      tpu.enqueue_indirect_dma source(%arg10 : memref<128x128xf32, #tpu.memory_space<vmem>>) target(%dma_start3A_91 : memref<10240x128xf32, #tpu.memory_space<vmem_shared>>) offsets(%dma_start3A_88 : memref<128xi32, #tpu.memory_space<vmem>>) semaphore(%arg12 : memref<!tpu.dma_semaphore, #tpu.memory_space<semaphore_mem>>) {add = true}
    }
    %scan3A_30 = arith.constant 20 : i32
    %dma_wait3A_31 = arith.constant 39 : i32
    %dma_wait3A_32 = arith.constant 0 : i32
    %dma_wait3A_33 = tpu.memref_slice %arg8[%dma_wait3A_31, %dma_wait3A_32] : memref<40x128xi32, #tpu.memory_space<vmem>> -> memref<1x128xi32, #tpu.memory_space<vmem>>
    %dma_wait3A_34 = tpu.memref_squeeze %dma_wait3A_33 : memref<1x128xi32, #tpu.memory_space<vmem>> -> memref<128xi32, #tpu.memory_space<vmem>>
    %dma_wait3A_35 = arith.constant 0 : i32
    %dma_wait3A_36 = arith.constant 0 : i32
    %dma_wait3A_37 = tpu.memref_slice %arg13[%dma_wait3A_35, %dma_wait3A_36] : memref<10240x128xf32, #tpu.memory_space<vmem_shared>> -> memref<10240x128xf32, #tpu.memory_space<vmem_shared>>
    tpu.wait_indirect_dma semaphore(%arg12 : memref<!tpu.dma_semaphore, #tpu.memory_space<semaphore_mem>>) src(%arg10 : memref<128x128xf32, #tpu.memory_space<vmem>>) dst(%dma_wait3A_37 : memref<10240x128xf32, #tpu.memory_space<vmem_shared>>)
    %barrier3A_38 = arith.constant 0 : index
    tpu.barrier barrier_id(%barrier3A_38)
    "tpu.region"() ({
      %run_scoped3A = tpu.sem_alloc : memref<!tpu.dma_semaphore, #tpu.memory_space<semaphore_mem>>
      %dma_start3A_39 = arith.constant 0 : i32
      %dma_start3A_40 = tpu.memref_slice %arg6[%arg0, %mul3A_2, %dma_start3A_39] : memref<2x10240x128xf32, #tpu.memory_space<hbm>> -> memref<1x640x128xf32, #tpu.memory_space<hbm>>
      %dma_start3A_41 = tpu.memref_squeeze %dma_start3A_40 : memref<1x640x128xf32, #tpu.memory_space<hbm>> -> memref<640x128xf32, #tpu.memory_space<hbm>>
      %dma_start3A_42 = arith.constant 0 : i32
      %dma_start3A_43 = tpu.memref_slice %arg13[%mul3A_2, %dma_start3A_42] : memref<10240x128xf32, #tpu.memory_space<vmem_shared>> -> memref<640x128xf32, #tpu.memory_space<vmem_shared>>
      tpu.enqueue_dma source(%dma_start3A_43 : memref<640x128xf32, #tpu.memory_space<vmem_shared>>) target(%dma_start3A_41 : memref<640x128xf32, #tpu.memory_space<hbm>>) target_semaphore(%run_scoped3A : memref<!tpu.dma_semaphore, #tpu.memory_space<semaphore_mem>>)
      %dma_wait3A_44 = arith.constant 0 : i32
      %dma_wait3A_45 = tpu.memref_slice %arg6[%arg0, %mul3A_2, %dma_wait3A_44] : memref<2x10240x128xf32, #tpu.memory_space<hbm>> -> memref<1x640x128xf32, #tpu.memory_space<hbm>>
      %dma_wait3A_46 = tpu.memref_squeeze %dma_wait3A_45 : memref<1x640x128xf32, #tpu.memory_space<hbm>> -> memref<640x128xf32, #tpu.memory_space<hbm>>
      %dma_wait3A_47 = arith.constant 0 : i32
      %dma_wait3A_48 = tpu.memref_slice %arg13[%mul3A_2, %dma_wait3A_47] : memref<10240x128xf32, #tpu.memory_space<vmem_shared>> -> memref<640x128xf32, #tpu.memory_space<vmem_shared>>
      tpu.wait_dma2 semaphore(%run_scoped3A : memref<!tpu.dma_semaphore, #tpu.memory_space<semaphore_mem>>) src(%dma_wait3A_48 : memref<640x128xf32, #tpu.memory_space<vmem_shared>>) dst(%dma_wait3A_46 : memref<640x128xf32, #tpu.memory_space<hbm>>)
      tpu.yield
    }) : () -> ()
    return
  }
}

#map = affine_map<(d0, d1) -> (0, 0)>
#map1 = affine_map<(d0, d1) -> (0, 0, 0)>
module attributes {stable_mosaic.version = 14 : i64} {
  func.func @_sc_scatter(%arg0: i32, %arg1: i32, %arg2: memref<10000x128xf32, #tpu.memory_space<hbm>>, %arg3: memref<32x80x128xi32, #tpu.memory_space<hbm>>, %arg4: memref<32x80x128xi32, #tpu.memory_space<hbm>>, %arg5: memref<640x128xf32, #tpu.memory_space<hbm>>, %arg6: memref<2x10240x128xf32, #tpu.memory_space<hbm>>, %arg7: memref<40x128xi32, #tpu.memory_space<vmem>>, %arg8: memref<40x128xi32, #tpu.memory_space<vmem>>, %arg9: memref<128x128xf32, #tpu.memory_space<vmem>>, %arg10: memref<128x128xf32, #tpu.memory_space<vmem>>, %arg11: memref<!tpu.dma_semaphore, #tpu.memory_space<semaphore_mem>>, %arg12: memref<!tpu.dma_semaphore, #tpu.memory_space<semaphore_mem>>, %arg13: memref<10240x128xf32, #tpu.memory_space<vmem_shared>>) attributes {dimension_semantics = [#tpu.dimension_semantics<core_parallel>, #tpu.dimension_semantics<subcore_parallel>], iteration_bounds = array<i64: 2, 16>, scalar_prefetch = 0 : i64, scratch_operands = 7 : i64, tpu.core_type = #tpu.core_type<sc_vector_subcore>, window_params = [{transform_indices = #map}, {transform_indices = #map1}, {transform_indices = #map1}, {transform_indices = #map}, {transform_indices = #map1}]} {
    %mul3A = arith.constant 16 : i32
    %mul3A_0 = arith.muli %arg0, %mul3A : i32
    %add3A = arith.addi %mul3A_0, %arg1 : i32
    %mul3A_1 = arith.constant 640 : i32
    %mul3A_2 = arith.muli %arg1, %mul3A_1 : i32
    "tpu.region"() ({
      %run_scoped3A = tpu.sem_alloc : memref<!tpu.dma_semaphore, #tpu.memory_space<semaphore_mem>>
      %dma_start3A_39 = arith.constant 0 : i32
      %dma_start3A_40 = tpu.memref_slice %arg13[%mul3A_2, %dma_start3A_39] : memref<10240x128xf32, #tpu.memory_space<vmem_shared>> -> memref<640x128xf32, #tpu.memory_space<vmem_shared>>
      tpu.enqueue_dma source(%arg5 : memref<640x128xf32, #tpu.memory_space<hbm>>) target(%dma_start3A_40 : memref<640x128xf32, #tpu.memory_space<vmem_shared>>) target_semaphore(%run_scoped3A : memref<!tpu.dma_semaphore, #tpu.memory_space<semaphore_mem>>)
      %dma_wait3A_41 = arith.constant 0 : i32
      %dma_wait3A_42 = tpu.memref_slice %arg13[%mul3A_2, %dma_wait3A_41] : memref<10240x128xf32, #tpu.memory_space<vmem_shared>> -> memref<640x128xf32, #tpu.memory_space<vmem_shared>>
      tpu.wait_dma2 semaphore(%run_scoped3A : memref<!tpu.dma_semaphore, #tpu.memory_space<semaphore_mem>>) src(%arg5 : memref<640x128xf32, #tpu.memory_space<hbm>>) dst(%dma_wait3A_42 : memref<640x128xf32, #tpu.memory_space<vmem_shared>>)
      tpu.yield
    }) : () -> ()
    %barrier3A = arith.constant 0 : index
    tpu.barrier barrier_id(%barrier3A)
    "tpu.region"() ({
      %run_scoped3A = tpu.sem_alloc : memref<!tpu.dma_semaphore, #tpu.memory_space<semaphore_mem>>
      %dma_start3A_39 = arith.constant 0 : i32
      %dma_start3A_40 = arith.constant 0 : i32
      %dma_start3A_41 = tpu.memref_slice %arg3[%add3A, %dma_start3A_39, %dma_start3A_40] : memref<32x80x128xi32, #tpu.memory_space<hbm>> -> memref<1x40x128xi32, #tpu.memory_space<hbm>>
      %dma_start3A_42 = tpu.memref_squeeze %dma_start3A_41 : memref<1x40x128xi32, #tpu.memory_space<hbm>> -> memref<40x128xi32, #tpu.memory_space<hbm>>
      %dma_start3A_43 = arith.constant 0 : i32
      %dma_start3A_44 = arith.constant 0 : i32
      %dma_start3A_45 = tpu.memref_slice %arg3[%add3A, %dma_start3A_43, %dma_start3A_44] : memref<32x80x128xi32, #tpu.memory_space<hbm>> -> memref<1x40x128xi32, #tpu.memory_space<hbm>>
      %dma_start3A_46 = tpu.memref_squeeze %dma_start3A_45 : memref<1x40x128xi32, #tpu.memory_space<hbm>> -> memref<40x128xi32, #tpu.memory_space<hbm>>
      tpu.enqueue_dma source(%dma_start3A_46 : memref<40x128xi32, #tpu.memory_space<hbm>>) target(%arg7 : memref<40x128xi32, #tpu.memory_space<vmem>>) target_semaphore(%run_scoped3A : memref<!tpu.dma_semaphore, #tpu.memory_space<semaphore_mem>>)
      %dma_wait3A_47 = arith.constant 0 : i32
      %dma_wait3A_48 = arith.constant 0 : i32
      %dma_wait3A_49 = tpu.memref_slice %arg3[%add3A, %dma_wait3A_47, %dma_wait3A_48] : memref<32x80x128xi32, #tpu.memory_space<hbm>> -> memref<1x40x128xi32, #tpu.memory_space<hbm>>
      %dma_wait3A_50 = tpu.memref_squeeze %dma_wait3A_49 : memref<1x40x128xi32, #tpu.memory_space<hbm>> -> memref<40x128xi32, #tpu.memory_space<hbm>>
      %dma_wait3A_51 = arith.constant 0 : i32
      %dma_wait3A_52 = arith.constant 0 : i32
      %dma_wait3A_53 = tpu.memref_slice %arg3[%add3A, %dma_wait3A_51, %dma_wait3A_52] : memref<32x80x128xi32, #tpu.memory_space<hbm>> -> memref<1x40x128xi32, #tpu.memory_space<hbm>>
      %dma_wait3A_54 = tpu.memref_squeeze %dma_wait3A_53 : memref<1x40x128xi32, #tpu.memory_space<hbm>> -> memref<40x128xi32, #tpu.memory_space<hbm>>
      tpu.wait_dma2 semaphore(%run_scoped3A : memref<!tpu.dma_semaphore, #tpu.memory_space<semaphore_mem>>) src(%dma_wait3A_54 : memref<40x128xi32, #tpu.memory_space<hbm>>) dst(%arg7 : memref<40x128xi32, #tpu.memory_space<vmem>>)
      tpu.yield
    }) : () -> ()
    "tpu.region"() ({
      %run_scoped3A = tpu.sem_alloc : memref<!tpu.dma_semaphore, #tpu.memory_space<semaphore_mem>>
      %dma_start3A_39 = arith.constant 0 : i32
      %dma_start3A_40 = arith.constant 0 : i32
      %dma_start3A_41 = tpu.memref_slice %arg4[%add3A, %dma_start3A_39, %dma_start3A_40] : memref<32x80x128xi32, #tpu.memory_space<hbm>> -> memref<1x40x128xi32, #tpu.memory_space<hbm>>
      %dma_start3A_42 = tpu.memref_squeeze %dma_start3A_41 : memref<1x40x128xi32, #tpu.memory_space<hbm>> -> memref<40x128xi32, #tpu.memory_space<hbm>>
      %dma_start3A_43 = arith.constant 0 : i32
      %dma_start3A_44 = arith.constant 0 : i32
      %dma_start3A_45 = tpu.memref_slice %arg4[%add3A, %dma_start3A_43, %dma_start3A_44] : memref<32x80x128xi32, #tpu.memory_space<hbm>> -> memref<1x40x128xi32, #tpu.memory_space<hbm>>
      %dma_start3A_46 = tpu.memref_squeeze %dma_start3A_45 : memref<1x40x128xi32, #tpu.memory_space<hbm>> -> memref<40x128xi32, #tpu.memory_space<hbm>>
      tpu.enqueue_dma source(%dma_start3A_46 : memref<40x128xi32, #tpu.memory_space<hbm>>) target(%arg8 : memref<40x128xi32, #tpu.memory_space<vmem>>) target_semaphore(%run_scoped3A : memref<!tpu.dma_semaphore, #tpu.memory_space<semaphore_mem>>)
      %dma_wait3A_47 = arith.constant 0 : i32
      %dma_wait3A_48 = arith.constant 0 : i32
      %dma_wait3A_49 = tpu.memref_slice %arg4[%add3A, %dma_wait3A_47, %dma_wait3A_48] : memref<32x80x128xi32, #tpu.memory_space<hbm>> -> memref<1x40x128xi32, #tpu.memory_space<hbm>>
      %dma_wait3A_50 = tpu.memref_squeeze %dma_wait3A_49 : memref<1x40x128xi32, #tpu.memory_space<hbm>> -> memref<40x128xi32, #tpu.memory_space<hbm>>
      %dma_wait3A_51 = arith.constant 0 : i32
      %dma_wait3A_52 = arith.constant 0 : i32
      %dma_wait3A_53 = tpu.memref_slice %arg4[%add3A, %dma_wait3A_51, %dma_wait3A_52] : memref<32x80x128xi32, #tpu.memory_space<hbm>> -> memref<1x40x128xi32, #tpu.memory_space<hbm>>
      %dma_wait3A_54 = tpu.memref_squeeze %dma_wait3A_53 : memref<1x40x128xi32, #tpu.memory_space<hbm>> -> memref<40x128xi32, #tpu.memory_space<hbm>>
      tpu.wait_dma2 semaphore(%run_scoped3A : memref<!tpu.dma_semaphore, #tpu.memory_space<semaphore_mem>>) src(%dma_wait3A_54 : memref<40x128xi32, #tpu.memory_space<hbm>>) dst(%arg8 : memref<40x128xi32, #tpu.memory_space<vmem>>)
      tpu.yield
    }) : () -> ()
    %dma_start3A = arith.constant 0 : i32
    %dma_start3A_3 = arith.constant 0 : i32
    %dma_start3A_4 = tpu.memref_slice %arg7[%dma_start3A, %dma_start3A_3] : memref<40x128xi32, #tpu.memory_space<vmem>> -> memref<1x128xi32, #tpu.memory_space<vmem>>
    %dma_start3A_5 = tpu.memref_squeeze %dma_start3A_4 : memref<1x128xi32, #tpu.memory_space<vmem>> -> memref<128xi32, #tpu.memory_space<vmem>>
    %dma_start3A_6 = arith.constant 0 : i32
    %dma_start3A_7 = arith.constant 0 : i32
    %dma_start3A_8 = tpu.memref_slice %arg2[%dma_start3A_6, %dma_start3A_7] : memref<10000x128xf32, #tpu.memory_space<hbm>> -> memref<10000x128xf32, #tpu.memory_space<hbm>>
    tpu.enqueue_indirect_dma source(%dma_start3A_8 : memref<10000x128xf32, #tpu.memory_space<hbm>>) target(%arg9 : memref<128x128xf32, #tpu.memory_space<vmem>>) offsets(%dma_start3A_5 : memref<128xi32, #tpu.memory_space<vmem>>) semaphore(%arg11 : memref<!tpu.dma_semaphore, #tpu.memory_space<semaphore_mem>>)
    %scan3A = arith.constant 0 : i32
    %scan3A_9 = arith.constant 20 : i32
    %scan3A_10 = arith.addi %scan3A, %scan3A_9 : i32
    %scan3A_11 = arith.constant 1 : i32
    scf.for %scan3A_39 = %scan3A to %scan3A_10 step %scan3A_11  : i32 {
      %mul3A_40 = arith.constant 2 : i32
      %mul3A_41 = arith.muli %scan3A_39, %mul3A_40 : i32
      %add3A_42 = arith.constant 0 : i32
      %add3A_43 = arith.addi %add3A_42, %mul3A_41 : i32
      %add3A_44 = arith.constant 0 : i32
      %add3A_45 = arith.addi %add3A_43, %add3A_44 : i32
      %gt3A = arith.constant 0 : i32
      %gt3A_46 = arith.cmpi sgt, %add3A_43, %gt3A : i32
      %convert_element_type3A = arith.extui %gt3A_46 : i1 to i32
      %cond3A = arith.constant 0 : i32
      %cond3A_47 = arith.cmpi ne, %convert_element_type3A, %cond3A : i32
      scf.if %cond3A_47 {
        %dma_wait3A_92 = arith.constant 0 : i32
        %dma_wait3A_93 = tpu.memref_slice %arg8[%add3A_45, %dma_wait3A_92] : memref<40x128xi32, #tpu.memory_space<vmem>> -> memref<1x128xi32, #tpu.memory_space<vmem>>
        %dma_wait3A_94 = tpu.memref_squeeze %dma_wait3A_93 : memref<1x128xi32, #tpu.memory_space<vmem>> -> memref<128xi32, #tpu.memory_space<vmem>>
        %dma_wait3A_95 = arith.constant 0 : i32
        %dma_wait3A_96 = arith.constant 0 : i32
        %dma_wait3A_97 = tpu.memref_slice %arg13[%dma_wait3A_95, %dma_wait3A_96] : memref<10240x128xf32, #tpu.memory_space<vmem_shared>> -> memref<10240x128xf32, #tpu.memory_space<vmem_shared>>
        tpu.wait_indirect_dma semaphore(%arg12 : memref<!tpu.dma_semaphore, #tpu.memory_space<semaphore_mem>>) src(%arg10 : memref<128x128xf32, #tpu.memory_space<vmem>>) dst(%dma_wait3A_97 : memref<10240x128xf32, #tpu.memory_space<vmem_shared>>)
      } else {
      }
      %add3A_48 = arith.constant 1 : i32
      %add3A_49 = arith.addi %add3A_45, %add3A_48 : i32
      %dma_start3A_50 = arith.constant 0 : i32
      %dma_start3A_51 = tpu.memref_slice %arg7[%add3A_49, %dma_start3A_50] : memref<40x128xi32, #tpu.memory_space<vmem>> -> memref<1x128xi32, #tpu.memory_space<vmem>>
      %dma_start3A_52 = tpu.memref_squeeze %dma_start3A_51 : memref<1x128xi32, #tpu.memory_space<vmem>> -> memref<128xi32, #tpu.memory_space<vmem>>
      %dma_start3A_53 = arith.constant 0 : i32
      %dma_start3A_54 = arith.constant 0 : i32
      %dma_start3A_55 = tpu.memref_slice %arg2[%dma_start3A_53, %dma_start3A_54] : memref<10000x128xf32, #tpu.memory_space<hbm>> -> memref<10000x128xf32, #tpu.memory_space<hbm>>
      tpu.enqueue_indirect_dma source(%dma_start3A_55 : memref<10000x128xf32, #tpu.memory_space<hbm>>) target(%arg10 : memref<128x128xf32, #tpu.memory_space<vmem>>) offsets(%dma_start3A_52 : memref<128xi32, #tpu.memory_space<vmem>>) semaphore(%arg11 : memref<!tpu.dma_semaphore, #tpu.memory_space<semaphore_mem>>)
      %dma_wait3A_56 = arith.constant 0 : i32
      %dma_wait3A_57 = tpu.memref_slice %arg7[%add3A_45, %dma_wait3A_56] : memref<40x128xi32, #tpu.memory_space<vmem>> -> memref<1x128xi32, #tpu.memory_space<vmem>>
      %dma_wait3A_58 = tpu.memref_squeeze %dma_wait3A_57 : memref<1x128xi32, #tpu.memory_space<vmem>> -> memref<128xi32, #tpu.memory_space<vmem>>
      %dma_wait3A_59 = arith.constant 0 : i32
      %dma_wait3A_60 = arith.constant 0 : i32
      %dma_wait3A_61 = tpu.memref_slice %arg2[%dma_wait3A_59, %dma_wait3A_60] : memref<10000x128xf32, #tpu.memory_space<hbm>> -> memref<10000x128xf32, #tpu.memory_space<hbm>>
      tpu.wait_indirect_dma semaphore(%arg11 : memref<!tpu.dma_semaphore, #tpu.memory_space<semaphore_mem>>) src(%dma_wait3A_61 : memref<10000x128xf32, #tpu.memory_space<hbm>>) dst(%arg9 : memref<128x128xf32, #tpu.memory_space<vmem>>)
      %dma_start3A_62 = arith.constant 0 : i32
      %dma_start3A_63 = tpu.memref_slice %arg8[%add3A_45, %dma_start3A_62] : memref<40x128xi32, #tpu.memory_space<vmem>> -> memref<1x128xi32, #tpu.memory_space<vmem>>
      %dma_start3A_64 = tpu.memref_squeeze %dma_start3A_63 : memref<1x128xi32, #tpu.memory_space<vmem>> -> memref<128xi32, #tpu.memory_space<vmem>>
      %dma_start3A_65 = arith.constant 0 : i32
      %dma_start3A_66 = arith.constant 0 : i32
      %dma_start3A_67 = tpu.memref_slice %arg13[%dma_start3A_65, %dma_start3A_66] : memref<10240x128xf32, #tpu.memory_space<vmem_shared>> -> memref<10240x128xf32, #tpu.memory_space<vmem_shared>>
      tpu.enqueue_indirect_dma source(%arg9 : memref<128x128xf32, #tpu.memory_space<vmem>>) target(%dma_start3A_67 : memref<10240x128xf32, #tpu.memory_space<vmem_shared>>) offsets(%dma_start3A_64 : memref<128xi32, #tpu.memory_space<vmem>>) semaphore(%arg12 : memref<!tpu.dma_semaphore, #tpu.memory_space<semaphore_mem>>) {add = true}
      %add3A_68 = arith.constant 1 : i32
      %add3A_69 = arith.addi %add3A_43, %add3A_68 : i32
      %dma_wait3A_70 = arith.constant 0 : i32
      %dma_wait3A_71 = tpu.memref_slice %arg8[%add3A_69, %dma_wait3A_70] : memref<40x128xi32, #tpu.memory_space<vmem>> -> memref<1x128xi32, #tpu.memory_space<vmem>>
      %dma_wait3A_72 = tpu.memref_squeeze %dma_wait3A_71 : memref<1x128xi32, #tpu.memory_space<vmem>> -> memref<128xi32, #tpu.memory_space<vmem>>
      %dma_wait3A_73 = arith.constant 0 : i32
      %dma_wait3A_74 = arith.constant 0 : i32
      %dma_wait3A_75 = tpu.memref_slice %arg13[%dma_wait3A_73, %dma_wait3A_74] : memref<10240x128xf32, #tpu.memory_space<vmem_shared>> -> memref<10240x128xf32, #tpu.memory_space<vmem_shared>>
      tpu.wait_indirect_dma semaphore(%arg12 : memref<!tpu.dma_semaphore, #tpu.memory_space<semaphore_mem>>) src(%arg9 : memref<128x128xf32, #tpu.memory_space<vmem>>) dst(%dma_wait3A_75 : memref<10240x128xf32, #tpu.memory_space<vmem_shared>>)
      %lt3A = arith.constant 38 : i32
      %lt3A_76 = arith.cmpi slt, %add3A_43, %lt3A : i32
      %convert_element_type3A_77 = arith.extui %lt3A_76 : i1 to i32
      %cond3A_78 = arith.constant 0 : i32
      %cond3A_79 = arith.cmpi ne, %convert_element_type3A_77, %cond3A_78 : i32
      scf.if %cond3A_79 {
        %add3A_92 = arith.constant 1 : i32
        %add3A_93 = arith.addi %add3A_69, %add3A_92 : i32
        %dma_start3A_94 = arith.constant 0 : i32
        %dma_start3A_95 = tpu.memref_slice %arg7[%add3A_93, %dma_start3A_94] : memref<40x128xi32, #tpu.memory_space<vmem>> -> memref<1x128xi32, #tpu.memory_space<vmem>>
        %dma_start3A_96 = tpu.memref_squeeze %dma_start3A_95 : memref<1x128xi32, #tpu.memory_space<vmem>> -> memref<128xi32, #tpu.memory_space<vmem>>
        %dma_start3A_97 = arith.constant 0 : i32
        %dma_start3A_98 = arith.constant 0 : i32
        %dma_start3A_99 = tpu.memref_slice %arg2[%dma_start3A_97, %dma_start3A_98] : memref<10000x128xf32, #tpu.memory_space<hbm>> -> memref<10000x128xf32, #tpu.memory_space<hbm>>
        tpu.enqueue_indirect_dma source(%dma_start3A_99 : memref<10000x128xf32, #tpu.memory_space<hbm>>) target(%arg9 : memref<128x128xf32, #tpu.memory_space<vmem>>) offsets(%dma_start3A_96 : memref<128xi32, #tpu.memory_space<vmem>>) semaphore(%arg11 : memref<!tpu.dma_semaphore, #tpu.memory_space<semaphore_mem>>)
      } else {
      }
      %dma_wait3A_80 = arith.constant 0 : i32
      %dma_wait3A_81 = tpu.memref_slice %arg7[%add3A_69, %dma_wait3A_80] : memref<40x128xi32, #tpu.memory_space<vmem>> -> memref<1x128xi32, #tpu.memory_space<vmem>>
      %dma_wait3A_82 = tpu.memref_squeeze %dma_wait3A_81 : memref<1x128xi32, #tpu.memory_space<vmem>> -> memref<128xi32, #tpu.memory_space<vmem>>
      %dma_wait3A_83 = arith.constant 0 : i32
      %dma_wait3A_84 = arith.constant 0 : i32
      %dma_wait3A_85 = tpu.memref_slice %arg2[%dma_wait3A_83, %dma_wait3A_84] : memref<10000x128xf32, #tpu.memory_space<hbm>> -> memref<10000x128xf32, #tpu.memory_space<hbm>>
      tpu.wait_indirect_dma semaphore(%arg11 : memref<!tpu.dma_semaphore, #tpu.memory_space<semaphore_mem>>) src(%dma_wait3A_85 : memref<10000x128xf32, #tpu.memory_space<hbm>>) dst(%arg10 : memref<128x128xf32, #tpu.memory_space<vmem>>)
      %dma_start3A_86 = arith.constant 0 : i32
      %dma_start3A_87 = tpu.memref_slice %arg8[%add3A_69, %dma_start3A_86] : memref<40x128xi32, #tpu.memory_space<vmem>> -> memref<1x128xi32, #tpu.memory_space<vmem>>
      %dma_start3A_88 = tpu.memref_squeeze %dma_start3A_87 : memref<1x128xi32, #tpu.memory_space<vmem>> -> memref<128xi32, #tpu.memory_space<vmem>>
      %dma_start3A_89 = arith.constant 0 : i32
      %dma_start3A_90 = arith.constant 0 : i32
      %dma_start3A_91 = tpu.memref_slice %arg13[%dma_start3A_89, %dma_start3A_90] : memref<10240x128xf32, #tpu.memory_space<vmem_shared>> -> memref<10240x128xf32, #tpu.memory_space<vmem_shared>>
      tpu.enqueue_indirect_dma source(%arg10 : memref<128x128xf32, #tpu.memory_space<vmem>>) target(%dma_start3A_91 : memref<10240x128xf32, #tpu.memory_space<vmem_shared>>) offsets(%dma_start3A_88 : memref<128xi32, #tpu.memory_space<vmem>>) semaphore(%arg12 : memref<!tpu.dma_semaphore, #tpu.memory_space<semaphore_mem>>) {add = true}
    }
    %scan3A_12 = arith.constant 20 : i32
    %dma_wait3A = arith.constant 39 : i32
    %dma_wait3A_13 = arith.constant 0 : i32
    %dma_wait3A_14 = tpu.memref_slice %arg8[%dma_wait3A, %dma_wait3A_13] : memref<40x128xi32, #tpu.memory_space<vmem>> -> memref<1x128xi32, #tpu.memory_space<vmem>>
    %dma_wait3A_15 = tpu.memref_squeeze %dma_wait3A_14 : memref<1x128xi32, #tpu.memory_space<vmem>> -> memref<128xi32, #tpu.memory_space<vmem>>
    %dma_wait3A_16 = arith.constant 0 : i32
    %dma_wait3A_17 = arith.constant 0 : i32
    %dma_wait3A_18 = tpu.memref_slice %arg13[%dma_wait3A_16, %dma_wait3A_17] : memref<10240x128xf32, #tpu.memory_space<vmem_shared>> -> memref<10240x128xf32, #tpu.memory_space<vmem_shared>>
    tpu.wait_indirect_dma semaphore(%arg12 : memref<!tpu.dma_semaphore, #tpu.memory_space<semaphore_mem>>) src(%arg10 : memref<128x128xf32, #tpu.memory_space<vmem>>) dst(%dma_wait3A_18 : memref<10240x128xf32, #tpu.memory_space<vmem_shared>>)
    "tpu.region"() ({
      %run_scoped3A = tpu.sem_alloc : memref<!tpu.dma_semaphore, #tpu.memory_space<semaphore_mem>>
      %dma_start3A_39 = arith.constant 40 : i32
      %dma_start3A_40 = arith.constant 0 : i32
      %dma_start3A_41 = tpu.memref_slice %arg3[%add3A, %dma_start3A_39, %dma_start3A_40] : memref<32x80x128xi32, #tpu.memory_space<hbm>> -> memref<1x40x128xi32, #tpu.memory_space<hbm>>
      %dma_start3A_42 = tpu.memref_squeeze %dma_start3A_41 : memref<1x40x128xi32, #tpu.memory_space<hbm>> -> memref<40x128xi32, #tpu.memory_space<hbm>>
      %dma_start3A_43 = arith.constant 40 : i32
      %dma_start3A_44 = arith.constant 0 : i32
      %dma_start3A_45 = tpu.memref_slice %arg3[%add3A, %dma_start3A_43, %dma_start3A_44] : memref<32x80x128xi32, #tpu.memory_space<hbm>> -> memref<1x40x128xi32, #tpu.memory_space<hbm>>
      %dma_start3A_46 = tpu.memref_squeeze %dma_start3A_45 : memref<1x40x128xi32, #tpu.memory_space<hbm>> -> memref<40x128xi32, #tpu.memory_space<hbm>>
      tpu.enqueue_dma source(%dma_start3A_46 : memref<40x128xi32, #tpu.memory_space<hbm>>) target(%arg7 : memref<40x128xi32, #tpu.memory_space<vmem>>) target_semaphore(%run_scoped3A : memref<!tpu.dma_semaphore, #tpu.memory_space<semaphore_mem>>)
      %dma_wait3A_47 = arith.constant 40 : i32
      %dma_wait3A_48 = arith.constant 0 : i32
      %dma_wait3A_49 = tpu.memref_slice %arg3[%add3A, %dma_wait3A_47, %dma_wait3A_48] : memref<32x80x128xi32, #tpu.memory_space<hbm>> -> memref<1x40x128xi32, #tpu.memory_space<hbm>>
      %dma_wait3A_50 = tpu.memref_squeeze %dma_wait3A_49 : memref<1x40x128xi32, #tpu.memory_space<hbm>> -> memref<40x128xi32, #tpu.memory_space<hbm>>
      %dma_wait3A_51 = arith.constant 40 : i32
      %dma_wait3A_52 = arith.constant 0 : i32
      %dma_wait3A_53 = tpu.memref_slice %arg3[%add3A, %dma_wait3A_51, %dma_wait3A_52] : memref<32x80x128xi32, #tpu.memory_space<hbm>> -> memref<1x40x128xi32, #tpu.memory_space<hbm>>
      %dma_wait3A_54 = tpu.memref_squeeze %dma_wait3A_53 : memref<1x40x128xi32, #tpu.memory_space<hbm>> -> memref<40x128xi32, #tpu.memory_space<hbm>>
      tpu.wait_dma2 semaphore(%run_scoped3A : memref<!tpu.dma_semaphore, #tpu.memory_space<semaphore_mem>>) src(%dma_wait3A_54 : memref<40x128xi32, #tpu.memory_space<hbm>>) dst(%arg7 : memref<40x128xi32, #tpu.memory_space<vmem>>)
      tpu.yield
    }) : () -> ()
    "tpu.region"() ({
      %run_scoped3A = tpu.sem_alloc : memref<!tpu.dma_semaphore, #tpu.memory_space<semaphore_mem>>
      %dma_start3A_39 = arith.constant 40 : i32
      %dma_start3A_40 = arith.constant 0 : i32
      %dma_start3A_41 = tpu.memref_slice %arg4[%add3A, %dma_start3A_39, %dma_start3A_40] : memref<32x80x128xi32, #tpu.memory_space<hbm>> -> memref<1x40x128xi32, #tpu.memory_space<hbm>>
      %dma_start3A_42 = tpu.memref_squeeze %dma_start3A_41 : memref<1x40x128xi32, #tpu.memory_space<hbm>> -> memref<40x128xi32, #tpu.memory_space<hbm>>
      %dma_start3A_43 = arith.constant 40 : i32
      %dma_start3A_44 = arith.constant 0 : i32
      %dma_start3A_45 = tpu.memref_slice %arg4[%add3A, %dma_start3A_43, %dma_start3A_44] : memref<32x80x128xi32, #tpu.memory_space<hbm>> -> memref<1x40x128xi32, #tpu.memory_space<hbm>>
      %dma_start3A_46 = tpu.memref_squeeze %dma_start3A_45 : memref<1x40x128xi32, #tpu.memory_space<hbm>> -> memref<40x128xi32, #tpu.memory_space<hbm>>
      tpu.enqueue_dma source(%dma_start3A_46 : memref<40x128xi32, #tpu.memory_space<hbm>>) target(%arg8 : memref<40x128xi32, #tpu.memory_space<vmem>>) target_semaphore(%run_scoped3A : memref<!tpu.dma_semaphore, #tpu.memory_space<semaphore_mem>>)
      %dma_wait3A_47 = arith.constant 40 : i32
      %dma_wait3A_48 = arith.constant 0 : i32
      %dma_wait3A_49 = tpu.memref_slice %arg4[%add3A, %dma_wait3A_47, %dma_wait3A_48] : memref<32x80x128xi32, #tpu.memory_space<hbm>> -> memref<1x40x128xi32, #tpu.memory_space<hbm>>
      %dma_wait3A_50 = tpu.memref_squeeze %dma_wait3A_49 : memref<1x40x128xi32, #tpu.memory_space<hbm>> -> memref<40x128xi32, #tpu.memory_space<hbm>>
      %dma_wait3A_51 = arith.constant 40 : i32
      %dma_wait3A_52 = arith.constant 0 : i32
      %dma_wait3A_53 = tpu.memref_slice %arg4[%add3A, %dma_wait3A_51, %dma_wait3A_52] : memref<32x80x128xi32, #tpu.memory_space<hbm>> -> memref<1x40x128xi32, #tpu.memory_space<hbm>>
      %dma_wait3A_54 = tpu.memref_squeeze %dma_wait3A_53 : memref<1x40x128xi32, #tpu.memory_space<hbm>> -> memref<40x128xi32, #tpu.memory_space<hbm>>
      tpu.wait_dma2 semaphore(%run_scoped3A : memref<!tpu.dma_semaphore, #tpu.memory_space<semaphore_mem>>) src(%dma_wait3A_54 : memref<40x128xi32, #tpu.memory_space<hbm>>) dst(%arg8 : memref<40x128xi32, #tpu.memory_space<vmem>>)
      tpu.yield
    }) : () -> ()
    %dma_start3A_19 = arith.constant 0 : i32
    %dma_start3A_20 = arith.constant 0 : i32
    %dma_start3A_21 = tpu.memref_slice %arg7[%dma_start3A_19, %dma_start3A_20] : memref<40x128xi32, #tpu.memory_space<vmem>> -> memref<1x128xi32, #tpu.memory_space<vmem>>
    %dma_start3A_22 = tpu.memref_squeeze %dma_start3A_21 : memref<1x128xi32, #tpu.memory_space<vmem>> -> memref<128xi32, #tpu.memory_space<vmem>>
    %dma_start3A_23 = arith.constant 0 : i32
    %dma_start3A_24 = arith.constant 0 : i32
    %dma_start3A_25 = tpu.memref_slice %arg2[%dma_start3A_23, %dma_start3A_24] : memref<10000x128xf32, #tpu.memory_space<hbm>> -> memref<10000x128xf32, #tpu.memory_space<hbm>>
    tpu.enqueue_indirect_dma source(%dma_start3A_25 : memref<10000x128xf32, #tpu.memory_space<hbm>>) target(%arg9 : memref<128x128xf32, #tpu.memory_space<vmem>>) offsets(%dma_start3A_22 : memref<128xi32, #tpu.memory_space<vmem>>) semaphore(%arg11 : memref<!tpu.dma_semaphore, #tpu.memory_space<semaphore_mem>>)
    %scan3A_26 = arith.constant 0 : i32
    %scan3A_27 = arith.constant 20 : i32
    %scan3A_28 = arith.addi %scan3A_26, %scan3A_27 : i32
    %scan3A_29 = arith.constant 1 : i32
    scf.for %scan3A_39 = %scan3A_26 to %scan3A_28 step %scan3A_29  : i32 {
      %mul3A_40 = arith.constant 2 : i32
      %mul3A_41 = arith.muli %scan3A_39, %mul3A_40 : i32
      %add3A_42 = arith.constant 0 : i32
      %add3A_43 = arith.addi %add3A_42, %mul3A_41 : i32
      %add3A_44 = arith.constant 0 : i32
      %add3A_45 = arith.addi %add3A_43, %add3A_44 : i32
      %gt3A = arith.constant 0 : i32
      %gt3A_46 = arith.cmpi sgt, %add3A_43, %gt3A : i32
      %convert_element_type3A = arith.extui %gt3A_46 : i1 to i32
      %cond3A = arith.constant 0 : i32
      %cond3A_47 = arith.cmpi ne, %convert_element_type3A, %cond3A : i32
      scf.if %cond3A_47 {
        %dma_wait3A_92 = arith.constant 0 : i32
        %dma_wait3A_93 = tpu.memref_slice %arg8[%add3A_45, %dma_wait3A_92] : memref<40x128xi32, #tpu.memory_space<vmem>> -> memref<1x128xi32, #tpu.memory_space<vmem>>
        %dma_wait3A_94 = tpu.memref_squeeze %dma_wait3A_93 : memref<1x128xi32, #tpu.memory_space<vmem>> -> memref<128xi32, #tpu.memory_space<vmem>>
        %dma_wait3A_95 = arith.constant 0 : i32
        %dma_wait3A_96 = arith.constant 0 : i32
        %dma_wait3A_97 = tpu.memref_slice %arg13[%dma_wait3A_95, %dma_wait3A_96] : memref<10240x128xf32, #tpu.memory_space<vmem_shared>> -> memref<10240x128xf32, #tpu.memory_space<vmem_shared>>
        tpu.wait_indirect_dma semaphore(%arg12 : memref<!tpu.dma_semaphore, #tpu.memory_space<semaphore_mem>>) src(%arg10 : memref<128x128xf32, #tpu.memory_space<vmem>>) dst(%dma_wait3A_97 : memref<10240x128xf32, #tpu.memory_space<vmem_shared>>)
      } else {
      }
      %add3A_48 = arith.constant 1 : i32
      %add3A_49 = arith.addi %add3A_45, %add3A_48 : i32
      %dma_start3A_50 = arith.constant 0 : i32
      %dma_start3A_51 = tpu.memref_slice %arg7[%add3A_49, %dma_start3A_50] : memref<40x128xi32, #tpu.memory_space<vmem>> -> memref<1x128xi32, #tpu.memory_space<vmem>>
      %dma_start3A_52 = tpu.memref_squeeze %dma_start3A_51 : memref<1x128xi32, #tpu.memory_space<vmem>> -> memref<128xi32, #tpu.memory_space<vmem>>
      %dma_start3A_53 = arith.constant 0 : i32
      %dma_start3A_54 = arith.constant 0 : i32
      %dma_start3A_55 = tpu.memref_slice %arg2[%dma_start3A_53, %dma_start3A_54] : memref<10000x128xf32, #tpu.memory_space<hbm>> -> memref<10000x128xf32, #tpu.memory_space<hbm>>
      tpu.enqueue_indirect_dma source(%dma_start3A_55 : memref<10000x128xf32, #tpu.memory_space<hbm>>) target(%arg10 : memref<128x128xf32, #tpu.memory_space<vmem>>) offsets(%dma_start3A_52 : memref<128xi32, #tpu.memory_space<vmem>>) semaphore(%arg11 : memref<!tpu.dma_semaphore, #tpu.memory_space<semaphore_mem>>)
      %dma_wait3A_56 = arith.constant 0 : i32
      %dma_wait3A_57 = tpu.memref_slice %arg7[%add3A_45, %dma_wait3A_56] : memref<40x128xi32, #tpu.memory_space<vmem>> -> memref<1x128xi32, #tpu.memory_space<vmem>>
      %dma_wait3A_58 = tpu.memref_squeeze %dma_wait3A_57 : memref<1x128xi32, #tpu.memory_space<vmem>> -> memref<128xi32, #tpu.memory_space<vmem>>
      %dma_wait3A_59 = arith.constant 0 : i32
      %dma_wait3A_60 = arith.constant 0 : i32
      %dma_wait3A_61 = tpu.memref_slice %arg2[%dma_wait3A_59, %dma_wait3A_60] : memref<10000x128xf32, #tpu.memory_space<hbm>> -> memref<10000x128xf32, #tpu.memory_space<hbm>>
      tpu.wait_indirect_dma semaphore(%arg11 : memref<!tpu.dma_semaphore, #tpu.memory_space<semaphore_mem>>) src(%dma_wait3A_61 : memref<10000x128xf32, #tpu.memory_space<hbm>>) dst(%arg9 : memref<128x128xf32, #tpu.memory_space<vmem>>)
      %dma_start3A_62 = arith.constant 0 : i32
      %dma_start3A_63 = tpu.memref_slice %arg8[%add3A_45, %dma_start3A_62] : memref<40x128xi32, #tpu.memory_space<vmem>> -> memref<1x128xi32, #tpu.memory_space<vmem>>
      %dma_start3A_64 = tpu.memref_squeeze %dma_start3A_63 : memref<1x128xi32, #tpu.memory_space<vmem>> -> memref<128xi32, #tpu.memory_space<vmem>>
      %dma_start3A_65 = arith.constant 0 : i32
      %dma_start3A_66 = arith.constant 0 : i32
      %dma_start3A_67 = tpu.memref_slice %arg13[%dma_start3A_65, %dma_start3A_66] : memref<10240x128xf32, #tpu.memory_space<vmem_shared>> -> memref<10240x128xf32, #tpu.memory_space<vmem_shared>>
      tpu.enqueue_indirect_dma source(%arg9 : memref<128x128xf32, #tpu.memory_space<vmem>>) target(%dma_start3A_67 : memref<10240x128xf32, #tpu.memory_space<vmem_shared>>) offsets(%dma_start3A_64 : memref<128xi32, #tpu.memory_space<vmem>>) semaphore(%arg12 : memref<!tpu.dma_semaphore, #tpu.memory_space<semaphore_mem>>) {add = true}
      %add3A_68 = arith.constant 1 : i32
      %add3A_69 = arith.addi %add3A_43, %add3A_68 : i32
      %dma_wait3A_70 = arith.constant 0 : i32
      %dma_wait3A_71 = tpu.memref_slice %arg8[%add3A_69, %dma_wait3A_70] : memref<40x128xi32, #tpu.memory_space<vmem>> -> memref<1x128xi32, #tpu.memory_space<vmem>>
      %dma_wait3A_72 = tpu.memref_squeeze %dma_wait3A_71 : memref<1x128xi32, #tpu.memory_space<vmem>> -> memref<128xi32, #tpu.memory_space<vmem>>
      %dma_wait3A_73 = arith.constant 0 : i32
      %dma_wait3A_74 = arith.constant 0 : i32
      %dma_wait3A_75 = tpu.memref_slice %arg13[%dma_wait3A_73, %dma_wait3A_74] : memref<10240x128xf32, #tpu.memory_space<vmem_shared>> -> memref<10240x128xf32, #tpu.memory_space<vmem_shared>>
      tpu.wait_indirect_dma semaphore(%arg12 : memref<!tpu.dma_semaphore, #tpu.memory_space<semaphore_mem>>) src(%arg9 : memref<128x128xf32, #tpu.memory_space<vmem>>) dst(%dma_wait3A_75 : memref<10240x128xf32, #tpu.memory_space<vmem_shared>>)
      %lt3A = arith.constant 38 : i32
      %lt3A_76 = arith.cmpi slt, %add3A_43, %lt3A : i32
      %convert_element_type3A_77 = arith.extui %lt3A_76 : i1 to i32
      %cond3A_78 = arith.constant 0 : i32
      %cond3A_79 = arith.cmpi ne, %convert_element_type3A_77, %cond3A_78 : i32
      scf.if %cond3A_79 {
        %add3A_92 = arith.constant 1 : i32
        %add3A_93 = arith.addi %add3A_69, %add3A_92 : i32
        %dma_start3A_94 = arith.constant 0 : i32
        %dma_start3A_95 = tpu.memref_slice %arg7[%add3A_93, %dma_start3A_94] : memref<40x128xi32, #tpu.memory_space<vmem>> -> memref<1x128xi32, #tpu.memory_space<vmem>>
        %dma_start3A_96 = tpu.memref_squeeze %dma_start3A_95 : memref<1x128xi32, #tpu.memory_space<vmem>> -> memref<128xi32, #tpu.memory_space<vmem>>
        %dma_start3A_97 = arith.constant 0 : i32
        %dma_start3A_98 = arith.constant 0 : i32
        %dma_start3A_99 = tpu.memref_slice %arg2[%dma_start3A_97, %dma_start3A_98] : memref<10000x128xf32, #tpu.memory_space<hbm>> -> memref<10000x128xf32, #tpu.memory_space<hbm>>
        tpu.enqueue_indirect_dma source(%dma_start3A_99 : memref<10000x128xf32, #tpu.memory_space<hbm>>) target(%arg9 : memref<128x128xf32, #tpu.memory_space<vmem>>) offsets(%dma_start3A_96 : memref<128xi32, #tpu.memory_space<vmem>>) semaphore(%arg11 : memref<!tpu.dma_semaphore, #tpu.memory_space<semaphore_mem>>)
      } else {
      }
      %dma_wait3A_80 = arith.constant 0 : i32
      %dma_wait3A_81 = tpu.memref_slice %arg7[%add3A_69, %dma_wait3A_80] : memref<40x128xi32, #tpu.memory_space<vmem>> -> memref<1x128xi32, #tpu.memory_space<vmem>>
      %dma_wait3A_82 = tpu.memref_squeeze %dma_wait3A_81 : memref<1x128xi32, #tpu.memory_space<vmem>> -> memref<128xi32, #tpu.memory_space<vmem>>
      %dma_wait3A_83 = arith.constant 0 : i32
      %dma_wait3A_84 = arith.constant 0 : i32
      %dma_wait3A_85 = tpu.memref_slice %arg2[%dma_wait3A_83, %dma_wait3A_84] : memref<10000x128xf32, #tpu.memory_space<hbm>> -> memref<10000x128xf32, #tpu.memory_space<hbm>>
      tpu.wait_indirect_dma semaphore(%arg11 : memref<!tpu.dma_semaphore, #tpu.memory_space<semaphore_mem>>) src(%dma_wait3A_85 : memref<10000x128xf32, #tpu.memory_space<hbm>>) dst(%arg10 : memref<128x128xf32, #tpu.memory_space<vmem>>)
      %dma_start3A_86 = arith.constant 0 : i32
      %dma_start3A_87 = tpu.memref_slice %arg8[%add3A_69, %dma_start3A_86] : memref<40x128xi32, #tpu.memory_space<vmem>> -> memref<1x128xi32, #tpu.memory_space<vmem>>
      %dma_start3A_88 = tpu.memref_squeeze %dma_start3A_87 : memref<1x128xi32, #tpu.memory_space<vmem>> -> memref<128xi32, #tpu.memory_space<vmem>>
      %dma_start3A_89 = arith.constant 0 : i32
      %dma_start3A_90 = arith.constant 0 : i32
      %dma_start3A_91 = tpu.memref_slice %arg13[%dma_start3A_89, %dma_start3A_90] : memref<10240x128xf32, #tpu.memory_space<vmem_shared>> -> memref<10240x128xf32, #tpu.memory_space<vmem_shared>>
      tpu.enqueue_indirect_dma source(%arg10 : memref<128x128xf32, #tpu.memory_space<vmem>>) target(%dma_start3A_91 : memref<10240x128xf32, #tpu.memory_space<vmem_shared>>) offsets(%dma_start3A_88 : memref<128xi32, #tpu.memory_space<vmem>>) semaphore(%arg12 : memref<!tpu.dma_semaphore, #tpu.memory_space<semaphore_mem>>) {add = true}
    }
    %scan3A_30 = arith.constant 20 : i32
    %dma_wait3A_31 = arith.constant 39 : i32
    %dma_wait3A_32 = arith.constant 0 : i32
    %dma_wait3A_33 = tpu.memref_slice %arg8[%dma_wait3A_31, %dma_wait3A_32] : memref<40x128xi32, #tpu.memory_space<vmem>> -> memref<1x128xi32, #tpu.memory_space<vmem>>
    %dma_wait3A_34 = tpu.memref_squeeze %dma_wait3A_33 : memref<1x128xi32, #tpu.memory_space<vmem>> -> memref<128xi32, #tpu.memory_space<vmem>>
    %dma_wait3A_35 = arith.constant 0 : i32
    %dma_wait3A_36 = arith.constant 0 : i32
    %dma_wait3A_37 = tpu.memref_slice %arg13[%dma_wait3A_35, %dma_wait3A_36] : memref<10240x128xf32, #tpu.memory_space<vmem_shared>> -> memref<10240x128xf32, #tpu.memory_space<vmem_shared>>
    tpu.wait_indirect_dma semaphore(%arg12 : memref<!tpu.dma_semaphore, #tpu.memory_space<semaphore_mem>>) src(%arg10 : memref<128x128xf32, #tpu.memory_space<vmem>>) dst(%dma_wait3A_37 : memref<10240x128xf32, #tpu.memory_space<vmem_shared>>)
    %barrier3A_38 = arith.constant 0 : index
    tpu.barrier barrier_id(%barrier3A_38)
    "tpu.region"() ({
      %run_scoped3A = tpu.sem_alloc : memref<!tpu.dma_semaphore, #tpu.memory_space<semaphore_mem>>
      %dma_start3A_39 = arith.constant 0 : i32
      %dma_start3A_40 = tpu.memref_slice %arg6[%arg0, %mul3A_2, %dma_start3A_39] : memref<2x10240x128xf32, #tpu.memory_space<hbm>> -> memref<1x640x128xf32, #tpu.memory_space<hbm>>
      %dma_start3A_41 = tpu.memref_squeeze %dma_start3A_40 : memref<1x640x128xf32, #tpu.memory_space<hbm>> -> memref<640x128xf32, #tpu.memory_space<hbm>>
      %dma_start3A_42 = arith.constant 0 : i32
      %dma_start3A_43 = tpu.memref_slice %arg13[%mul3A_2, %dma_start3A_42] : memref<10240x128xf32, #tpu.memory_space<vmem_shared>> -> memref<640x128xf32, #tpu.memory_space<vmem_shared>>
      tpu.enqueue_dma source(%dma_start3A_43 : memref<640x128xf32, #tpu.memory_space<vmem_shared>>) target(%dma_start3A_41 : memref<640x128xf32, #tpu.memory_space<hbm>>) target_semaphore(%run_scoped3A : memref<!tpu.dma_semaphore, #tpu.memory_space<semaphore_mem>>)
      %dma_wait3A_44 = arith.constant 0 : i32
      %dma_wait3A_45 = tpu.memref_slice %arg6[%arg0, %mul3A_2, %dma_wait3A_44] : memref<2x10240x128xf32, #tpu.memory_space<hbm>> -> memref<1x640x128xf32, #tpu.memory_space<hbm>>
      %dma_wait3A_46 = tpu.memref_squeeze %dma_wait3A_45 : memref<1x640x128xf32, #tpu.memory_space<hbm>> -> memref<640x128xf32, #tpu.memory_space<hbm>>
      %dma_wait3A_47 = arith.constant 0 : i32
      %dma_wait3A_48 = tpu.memref_slice %arg13[%mul3A_2, %dma_wait3A_47] : memref<10240x128xf32, #tpu.memory_space<vmem_shared>> -> memref<640x128xf32, #tpu.memory_space<vmem_shared>>
      tpu.wait_dma2 semaphore(%run_scoped3A : memref<!tpu.dma_semaphore, #tpu.memory_space<semaphore_mem>>) src(%dma_wait3A_48 : memref<640x128xf32, #tpu.memory_space<vmem_shared>>) dst(%dma_wait3A_46 : memref<640x128xf32, #tpu.memory_space<hbm>>)
      tpu.yield
    }) : () -> ()
    return
  }
}

module attributes {stable_mosaic.version = 14 : i64} {
  func.func @_tc_pre_body(%arg0: i32, %arg1: memref<400x128xf32, #tpu.memory_space<vmem>>, %arg2: memref<128x128xf32, #tpu.memory_space<vmem>>, %arg3: memref<1x128xf32, #tpu.memory_space<vmem>>, %arg4: memref<128x128xf32, #tpu.memory_space<vmem>>, %arg5: memref<1x400x16xf32, #tpu.memory_space<vmem>>, %arg6: memref<1x400x16xf32, #tpu.memory_space<vmem>>, %arg7: memref<400x128xf32, #tpu.memory_space<vmem>>) attributes {dimension_semantics = [#tpu.dimension_semantics<arbitrary>], iteration_bounds = array<i64: 25>, scalar_prefetch = 0 : i64, scratch_operands = 0 : i64, tpu.core_type = #tpu.core_type<tc>, window_params = [{transform_indices = @transform_0, window_bounds = array<i64: 400, 128>}, {pipeline_mode = #tpu.pipeline_mode<synchronous>, transform_indices = @transform_1, window_bounds = array<i64: 128, 128>}, {pipeline_mode = #tpu.pipeline_mode<synchronous>, transform_indices = @transform_2, window_bounds = array<i64: 1, 128>}, {pipeline_mode = #tpu.pipeline_mode<synchronous>, transform_indices = @transform_3, window_bounds = array<i64: 128, 128>}, {transform_indices = @transform_4, window_bounds = array<i64: 1, 400, 16>}, {transform_indices = @transform_5, window_bounds = array<i64: 1, 400, 16>}, {transform_indices = @transform_6, window_bounds = array<i64: 400, 128>}]} {
    %get3A = arith.constant 0 : index
    %get3A_0 = arith.constant 0 : index
    %get3A_1 = arith.constant 0 : index
    %get3A_2 = vector.load %arg5[%get3A, %get3A_0, %get3A_1] : memref<1x400x16xf32, #tpu.memory_space<vmem>>, vector<1x400x1xf32>
    %get3A_3 = vector.shape_cast %get3A_2 : vector<1x400x1xf32> to vector<400x1xf32>
    %get3A_4 = arith.constant 0 : index
    %get3A_5 = arith.constant 0 : index
    %get3A_6 = arith.constant 0 : index
    %get3A_7 = vector.load %arg6[%get3A_4, %get3A_5, %get3A_6] : memref<1x400x16xf32, #tpu.memory_space<vmem>>, vector<1x400x1xf32>
    %get3A_8 = vector.shape_cast %get3A_7 : vector<1x400x1xf32> to vector<400x1xf32>
    %add3A = arith.addf %get3A_3, %get3A_8 : vector<400x1xf32>
    %add3A_9 = arith.constant 1.000000e+00 : f32
    %add3A_10 = vector.broadcast %add3A_9 : f32 to vector<400x1xf32>
    %add3A_11 = arith.addf %add3A, %add3A_10 : vector<400x1xf32>
    %rsqrt3A = math.rsqrt %add3A_11 : vector<400x1xf32>
    %get3A_12 = arith.constant 0 : index
    %get3A_13 = arith.constant 0 : index
    %get3A_14 = vector.load %arg1[%get3A_12, %get3A_13] : memref<400x128xf32, #tpu.memory_space<vmem>>, vector<400x128xf32>
    %get3A_15 = arith.constant 0 : index
    %get3A_16 = arith.constant 0 : index
    %get3A_17 = vector.load %arg2[%get3A_15, %get3A_16] : memref<128x128xf32, #tpu.memory_space<vmem>>, vector<128x128xf32>
    %dot_general3A = arith.constant dense<0.000000e+00> : vector<400x128xf32>
    %dot_general3A_18 = tpu.matmul %get3A_14, %get3A_17, %dot_general3A {dimension_numbers = #tpu.dot_dimension_numbers<[1], [0], [0], [1], [0, 0, 1, 1], [], []>, transpose_lhs_hint = false} : vector<400x128xf32>, vector<128x128xf32>, vector<400x128xf32> -> vector<400x128xf32>
    %get3A_19 = arith.constant 0 : index
    %get3A_20 = arith.constant 0 : index
    %get3A_21 = vector.load %arg3[%get3A_19, %get3A_20] : memref<1x128xf32, #tpu.memory_space<vmem>>, vector<1x128xf32>
    %add3A_22 = vector.broadcast %get3A_21 : vector<1x128xf32> to vector<400x128xf32>
    %add3A_23 = arith.addf %dot_general3A_18, %add3A_22 : vector<400x128xf32>
    %get3A_24 = arith.constant 0 : index
    %get3A_25 = arith.constant 0 : index
    %get3A_26 = vector.load %arg4[%get3A_24, %get3A_25] : memref<128x128xf32, #tpu.memory_space<vmem>>, vector<128x128xf32>
    %dot_general3A_27 = arith.constant dense<0.000000e+00> : vector<400x128xf32>
    %dot_general3A_28 = tpu.matmul %add3A_23, %get3A_26, %dot_general3A_27 {dimension_numbers = #tpu.dot_dimension_numbers<[1], [0], [0], [1], [0, 0, 1, 1], [], []>, transpose_lhs_hint = false} : vector<400x128xf32>, vector<128x128xf32>, vector<400x128xf32> -> vector<400x128xf32>
    %mul3A = vector.broadcast %rsqrt3A : vector<400x1xf32> to vector<400x128xf32>
    %mul3A_29 = arith.mulf %mul3A, %dot_general3A_28 : vector<400x128xf32>
    %swap3A = arith.constant 0 : index
    %swap3A_30 = arith.constant 0 : index
    %swap3A_31 = vector.load %arg7[%swap3A, %swap3A_30] : memref<400x128xf32, #tpu.memory_space<vmem>>, vector<400x128xf32>
    tpu.vector_store %arg7[%swap3A, %swap3A_30], %mul3A_29 {strides = array<i32>} : memref<400x128xf32, #tpu.memory_space<vmem>>, vector<400x128xf32>,
    return
  }
  func.func @transform_0(%arg0: i32) -> (i32, i32) {
    %c0_i32 = arith.constant 0 : i32
    %c0_i32_0 = arith.constant 0 : i32
    return %arg0, %c0_i32 : i32, i32
  }
  func.func @transform_1(%arg0: i32) -> (i32, i32) {
    %c0_i32 = arith.constant 0 : i32
    %c0_i32_0 = arith.constant 0 : i32
    %c0_i32_1 = arith.constant 0 : i32
    return %c0_i32, %c0_i32_0 : i32, i32
  }
  func.func @transform_2(%arg0: i32) -> (i32, i32) {
    %c0_i32 = arith.constant 0 : i32
    %c0_i32_0 = arith.constant 0 : i32
    %c0_i32_1 = arith.constant 0 : i32
    return %c0_i32, %c0_i32_0 : i32, i32
  }
  func.func @transform_3(%arg0: i32) -> (i32, i32) {
    %c0_i32 = arith.constant 0 : i32
    %c0_i32_0 = arith.constant 0 : i32
    %c0_i32_1 = arith.constant 0 : i32
    return %c0_i32, %c0_i32_0 : i32, i32
  }
  func.func @transform_4(%arg0: i32) -> (i32, i32, i32) {
    %c0_i32 = arith.constant 0 : i32
    %c0_i32_0 = arith.constant 0 : i32
    %c0_i32_1 = arith.constant 0 : i32
    return %c0_i32, %arg0, %c0_i32_0 : i32, i32, i32
  }
  func.func @transform_5(%arg0: i32) -> (i32, i32, i32) {
    %c1_i32 = arith.constant 1 : i32
    %c0_i32 = arith.constant 0 : i32
    %c0_i32_0 = arith.constant 0 : i32
    return %c1_i32, %arg0, %c0_i32 : i32, i32, i32
  }
  func.func @transform_6(%arg0: i32) -> (i32, i32) {
    %c0_i32 = arith.constant 0 : i32
    %c0_i32_0 = arith.constant 0 : i32
    return %arg0, %c0_i32 : i32, i32
  }
}

module attributes {stable_mosaic.version = 14 : i64} {
  func.func @_tc_mid_body(%arg0: i32, %arg1: memref<1x400x128xf32, #tpu.memory_space<vmem>>, %arg2: memref<1x400x128xf32, #tpu.memory_space<vmem>>, %arg3: memref<400x128xf32, #tpu.memory_space<vmem>>, %arg4: memref<1x400x16xf32, #tpu.memory_space<vmem>>, %arg5: memref<1x400x16xf32, #tpu.memory_space<vmem>>, %arg6: memref<1x128xf32, #tpu.memory_space<vmem>>, %arg7: memref<128x128xf32, #tpu.memory_space<vmem>>, %arg8: memref<400x128xf32, #tpu.memory_space<vmem>>) attributes {dimension_semantics = [#tpu.dimension_semantics<arbitrary>], iteration_bounds = array<i64: 25>, scalar_prefetch = 0 : i64, scratch_operands = 0 : i64, tpu.core_type = #tpu.core_type<tc>, window_params = [{transform_indices = @transform_0, window_bounds = array<i64: 1, 400, 128>}, {transform_indices = @transform_1, window_bounds = array<i64: 1, 400, 128>}, {transform_indices = @transform_2, window_bounds = array<i64: 400, 128>}, {transform_indices = @transform_3, window_bounds = array<i64: 1, 400, 16>}, {transform_indices = @transform_4, window_bounds = array<i64: 1, 400, 16>}, {pipeline_mode = #tpu.pipeline_mode<synchronous>, transform_indices = @transform_5, window_bounds = array<i64: 1, 128>}, {pipeline_mode = #tpu.pipeline_mode<synchronous>, transform_indices = @transform_6, window_bounds = array<i64: 128, 128>}, {transform_indices = @transform_7, window_bounds = array<i64: 400, 128>}]} {
    %get3A = arith.constant 0 : index
    %get3A_0 = arith.constant 0 : index
    %get3A_1 = arith.constant 0 : index
    %get3A_2 = vector.load %arg4[%get3A, %get3A_0, %get3A_1] : memref<1x400x16xf32, #tpu.memory_space<vmem>>, vector<1x400x1xf32>
    %get3A_3 = vector.shape_cast %get3A_2 : vector<1x400x1xf32> to vector<400x1xf32>
    %get3A_4 = arith.constant 0 : index
    %get3A_5 = arith.constant 0 : index
    %get3A_6 = arith.constant 0 : index
    %get3A_7 = vector.load %arg5[%get3A_4, %get3A_5, %get3A_6] : memref<1x400x16xf32, #tpu.memory_space<vmem>>, vector<1x400x1xf32>
    %get3A_8 = vector.shape_cast %get3A_7 : vector<1x400x1xf32> to vector<400x1xf32>
    %add3A = arith.addf %get3A_3, %get3A_8 : vector<400x1xf32>
    %add3A_9 = arith.constant 1.000000e+00 : f32
    %add3A_10 = vector.broadcast %add3A_9 : f32 to vector<400x1xf32>
    %add3A_11 = arith.addf %add3A, %add3A_10 : vector<400x1xf32>
    %rsqrt3A = math.rsqrt %add3A_11 : vector<400x1xf32>
    %get3A_12 = arith.constant 0 : index
    %get3A_13 = arith.constant 0 : index
    %get3A_14 = arith.constant 0 : index
    %get3A_15 = vector.load %arg1[%get3A_12, %get3A_13, %get3A_14] : memref<1x400x128xf32, #tpu.memory_space<vmem>>, vector<1x400x128xf32>
    %get3A_16 = vector.shape_cast %get3A_15 : vector<1x400x128xf32> to vector<400x128xf32>
    %get3A_17 = arith.constant 0 : index
    %get3A_18 = arith.constant 0 : index
    %get3A_19 = arith.constant 0 : index
    %get3A_20 = vector.load %arg2[%get3A_17, %get3A_18, %get3A_19] : memref<1x400x128xf32, #tpu.memory_space<vmem>>, vector<1x400x128xf32>
    %get3A_21 = vector.shape_cast %get3A_20 : vector<1x400x128xf32> to vector<400x128xf32>
    %add3A_22 = arith.addf %get3A_16, %get3A_21 : vector<400x128xf32>
    %get3A_23 = arith.constant 0 : index
    %get3A_24 = arith.constant 0 : index
    %get3A_25 = vector.load %arg3[%get3A_23, %get3A_24] : memref<400x128xf32, #tpu.memory_space<vmem>>, vector<400x128xf32>
    %add3A_26 = arith.addf %add3A_22, %get3A_25 : vector<400x128xf32>
    %mul3A = vector.broadcast %rsqrt3A : vector<400x1xf32> to vector<400x128xf32>
    %mul3A_27 = arith.mulf %mul3A, %add3A_26 : vector<400x128xf32>
    %get3A_28 = arith.constant 0 : index
    %get3A_29 = arith.constant 0 : index
    %get3A_30 = vector.load %arg6[%get3A_28, %get3A_29] : memref<1x128xf32, #tpu.memory_space<vmem>>, vector<1x128xf32>
    %add3A_31 = vector.broadcast %get3A_30 : vector<1x128xf32> to vector<400x128xf32>
    %add3A_32 = arith.addf %mul3A_27, %add3A_31 : vector<400x128xf32>
    %max3A = arith.constant 0.000000e+00 : f32
    %max3A_33 = vector.broadcast %max3A : f32 to vector<400x128xf32>
    %max3A_34 = arith.maximumf %add3A_32, %max3A_33 : vector<400x128xf32>
    %get3A_35 = arith.constant 0 : index
    %get3A_36 = arith.constant 0 : index
    %get3A_37 = vector.load %arg7[%get3A_35, %get3A_36] : memref<128x128xf32, #tpu.memory_space<vmem>>, vector<128x128xf32>
    %dot_general3A = arith.constant dense<0.000000e+00> : vector<400x128xf32>
    %dot_general3A_38 = tpu.matmul %max3A_34, %get3A_37, %dot_general3A {dimension_numbers = #tpu.dot_dimension_numbers<[1], [0], [0], [1], [0, 0, 1, 1], [], []>, transpose_lhs_hint = false} : vector<400x128xf32>, vector<128x128xf32>, vector<400x128xf32> -> vector<400x128xf32>
    %mul3A_39 = vector.broadcast %rsqrt3A : vector<400x1xf32> to vector<400x128xf32>
    %mul3A_40 = arith.mulf %mul3A_39, %dot_general3A_38 : vector<400x128xf32>
    %swap3A = arith.constant 0 : index
    %swap3A_41 = arith.constant 0 : index
    %swap3A_42 = vector.load %arg8[%swap3A, %swap3A_41] : memref<400x128xf32, #tpu.memory_space<vmem>>, vector<400x128xf32>
    tpu.vector_store %arg8[%swap3A, %swap3A_41], %mul3A_40 {strides = array<i32>} : memref<400x128xf32, #tpu.memory_space<vmem>>, vector<400x128xf32>,
    return
  }
  func.func @transform_0(%arg0: i32) -> (i32, i32, i32) {
    %c0_i32 = arith.constant 0 : i32
    %c0_i32_0 = arith.constant 0 : i32
    %c0_i32_1 = arith.constant 0 : i32
    return %c0_i32, %arg0, %c0_i32_0 : i32, i32, i32
  }
  func.func @transform_1(%arg0: i32) -> (i32, i32, i32) {
    %c1_i32 = arith.constant 1 : i32
    %c0_i32 = arith.constant 0 : i32
    %c0_i32_0 = arith.constant 0 : i32
    return %c1_i32, %arg0, %c0_i32 : i32, i32, i32
  }
  func.func @transform_2(%arg0: i32) -> (i32, i32) {
    %c0_i32 = arith.constant 0 : i32
    %c0_i32_0 = arith.constant 0 : i32
    return %arg0, %c0_i32 : i32, i32
  }
  func.func @transform_3(%arg0: i32) -> (i32, i32, i32) {
    %c0_i32 = arith.constant 0 : i32
    %c0_i32_0 = arith.constant 0 : i32
    %c0_i32_1 = arith.constant 0 : i32
    return %c0_i32, %arg0, %c0_i32_0 : i32, i32, i32
  }
  func.func @transform_4(%arg0: i32) -> (i32, i32, i32) {
    %c1_i32 = arith.constant 1 : i32
    %c0_i32 = arith.constant 0 : i32
    %c0_i32_0 = arith.constant 0 : i32
    return %c1_i32, %arg0, %c0_i32 : i32, i32, i32
  }
  func.func @transform_5(%arg0: i32) -> (i32, i32) {
    %c0_i32 = arith.constant 0 : i32
    %c0_i32_0 = arith.constant 0 : i32
    %c0_i32_1 = arith.constant 0 : i32
    return %c0_i32, %c0_i32_0 : i32, i32
  }
  func.func @transform_6(%arg0: i32) -> (i32, i32) {
    %c0_i32 = arith.constant 0 : i32
    %c0_i32_0 = arith.constant 0 : i32
    %c0_i32_1 = arith.constant 0 : i32
    return %c0_i32, %c0_i32_0 : i32, i32
  }
  func.func @transform_7(%arg0: i32) -> (i32, i32) {
    %c0_i32 = arith.constant 0 : i32
    %c0_i32_0 = arith.constant 0 : i32
    return %arg0, %c0_i32 : i32, i32
  }
}

module attributes {stable_mosaic.version = 14 : i64} {
  func.func @_tc_post_body(%arg0: i32, %arg1: memref<1x400x128xf32, #tpu.memory_space<vmem>>, %arg2: memref<1x400x128xf32, #tpu.memory_space<vmem>>, %arg3: memref<400x128xf32, #tpu.memory_space<vmem>>, %arg4: memref<1x400x16xf32, #tpu.memory_space<vmem>>, %arg5: memref<1x400x16xf32, #tpu.memory_space<vmem>>, %arg6: memref<1x128xf32, #tpu.memory_space<vmem>>, %arg7: memref<128x1xf32, #tpu.memory_space<vmem>>, %arg8: memref<1x1xf32, #tpu.memory_space<vmem>>, %arg9: memref<400x1xf32, #tpu.memory_space<vmem>>) attributes {dimension_semantics = [#tpu.dimension_semantics<arbitrary>], iteration_bounds = array<i64: 25>, scalar_prefetch = 0 : i64, scratch_operands = 0 : i64, tpu.core_type = #tpu.core_type<tc>, window_params = [{transform_indices = @transform_0, window_bounds = array<i64: 1, 400, 128>}, {transform_indices = @transform_1, window_bounds = array<i64: 1, 400, 128>}, {transform_indices = @transform_2, window_bounds = array<i64: 400, 128>}, {transform_indices = @transform_3, window_bounds = array<i64: 1, 400, 16>}, {transform_indices = @transform_4, window_bounds = array<i64: 1, 400, 16>}, {pipeline_mode = #tpu.pipeline_mode<synchronous>, transform_indices = @transform_5, window_bounds = array<i64: 1, 128>}, {pipeline_mode = #tpu.pipeline_mode<synchronous>, transform_indices = @transform_6, window_bounds = array<i64: 128, 1>}, {pipeline_mode = #tpu.pipeline_mode<synchronous>, transform_indices = @transform_7, window_bounds = array<i64: 1, 1>}, {transform_indices = @transform_8, window_bounds = array<i64: 400, 1>}]} {
    %get3A = arith.constant 0 : index
    %get3A_0 = arith.constant 0 : index
    %get3A_1 = arith.constant 0 : index
    %get3A_2 = vector.load %arg4[%get3A, %get3A_0, %get3A_1] : memref<1x400x16xf32, #tpu.memory_space<vmem>>, vector<1x400x1xf32>
    %get3A_3 = vector.shape_cast %get3A_2 : vector<1x400x1xf32> to vector<400x1xf32>
    %get3A_4 = arith.constant 0 : index
    %get3A_5 = arith.constant 0 : index
    %get3A_6 = arith.constant 0 : index
    %get3A_7 = vector.load %arg5[%get3A_4, %get3A_5, %get3A_6] : memref<1x400x16xf32, #tpu.memory_space<vmem>>, vector<1x400x1xf32>
    %get3A_8 = vector.shape_cast %get3A_7 : vector<1x400x1xf32> to vector<400x1xf32>
    %add3A = arith.addf %get3A_3, %get3A_8 : vector<400x1xf32>
    %add3A_9 = arith.constant 1.000000e+00 : f32
    %add3A_10 = vector.broadcast %add3A_9 : f32 to vector<400x1xf32>
    %add3A_11 = arith.addf %add3A, %add3A_10 : vector<400x1xf32>
    %rsqrt3A = math.rsqrt %add3A_11 : vector<400x1xf32>
    %get3A_12 = arith.constant 0 : index
    %get3A_13 = arith.constant 0 : index
    %get3A_14 = arith.constant 0 : index
    %get3A_15 = vector.load %arg1[%get3A_12, %get3A_13, %get3A_14] : memref<1x400x128xf32, #tpu.memory_space<vmem>>, vector<1x400x128xf32>
    %get3A_16 = vector.shape_cast %get3A_15 : vector<1x400x128xf32> to vector<400x128xf32>
    %get3A_17 = arith.constant 0 : index
    %get3A_18 = arith.constant 0 : index
    %get3A_19 = arith.constant 0 : index
    %get3A_20 = vector.load %arg2[%get3A_17, %get3A_18, %get3A_19] : memref<1x400x128xf32, #tpu.memory_space<vmem>>, vector<1x400x128xf32>
    %get3A_21 = vector.shape_cast %get3A_20 : vector<1x400x128xf32> to vector<400x128xf32>
    %add3A_22 = arith.addf %get3A_16, %get3A_21 : vector<400x128xf32>
    %get3A_23 = arith.constant 0 : index
    %get3A_24 = arith.constant 0 : index
    %get3A_25 = vector.load %arg3[%get3A_23, %get3A_24] : memref<400x128xf32, #tpu.memory_space<vmem>>, vector<400x128xf32>
    %add3A_26 = arith.addf %add3A_22, %get3A_25 : vector<400x128xf32>
    %mul3A = vector.broadcast %rsqrt3A : vector<400x1xf32> to vector<400x128xf32>
    %mul3A_27 = arith.mulf %mul3A, %add3A_26 : vector<400x128xf32>
    %get3A_28 = arith.constant 0 : index
    %get3A_29 = arith.constant 0 : index
    %get3A_30 = vector.load %arg6[%get3A_28, %get3A_29] : memref<1x128xf32, #tpu.memory_space<vmem>>, vector<1x128xf32>
    %add3A_31 = vector.broadcast %get3A_30 : vector<1x128xf32> to vector<400x128xf32>
    %add3A_32 = arith.addf %mul3A_27, %add3A_31 : vector<400x128xf32>
    %max3A = arith.constant 0.000000e+00 : f32
    %max3A_33 = vector.broadcast %max3A : f32 to vector<400x128xf32>
    %max3A_34 = arith.maximumf %add3A_32, %max3A_33 : vector<400x128xf32>
    %get3A_35 = arith.constant 0 : index
    %get3A_36 = arith.constant 0 : index
    %get3A_37 = vector.load %arg7[%get3A_35, %get3A_36] : memref<128x1xf32, #tpu.memory_space<vmem>>, vector<128x1xf32>
    %dot_general3A = arith.constant dense<0.000000e+00> : vector<400x1xf32>
    %dot_general3A_38 = tpu.matmul %max3A_34, %get3A_37, %dot_general3A {dimension_numbers = #tpu.dot_dimension_numbers<[1], [0], [0], [1], [0, 0, 1, 1], [], []>, transpose_lhs_hint = false} : vector<400x128xf32>, vector<128x1xf32>, vector<400x1xf32> -> vector<400x1xf32>
    %get3A_39 = arith.constant 0 : index
    %get3A_40 = arith.constant 0 : index
    %get3A_41 = vector.load %arg8[%get3A_39, %get3A_40] : memref<1x1xf32, #tpu.memory_space<vmem>>, vector<1x1xf32>
    %add3A_42 = vector.broadcast %get3A_41 : vector<1x1xf32> to vector<400x1xf32>
    %add3A_43 = arith.addf %dot_general3A_38, %add3A_42 : vector<400x1xf32>
    %swap3A = arith.constant 0 : index
    %swap3A_44 = arith.constant 0 : index
    %swap3A_45 = vector.load %arg9[%swap3A, %swap3A_44] : memref<400x1xf32, #tpu.memory_space<vmem>>, vector<400x1xf32>
    tpu.vector_store %arg9[%swap3A, %swap3A_44], %add3A_43 {strides = array<i32>} : memref<400x1xf32, #tpu.memory_space<vmem>>, vector<400x1xf32>,
    return
  }
  func.func @transform_0(%arg0: i32) -> (i32, i32, i32) {
    %c0_i32 = arith.constant 0 : i32
    %c0_i32_0 = arith.constant 0 : i32
    %c0_i32_1 = arith.constant 0 : i32
    return %c0_i32, %arg0, %c0_i32_0 : i32, i32, i32
  }
  func.func @transform_1(%arg0: i32) -> (i32, i32, i32) {
    %c1_i32 = arith.constant 1 : i32
    %c0_i32 = arith.constant 0 : i32
    %c0_i32_0 = arith.constant 0 : i32
    return %c1_i32, %arg0, %c0_i32 : i32, i32, i32
  }
  func.func @transform_2(%arg0: i32) -> (i32, i32) {
    %c0_i32 = arith.constant 0 : i32
    %c0_i32_0 = arith.constant 0 : i32
    return %arg0, %c0_i32 : i32, i32
  }
  func.func @transform_3(%arg0: i32) -> (i32, i32, i32) {
    %c0_i32 = arith.constant 0 : i32
    %c0_i32_0 = arith.constant 0 : i32
    %c0_i32_1 = arith.constant 0 : i32
    return %c0_i32, %arg0, %c0_i32_0 : i32, i32, i32
  }
  func.func @transform_4(%arg0: i32) -> (i32, i32, i32) {
    %c1_i32 = arith.constant 1 : i32
    %c0_i32 = arith.constant 0 : i32
    %c0_i32_0 = arith.constant 0 : i32
    return %c1_i32, %arg0, %c0_i32 : i32, i32, i32
  }
  func.func @transform_5(%arg0: i32) -> (i32, i32) {
    %c0_i32 = arith.constant 0 : i32
    %c0_i32_0 = arith.constant 0 : i32
    %c0_i32_1 = arith.constant 0 : i32
    return %c0_i32, %c0_i32_0 : i32, i32
  }
  func.func @transform_6(%arg0: i32) -> (i32, i32) {
    %c0_i32 = arith.constant 0 : i32
    %c0_i32_0 = arith.constant 0 : i32
    %c0_i32_1 = arith.constant 0 : i32
    return %c0_i32, %c0_i32_0 : i32, i32
  }
  func.func @transform_7(%arg0: i32) -> (i32, i32) {
    %c0_i32 = arith.constant 0 : i32
    %c0_i32_0 = arith.constant 0 : i32
    %c0_i32_1 = arith.constant 0 : i32
    return %c0_i32, %c0_i32_0 : i32, i32
  }
  func.func @transform_8(%arg0: i32) -> (i32, i32) {
    %c0_i32 = arith.constant 0 : i32
    %c0_i32_0 = arith.constant 0 : i32
    return %arg0, %c0_i32 : i32, i32
  }
}

</mosaic_0001>

<sc_bundles>
// kernel: kernel.10.cloned.1.call-start
scs
__scs_entry_jumppad:
0x0: {  	(pc) =	sbr.rel $0x88, $3  }
0x1: {  	(tag) =	ssettag $0x0;
	lr =	simm.s32 $0x1  }
0x2: {  	[smem:$0x3F95] =	sst lr;
	_ =	strace $0xD0000000  }
0x3: {  	_ = 	snop  }
0x4: {  	_ = 	snop  }
0x5: {  	_ = 	snop  }
0x6: {  	_ = 	snop  }
0x7: {  	_ = 	snop  }
__scs_overlays_trampoline_lowered:
0x8: {  	[smem:$0x3FA4] =	sst s0  }
0x9: {  	[smem:$0x3FA5] =	sst s1  }
0xa: {  	[smem:$0x3FA6] =	sst s2  }
0xb: {  	[smem:$0x3FA7] =	sst s3  }
0xc: {  	[smem:$0x3FA8] =	sst s4  }
0xd: {  	[smem:$0x3FA9] =	sst s5  }
0xe: {  	[smem:$0x3FAA] =	sst s6  }
0xf: {  	[smem:$0x3FAB] =	sst s7  }
0x10: {  	[smem:$0x3FAC] =	sst s8  }
0x11: {  	[smem:$0x3FAD] =	sst s9;
	s0 =	simm.s32 @!p0 $0x0  }
0x12: {  	s1 =	sld [smem:$0x3F93];
	s0 =	simm.s32 @p0 $0x1  }
0x13: {  	[smem:$0x3FAE] =	sst s0;
	s0 =	simm.s32 @!p1 $0x0  }
0x14: {  	s2 =	sld [smem:$0x3F92];
	s0 =	simm.s32 @p1 $0x1  }
0x15: {  	[smem:$0x3FAF] =	sst s0;
	s0 =	simm.s32 @!p2 $0x0  }
0x16: {  	s3 =	sld [smem:$0x3FDB];
	s0 =	simm.s32 @p2 $0x1  }
0x17: {  	s4 =	simm.s32 $0x1BF5;
	[smem:$0x3FB1] =	sst s0  }
0x18: {  	s0 =	sld [smem:$0x3F94];
	_ =	swait.ge [sflag:s4], $0x0  }
0x19: {  	s7 =	sld [smem:$0x3F95]  }
0x1a: {  	s8 =	sadd.s32 $0xFFFFE003, lr  }
0x1b: {  	s9 =	sadd.s32 $0xFFFFFEF7, lr;
	s5 =	simm.s32 $0xFFFFFFFF;
	p2 =	slt.u32 s8, $0xFFFFF086  }
0x1c: {  	p1 =	slt.u32 s9, $0xF7A;
	s5 =	simm.s32 @!p2 $0x0  }
0x1d: {  	s5 =	simm.s32 @p1 $0x1;
	p0 =	seq.s32 s7, s2  }
0x1e: {  	s7 =	smul.u32 @!p0 $0xF7A, s2;
	p2 =	seq.s32 @!p0 s5, $0x0  }
0x1f: {  	s9 =	smul.u32 $0xF7A, s1;
	s8 =	simm.s32 @!p0 $0x1BF5;
	p2 =	por !p2, p0  }
0x20: {  	[sflag:s8] =	ssyncset.s32 @!p0 $0xFFFFF086;
	s6 =	sadd.s32 @!p0 s3, s7;
	s7 =	simm.s32 @!p0 $0x108  }
0x21: {  	s3 =	sadd.s32 s3, s9;
	s6 =	sadd.s32 @!p0 $0x88, s6;
	s7 =	simm.s32 @p2 $0x1082  }
0x22: {  	[simem:s7], [sflag:s8] =	dma.local @!p0 [hbm:s6], $0xF7A  }
0x23: {  	s9 =	sor.u32 $0xD0000000, s2;
	s6 =	simm.s32 $0x108;
	_ =	swait.ge @!p0 [sflag:s8], $0x0  }
0x24: {  	s3 =	sadd.s32 $0x88, s3;
	s6 =	simm.s32 @!p1 $0x1082;
	[sflag:s4] =	ssyncset.s32 $0xFFFFF086  }
0x25: {  	[simem:s6], [sflag:s4] =	dma.local [hbm:s3], $0xF7A  }
0x26: {  	[smem:$0x3F95] =	sst s1;
	(tag) =	ssettag s2;
	_ =	strace s9  }
0x27: {  	s1 =	sld [smem:$0x3FA5]  }
0x28: {  	s2 =	sld [smem:$0x3FA6]  }
0x29: {  	s4 =	sld [smem:$0x3FA8]  }
0x2a: {  	p0 =	seq.s32 s5, $0x0;
	s5 =	sld [smem:$0x3FA9]  }
0x2b: {  	s6 =	sld [smem:$0x3FAA]  }
0x2c: {  	s7 =	sld [smem:$0x3FAB]  }
0x2d: {  	s3 =	simm.s32 $0x108;
	s8 =	sld [smem:$0x3FAC]  }
0x2e: {  	s3 =	simm.s32 @!p0 $0x1082;
	s9 =	sld [smem:$0x3FAD]  }
0x2f: {  	lr =	sadd.s32 s0, s3;
	s0 =	sld [smem:$0x3FA4]  }
0x30: {  	s3 =	sld [smem:$0x3FA7]  }
0x31: {  	[smem:$0x3FB0] =	sst s10  }
0x32: {  	s10 =	sld [smem:$0x3FAE];
	_ =	sdelay $0x3  }
0x33: {  	p0 =	seq.s32 s10, $0x1;
	s10 =	sld [smem:$0x3FB0];
	_ =	sdelay $0x3  }
0x34: {  	[smem:$0x3FB0] =	sst s10  }
0x35: {  	s10 =	sld [smem:$0x3FAF];
	_ =	sdelay $0x3  }
0x36: {  	p1 =	seq.s32 s10, $0x1;
	s10 =	sld [smem:$0x3FB0];
	_ =	sdelay $0x3  }
0x37: {  	[smem:$0x3FB0] =	sst s10  }
0x38: {  	s10 =	sld [smem:$0x3FB1]  }
0x39: {  	_ = 	snop;
	(pc) =	sbr.ind lr, $3  }
0x3a: {  	_ = 	snop  }
0x3b: {  	_ = 	snop  }
0x3c: {  	p2 =	seq.s32 s10, $0x1;
	s10 =	sld [smem:$0x3FB0]  }
0x3d: {  	_ =	shalt  }
0x3e: {  	_ =	shalt  }
0x3f: {  	_ =	shalt  }
0x40: {  	_ =	shalt  }
0x41: {  	_ =	shalt  }
0x42: {  	_ =	shalt  }
0x43: {  	_ =	shalt  }
0x44: {  	_ =	shalt  }
0x45: {  	_ =	shalt  }
0x46: {  	_ =	shalt  }
0x47: {  	_ =	shalt  }
0x48: {  	_ =	shalt  }
0x49: {  	_ =	shalt  }
0x4a: {  	_ =	shalt  }
0x4b: {  	_ =	shalt  }
0x4c: {  	_ =	shalt  }
0x4d: {  	_ =	shalt  }
0x4e: {  	_ =	shalt  }
0x4f: {  	_ =	shalt  }
0x50: {  	_ =	shalt  }
0x51: {  	_ =	shalt  }
0x52: {  	_ =	shalt  }
0x53: {  	_ =	shalt  }
0x54: {  	_ =	shalt  }
0x55: {  	_ =	shalt  }
0x56: {  	_ =	shalt  }
0x57: {  	_ =	shalt  }
0x58: {  	_ =	shalt  }
0x59: {  	_ =	shalt  }
0x5a: {  	_ =	shalt  }
0x5b: {  	_ =	shalt  }
0x5c: {  	_ =	shalt  }
0x5d: {  	_ =	shalt  }
0x5e: {  	_ =	shalt  }
0x5f: {  	_ =	shalt  }
0x60: {  	_ =	shalt  }
0x61: {  	_ =	shalt  }
0x62: {  	_ =	shalt  }
0x63: {  	_ =	shalt  }
0x64: {  	_ =	shalt  }
0x65: {  	_ =	shalt  }
0x66: {  	_ =	shalt  }
0x67: {  	_ =	shalt  }
0x68: {  	_ =	shalt  }
0x69: {  	_ =	shalt  }
0x6a: {  	_ =	shalt  }
0x6b: {  	_ =	shalt  }
0x6c: {  	_ =	shalt  }
0x6d: {  	_ =	shalt  }
0x6e: {  	_ =	shalt  }
0x6f: {  	_ =	shalt  }
0x70: {  	_ =	shalt  }
0x71: {  	_ =	shalt  }
0x72: {  	_ =	shalt  }
0x73: {  	_ =	shalt  }
0x74: {  	_ =	shalt  }
0x75: {  	_ =	shalt  }
0x76: {  	_ =	shalt  }
0x77: {  	_ =	shalt  }
0x78: {  	_ =	shalt  }
0x79: {  	_ =	shalt  }
0x7a: {  	_ =	shalt  }
0x7b: {  	_ =	shalt  }
0x7c: {  	_ =	shalt  }
0x7d: {  	_ =	shalt  }
0x7e: {  	_ =	shalt  }
0x7f: {  	_ =	shalt  }
0x80: {  	_ =	shalt  }
0x81: {  	_ =	shalt  }
0x82: {  	_ =	shalt  }
0x83: {  	_ =	shalt  }
0x84: {  	_ =	shalt  }
0x85: {  	_ =	shalt  }
0x86: {  	_ =	shalt  }
0x87: {  	_ =	shalt  }
.Lfunc_end0:
.L_simem_size_0:
called_computation_lowered:
.L_overlay_start_0:
0x88: {  	s2 =	sld [smem:$0x3FD9]  }
0x89: {  	s3 =	sld [smem:$0x3FFE];
	_ =	sdelay $0x1  }
0x8a: {  	s1 =	srdreg.scid  }
0x8b: {  	s0 =	sand.u32 $0x1, s1  }
0x8c: {  	s17 =	sshll.u32 s0, $0xA;
	s2 =	sadd.s32 s3, s2  }
0x8d: {  	s2 =	sadd.s32 s2, s17  }
0x8e: {  	[smem:$0x3FBC] =	sst s2  }
0x8f: {  	_ = 	snop  }
0x90: {  	s2 =	sld [smem:$0x3FD0];
	(tm) =	ssettm $0x1  }
0x91: {  	s18 =	sld [smem:$0x3FFB];
	_ =	sdelay $0x3  }
0x92: {  	_ =	strace s18  }
0x93: {  	s3 =	sld [smem:$0x3FFC];
	_ =	sdelay $0x3  }
0x94: {  	_ =	strace s3  }
0x95: {  	s3 =	sld [smem:$0x3FFD];
	_ =	sdelay $0x3  }
0x96: {  	_ =	strace s3  }
0x97: {  	_ =	strace $0x8FFFFFFF  }
0x98: {  	s19 =	sld [smem:$0x3FDB];
	_ =	sdelay $0x1  }
0x99: {  	s4 =	simm.s32 $_scs_section_size  }
0x9a: {  	s5 =	simm.s32 $_size__tile_overlayer_lowered;
	s6 =	simm.s32 $_tile_overlayer_lowered  }
0x9b: {  	s22 =	simm.s32 $0x1BFF;
	s21 =	sshll.u32 s6, $0x1;
	s3 =	sadd.s32 s4, s19  }
0x9c: {  	s7 =	simm.s32 $0x0;
	s20 =	sshll.u32 s5, $0x1;
	s5 =	sadd.s32 s21, s3  }
0x9d: {  	[timem:s7], [sflag:s22] =	dma.local [hbm:s5], s20  }
0x9e: {  	_ =	swait.ge [sflag:s22], s20  }
0x9f: {  	s4 =	ssub.s32 $0x0, s20;
	[sflag:s22] =	ssyncset.done $0x0  }
0xa0: {  	[sflag:s22] =	ssyncadd.s32 s4;
	_ =	sdelay $0x1  }
0xa1: {  	s23 =	simm.s32 $0x1B8B  }
0xa2: {  	_ =	swait.ge [sflag:s23], $0x1  }
0xa3: {  	[sflag:s23] =	ssyncset.done $0x0  }
0xa4: {  	s25 =	simm.s32 $0x1B8E;
	s24 =	sld [smem:$0x3FFE];
	[sflag:s23] =	ssyncadd.s32 $0xFFFFFFFF  }
0xa5: {  	s26 =	simm.s32 $execute0_lowered;
	[smem:$0x3FD2] =	sst s25  }
0xa6: {  	s5 =	sshll.u32 s26, $0x1;
	_ =	strace $0x80000046;
	[dreg:$0x1] =	wrdreg $0xFFFFFFFF  }
0xa7: {  	s28 =	simm.s32 $_size_execute0_lowered;
	s3 =	sadd.s32 s3, s5;
	[dreg:$0x0] =	wrdreg $0x0  }
0xa8: {  	s5 =	sshll.u32 s28, $0x1;
	[dreg:$0x2] =	wrdreg s3  }
0xa9: {  	[dreg:$0x3] =	wrdreg s5  }
0xaa: {  	[dreg:$0x4] =	wrdreg $0xC0  }
0xab: {  	_ =	task [dreg:s7], $0x5FFFF  }
0xac: {  	[dreg:$0x1] =	wrdreg $0xFFFFFFFF  }
0xad: {  	[dreg:$0x0] =	wrdreg $0x60  }
0xae: {  	[dreg:$0x2] =	wrdreg s24  }
0xaf: {  	[dreg:$0x3] =	wrdreg s2  }
0xb0: {  	[dreg:$0x4] =	wrdreg $0x30000  }
0xb1: {  	[dreg:$0x5] =	wrdreg $0x9  }
0xb2: {  	_ =	task.clear_ibuf [dreg:s7], $0x6FFFF;
	_ =	strace $0x90000046  }
0xb3: {  	s29 =	simm.s32 $0x9;
	_ =	strace $0x80000048  }
0xb4: {  	_ =	swait.ge [sflag:s29], $0x1  }
0xb5: {  	[sflag:s29] =	ssyncadd.s32 $0xFFFFFFFF  }
0xb6: {  	_ =	strace $0x90000048  }
0xb7: {  	_ =	sfence  }
0xb8: {  	s30 =	sld [smem:$0x0];
	_ =	sdelay $0x2  }
0xb9: {  	s31 =	sshll.u32 s1, $0xD;
	s1 =	sshrl.u32 s1, $0x2  }
0xba: {  	s3 =	sand.u32 $0x4000, s31;
	s1 =	sadd.s32 s1, s30  }
0xbb: {  	s0 =	sor.u32 s3, s0;
	s1 =	sshll.u32 s1, $0x11  }
0xbc: {  	s0 =	sor.u32 s1, s0  }
0xbd: {  	s0 =	sadd.s32 $0x8F2B, s0  }
0xbe: {  	[sflag:s0] =	ssyncadd.remote.s32 $0x1  }
0xbf: {  	_ =	sfence.sel $0xFFFF  }
0xc0: {  	[dreg:$0x0] =	wrdreg $0xFFFFFFFF;
	(pc) =	sbr.abs _section_cstart, $3  }
0xc1: {  	[dreg:$0x1] =	wrdreg $0xFFFFFFFF  }
0xc2: {  	_ =	task.clear_ibuf [dreg:s7], $0x2FFFF;
	_ =	strace $0x9FFFFFFF  }
0xc3: {  	(tm) =	ssettm $0x7FFFFFFF  }
tec
execute0_lowered:
.L_overlay_start_1:
0x0: {  	(tag) =	ssettag $0x1  }
0x1: {  	s6 =	rddreg [dreg:$0x0]  }
0x2: {  	s2 =	rddreg [dreg:$0x1]  }
0x3: {  	s0 =	srdreg.scid;
	s3 =	rddreg [dreg:$0x2]  }
0x4: {  	s1 =	stileid.u32;
	s4 =	simm.s32 $0x0;
	s12 =	simm.s32 $0x2800  }
0x5: {  	s13 =	simm.s32 $0x80;
	s5 =	sand.u32 $0x1, s0;
	s0 =	rddreg [dreg:$0x3]  }
0x6: {  	s14 =	simm.s32 $0x0;
	s8 =	smul.u32 $0x2800, s1;
	[smem:$0x7FF] =	sst s4  }
0x7: {  	s31 =	sshll.u32 s1, $0x6;
	s7 =	sshll.u32 s5, $0x4;
	s9 =	smul.u32 $0x28000, s5  }
0x8: {  	_ =	strace $0x80000047;
	s10 =	ssub.s32 $0x2, s5;
	s7 =	sor.u32 s1, s7  }
0x9: {  	s5 =	sadd.s32 $0x17E00, s6;
	s7 =	smul.u32 $0x500, s7;
	s9 =	sadd.s32 s8, s9  }
0xa: {  	s30 =	sshrl.u32 s10, $0x1;
	s11 =	sadd.s32 s8, s3;
	s9 =	sshrl.u32 s9, $0x3  }
0xb: {  	s10 =	ssub.s32 s10, s30;
	s7 =	sadd.s32 s7, s6;
	s9 =	sadd.s32 s9, s6  }
0xc: {  	s6 =	sor.u32 $0x1C01, s31;
	s7 =	sadd.s32 $0x3E00, s7;
	s8 =	sadd.s32 $0x18400, s9  }
0xd: {  	s9 =	smax.u32 s10, $0x1;
	s10 =	sshrl.u32 s11, $0x3;
	s11 =	simm.s32 $0x1  }
.LBB2_1:
0xe: {  	[spmem:s10], [sflag:s6] =	dma.local [hbm:s5], $0x500  }
0xf: {  	_ =	swait.ge [sflag:s11], $0x500  }
0x10: {  	[sflag:s11] =	ssyncset.done $0x0  }
0x11: {  	[sflag:s11] =	ssyncadd.s32 $0xFFFFFB00  }
0x12: {  	[tilespmem:s12], [sflag:$0x1] =	stream.linear.gather [hbm4b:s2+s4], $0x800, $0x38;
	[tilespmem:$0x5800] =	vst v63  }
0x13: {  	_ =	swait.ge [sflag:s11], $0x800  }
0x14: {  	[sflag:s11] =	ssyncset.done $0x0  }
0x15: {  	[sflag:s11] =	ssyncadd.s32 $0xFFFFF800  }
0x16: {  	[tilespmem:s4], [sflag:$0x1] =	stream.linear.gather [hbm4b:s7+s4], $0x2800, $0x38;
	[tilespmem:$0x5800] =	vst v63  }
0x17: {  	_ =	swait.ge [sflag:s11], $0x2800  }
0x18: {  	[sflag:s11] =	ssyncset.done $0x0  }
0x19: {  	[sflag:s11] =	ssyncadd.s32 $0xFFFFD800  }
0x1a: {  	s15 =	simm.s32 $0x0;
	[bflag:$0x0] =	sbarrier.arrive $0xFFFF  }
0x1b: {  	[spmem:s3] =	stream.indirect.scatter.add.f32 [tilespmem:s12], [sflag:$0x1], $0x10, s15, s13, $0xb8;
	[tilespmem:$0x5800] =	vst v63  }
0x1c: {  	_ =	swait.ge [sflag:s11], $0x800  }
0x1d: {  	s15 =	simm.s32 $0x200;
	[sflag:s11] =	ssyncset.done $0x0  }
.LBB2_2:
0x1e: {  	s16 =	sshra.s32 s15, $0x2;
	[sflag:s11] =	ssyncadd.s32 $0xFFFFF800;
	p0 =	sne.s32 s15, $0x9E00  }
0x1f: {  	[spmem:s3] =	stream.indirect.scatter.add.f32 [tilespmem:s12], [sflag:$0x1], $0x10, s16, s13, $0xb8;
	[tilespmem:$0x5800] =	vst v63  }
.Ltmp0:
0x20: {  	_ = 	snop;
	(pc) =	sbr.rel @p0 .LBB2_2-.Ltmp0, $4  }
0x21: {  	_ = 	snop  }
0x22: {  	s15 =	sadd.s32 $0x200, s15  }
0x23: {  	_ =	swait.ge [sflag:s11], $0x800  }
0x24: {  	[sflag:s11] =	ssyncset.done $0x0  }
0x25: {  	s14 =	sadd.s32 $0x1, s14  }
0x26: {  	[sflag:s11] =	ssyncadd.s32 $0xFFFFF800;
	p0 =	sne.s32 s14, s9  }
.Ltmp1:
0x27: {  	[bflag:$0x0] =	sbarrier.arrive $0xFFFF;
	(pc) =	sbr.rel @p0 .LBB2_1-.Ltmp1, $4  }
0x28: {  	[hbm:s8], [sflag:s6] =	dma.local [spmem:s10], $0x500  }
0x29: {  	_ =	swait.ge [sflag:s11], $0x500  }
0x2a: {  	[sflag:s11] =	ssyncset.done $0x0  }
0x2b: {  	[sflag:s11] =	ssyncadd.s32 $0xFFFFFB00  }
0x2c: {  	_ =	sfence.sel $0x180000  }
0x2d: {  	[bflag:$0x0] =	sbarrier.arrive $0xFFFF  }
0x2e: {  	p0 =	sne.s32 s1, $0x0;
	_ =	strace $0x90000047  }
0x2f: {  	s0 =	sadd.s32 @!p0 $0x100000, s0;
	[bflag:$0x2] =	sbarrier.arrive $0xFFFF  }
0x30: {  	[sflag:s0] =	ssyncadd.tile.s32 @!p0 $0x1;
	_ =	shalt  }
.Lfunc_end2:
_tile_overlayer_lowered:
.L_overlay_start_2:
0x31: {  	(tag) =	ssettag $0x2  }
0x32: {  	s0 =	rddreg [dreg:$0x0];
	s2 =	stileid.u32  }
0x33: {  	s1 =	rddreg [dreg:$0x1];
	p0 =	sne.s32 s2, $0x0  }
0x34: {  	s3 =	rddreg [dreg:$0x2];
	[bflag:$0x3] =	sbarrier.arrive $0xFFFF;
	s2 =	simm.s32 @!p0 $0x1C01  }
0x35: {  	[timem:s3], [sflag:s2] =	dma.local @!p0 [hbm:s0], s1  }
0x36: {  	s0 =	simm.s32 @!p0 $0x1  }
0x37: {  	_ =	swait.ge @!p0 [sflag:s0], s1  }
0x38: {  	s1 =	ssub.s32 @!p0 $0x0, s1;
	[sflag:s0] =	ssyncset.done @!p0 $0x0  }
0x39: {  	[sflag:s0] =	ssyncadd.s32 @!p0 s1  }
0x3a: {  	[bflag:$0x3] =	sbarrier.arrive $0xFFFF  }
0x3b: {  	_ =	shalt  }

// kernel: kernel.13.cloned.1.call-start
scs
__scs_entry_jumppad:
0x0: {  	(pc) =	sbr.rel $0x88, $3  }
0x1: {  	(tag) =	ssettag $0x0;
	lr =	simm.s32 $0x1  }
0x2: {  	[smem:$0x3F95] =	sst lr;
	_ =	strace $0xD0000000  }
0x3: {  	_ = 	snop  }
0x4: {  	_ = 	snop  }
0x5: {  	_ = 	snop  }
0x6: {  	_ = 	snop  }
0x7: {  	_ = 	snop  }
__scs_overlays_trampoline_lowered:
0x8: {  	[smem:$0x3FA4] =	sst s0  }
0x9: {  	[smem:$0x3FA5] =	sst s1  }
0xa: {  	[smem:$0x3FA6] =	sst s2  }
0xb: {  	[smem:$0x3FA7] =	sst s3  }
0xc: {  	[smem:$0x3FA8] =	sst s4  }
0xd: {  	[smem:$0x3FA9] =	sst s5  }
0xe: {  	[smem:$0x3FAA] =	sst s6  }
0xf: {  	[smem:$0x3FAB] =	sst s7  }
0x10: {  	[smem:$0x3FAC] =	sst s8  }
0x11: {  	[smem:$0x3FAD] =	sst s9;
	s0 =	simm.s32 @!p0 $0x0  }
0x12: {  	s1 =	sld [smem:$0x3F93];
	s0 =	simm.s32 @p0 $0x1  }
0x13: {  	[smem:$0x3FAE] =	sst s0;
	s0 =	simm.s32 @!p1 $0x0  }
0x14: {  	s2 =	sld [smem:$0x3F92];
	s0 =	simm.s32 @p1 $0x1  }
0x15: {  	[smem:$0x3FAF] =	sst s0;
	s0 =	simm.s32 @!p2 $0x0  }
0x16: {  	s3 =	sld [smem:$0x3FDB];
	s0 =	simm.s32 @p2 $0x1  }
0x17: {  	s4 =	simm.s32 $0x1BF5;
	[smem:$0x3FB1] =	sst s0  }
0x18: {  	s0 =	sld [smem:$0x3F94];
	_ =	swait.ge [sflag:s4], $0x0  }
0x19: {  	s7 =	sld [smem:$0x3F95]  }
0x1a: {  	s8 =	sadd.s32 $0xFFFFE003, lr  }
0x1b: {  	s9 =	sadd.s32 $0xFFFFFEF7, lr;
	s5 =	simm.s32 $0xFFFFFFFF;
	p2 =	slt.u32 s8, $0xFFFFF086  }
0x1c: {  	p1 =	slt.u32 s9, $0xF7A;
	s5 =	simm.s32 @!p2 $0x0  }
0x1d: {  	s5 =	simm.s32 @p1 $0x1;
	p0 =	seq.s32 s7, s2  }
0x1e: {  	s7 =	smul.u32 @!p0 $0xF7A, s2;
	p2 =	seq.s32 @!p0 s5, $0x0  }
0x1f: {  	s9 =	smul.u32 $0xF7A, s1;
	s8 =	simm.s32 @!p0 $0x1BF5;
	p2 =	por !p2, p0  }
0x20: {  	[sflag:s8] =	ssyncset.s32 @!p0 $0xFFFFF086;
	s6 =	sadd.s32 @!p0 s3, s7;
	s7 =	simm.s32 @!p0 $0x108  }
0x21: {  	s3 =	sadd.s32 s3, s9;
	s6 =	sadd.s32 @!p0 $0x88, s6;
	s7 =	simm.s32 @p2 $0x1082  }
0x22: {  	[simem:s7], [sflag:s8] =	dma.local @!p0 [hbm:s6], $0xF7A  }
0x23: {  	s9 =	sor.u32 $0xD0000000, s2;
	s6 =	simm.s32 $0x108;
	_ =	swait.ge @!p0 [sflag:s8], $0x0  }
0x24: {  	s3 =	sadd.s32 $0x88, s3;
	s6 =	simm.s32 @!p1 $0x1082;
	[sflag:s4] =	ssyncset.s32 $0xFFFFF086  }
0x25: {  	[simem:s6], [sflag:s4] =	dma.local [hbm:s3], $0xF7A  }
0x26: {  	[smem:$0x3F95] =	sst s1;
	(tag) =	ssettag s2;
	_ =	strace s9  }
0x27: {  	s1 =	sld [smem:$0x3FA5]  }
0x28: {  	s2 =	sld [smem:$0x3FA6]  }
0x29: {  	s4 =	sld [smem:$0x3FA8]  }
0x2a: {  	p0 =	seq.s32 s5, $0x0;
	s5 =	sld [smem:$0x3FA9]  }
0x2b: {  	s6 =	sld [smem:$0x3FAA]  }
0x2c: {  	s7 =	sld [smem:$0x3FAB]  }
0x2d: {  	s3 =	simm.s32 $0x108;
	s8 =	sld [smem:$0x3FAC]  }
0x2e: {  	s3 =	simm.s32 @!p0 $0x1082;
	s9 =	sld [smem:$0x3FAD]  }
0x2f: {  	lr =	sadd.s32 s0, s3;
	s0 =	sld [smem:$0x3FA4]  }
0x30: {  	s3 =	sld [smem:$0x3FA7]  }
0x31: {  	[smem:$0x3FB0] =	sst s10  }
0x32: {  	s10 =	sld [smem:$0x3FAE];
	_ =	sdelay $0x3  }
0x33: {  	p0 =	seq.s32 s10, $0x1;
	s10 =	sld [smem:$0x3FB0];
	_ =	sdelay $0x3  }
0x34: {  	[smem:$0x3FB0] =	sst s10  }
0x35: {  	s10 =	sld [smem:$0x3FAF];
	_ =	sdelay $0x3  }
0x36: {  	p1 =	seq.s32 s10, $0x1;
	s10 =	sld [smem:$0x3FB0];
	_ =	sdelay $0x3  }
0x37: {  	[smem:$0x3FB0] =	sst s10  }
0x38: {  	s10 =	sld [smem:$0x3FB1]  }
0x39: {  	_ = 	snop;
	(pc) =	sbr.ind lr, $3  }
0x3a: {  	_ = 	snop  }
0x3b: {  	_ = 	snop  }
0x3c: {  	p2 =	seq.s32 s10, $0x1;
	s10 =	sld [smem:$0x3FB0]  }
0x3d: {  	_ =	shalt  }
0x3e: {  	_ =	shalt  }
0x3f: {  	_ =	shalt  }
0x40: {  	_ =	shalt  }
0x41: {  	_ =	shalt  }
0x42: {  	_ =	shalt  }
0x43: {  	_ =	shalt  }
0x44: {  	_ =	shalt  }
0x45: {  	_ =	shalt  }
0x46: {  	_ =	shalt  }
0x47: {  	_ =	shalt  }
0x48: {  	_ =	shalt  }
0x49: {  	_ =	shalt  }
0x4a: {  	_ =	shalt  }
0x4b: {  	_ =	shalt  }
0x4c: {  	_ =	shalt  }
0x4d: {  	_ =	shalt  }
0x4e: {  	_ =	shalt  }
0x4f: {  	_ =	shalt  }
0x50: {  	_ =	shalt  }
0x51: {  	_ =	shalt  }
0x52: {  	_ =	shalt  }
0x53: {  	_ =	shalt  }
0x54: {  	_ =	shalt  }
0x55: {  	_ =	shalt  }
0x56: {  	_ =	shalt  }
0x57: {  	_ =	shalt  }
0x58: {  	_ =	shalt  }
0x59: {  	_ =	shalt  }
0x5a: {  	_ =	shalt  }
0x5b: {  	_ =	shalt  }
0x5c: {  	_ =	shalt  }
0x5d: {  	_ =	shalt  }
0x5e: {  	_ =	shalt  }
0x5f: {  	_ =	shalt  }
0x60: {  	_ =	shalt  }
0x61: {  	_ =	shalt  }
0x62: {  	_ =	shalt  }
0x63: {  	_ =	shalt  }
0x64: {  	_ =	shalt  }
0x65: {  	_ =	shalt  }
0x66: {  	_ =	shalt  }
0x67: {  	_ =	shalt  }
0x68: {  	_ =	shalt  }
0x69: {  	_ =	shalt  }
0x6a: {  	_ =	shalt  }
0x6b: {  	_ =	shalt  }
0x6c: {  	_ =	shalt  }
0x6d: {  	_ =	shalt  }
0x6e: {  	_ =	shalt  }
0x6f: {  	_ =	shalt  }
0x70: {  	_ =	shalt  }
0x71: {  	_ =	shalt  }
0x72: {  	_ =	shalt  }
0x73: {  	_ =	shalt  }
0x74: {  	_ =	shalt  }
0x75: {  	_ =	shalt  }
0x76: {  	_ =	shalt  }
0x77: {  	_ =	shalt  }
0x78: {  	_ =	shalt  }
0x79: {  	_ =	shalt  }
0x7a: {  	_ =	shalt  }
0x7b: {  	_ =	shalt  }
0x7c: {  	_ =	shalt  }
0x7d: {  	_ =	shalt  }
0x7e: {  	_ =	shalt  }
0x7f: {  	_ =	shalt  }
0x80: {  	_ =	shalt  }
0x81: {  	_ =	shalt  }
0x82: {  	_ =	shalt  }
0x83: {  	_ =	shalt  }
0x84: {  	_ =	shalt  }
0x85: {  	_ =	shalt  }
0x86: {  	_ =	shalt  }
0x87: {  	_ =	shalt  }
.Lfunc_end0:
.L_simem_size_0:
called_computation.1_lowered:
.L_overlay_start_0:
0x88: {  	s2 =	sld [smem:$0x3FD9]  }
0x89: {  	s3 =	sld [smem:$0x3FFE];
	_ =	sdelay $0x1  }
0x8a: {  	s1 =	srdreg.scid  }
0x8b: {  	s0 =	sand.u32 $0x1, s1  }
0x8c: {  	s16 =	sshll.u32 s0, $0xA;
	s2 =	sadd.s32 s3, s2  }
0x8d: {  	s2 =	sadd.s32 s2, s16  }
0x8e: {  	[smem:$0x3FBC] =	sst s2  }
0x8f: {  	_ = 	snop  }
0x90: {  	(tm) =	ssettm $0x1  }
0x91: {  	s17 =	sld [smem:$0x3FFB];
	_ =	sdelay $0x3  }
0x92: {  	_ =	strace s17  }
0x93: {  	s2 =	sld [smem:$0x3FFC];
	_ =	sdelay $0x3  }
0x94: {  	_ =	strace s2  }
0x95: {  	s2 =	sld [smem:$0x3FFD];
	_ =	sdelay $0x3  }
0x96: {  	_ =	strace s2  }
0x97: {  	_ =	strace $0x8FFFFFFF  }
0x98: {  	s18 =	sld [smem:$0x3FDB];
	_ =	sdelay $0x1  }
0x99: {  	s19 =	simm.s32 $_scs_section_size  }
0x9a: {  	s4 =	simm.s32 $_size__tile_overlayer_lowered;
	s5 =	simm.s32 $_tile_overlayer_lowered  }
0x9b: {  	s22 =	simm.s32 $0x1BFF;
	s21 =	sshll.u32 s5, $0x1;
	s2 =	sadd.s32 s19, s18  }
0x9c: {  	s6 =	simm.s32 $0x0;
	s20 =	sshll.u32 s4, $0x1;
	s4 =	sadd.s32 s21, s2  }
0x9d: {  	[timem:s6], [sflag:s22] =	dma.local [hbm:s4], s20  }
0x9e: {  	_ =	swait.ge [sflag:s22], s20  }
0x9f: {  	s3 =	ssub.s32 $0x0, s20;
	[sflag:s22] =	ssyncset.done $0x0  }
0xa0: {  	[sflag:s22] =	ssyncadd.s32 s3;
	_ =	sdelay $0x1  }
0xa1: {  	s23 =	simm.s32 $0x1B8B  }
0xa2: {  	_ =	swait.ge [sflag:s23], $0x1  }
0xa3: {  	[sflag:s23] =	ssyncset.done $0x0  }
0xa4: {  	s25 =	simm.s32 $0x1B8E;
	s24 =	sld [smem:$0x3FFE];
	[sflag:s23] =	ssyncadd.s32 $0xFFFFFFFF  }
0xa5: {  	s26 =	simm.s32 $execute0_lowered;
	[smem:$0x3FD2] =	sst s25  }
0xa6: {  	s4 =	sshll.u32 s26, $0x1;
	_ =	strace $0x80000049;
	[dreg:$0x1] =	wrdreg $0xFFFFFFFF  }
0xa7: {  	s28 =	simm.s32 $_size_execute0_lowered;
	s2 =	sadd.s32 s2, s4;
	[dreg:$0x0] =	wrdreg $0x0  }
0xa8: {  	s4 =	sshll.u32 s28, $0x1;
	[dreg:$0x2] =	wrdreg s2  }
0xa9: {  	[dreg:$0x3] =	wrdreg s4  }
0xaa: {  	[dreg:$0x4] =	wrdreg $0xC0  }
0xab: {  	_ =	task [dreg:s6], $0x5FFFF  }
0xac: {  	[dreg:$0x1] =	wrdreg $0xFFFFFFFF  }
0xad: {  	[dreg:$0x0] =	wrdreg $0x60  }
0xae: {  	[dreg:$0x2] =	wrdreg s24  }
0xaf: {  	[dreg:$0x3] =	wrdreg $0xA8000  }
0xb0: {  	[dreg:$0x4] =	wrdreg $0x9  }
0xb1: {  	_ =	task.clear_ibuf [dreg:s6], $0x5FFFF;
	_ =	strace $0x90000049  }
0xb2: {  	s29 =	simm.s32 $0x9;
	_ =	strace $0x8000004B  }
0xb3: {  	_ =	swait.ge [sflag:s29], $0x1  }
0xb4: {  	[sflag:s29] =	ssyncadd.s32 $0xFFFFFFFF  }
0xb5: {  	_ =	strace $0x9000004B  }
0xb6: {  	_ =	sfence  }
0xb7: {  	s30 =	sld [smem:$0x0];
	_ =	sdelay $0x2  }
0xb8: {  	s31 =	sshll.u32 s1, $0xD;
	s1 =	sshrl.u32 s1, $0x2  }
0xb9: {  	s3 =	sand.u32 $0x4000, s31;
	s1 =	sadd.s32 s1, s30  }
0xba: {  	s0 =	sor.u32 s3, s0;
	s1 =	sshll.u32 s1, $0x11  }
0xbb: {  	s0 =	sor.u32 s1, s0  }
0xbc: {  	s0 =	sadd.s32 $0x8F2B, s0  }
0xbd: {  	[sflag:s0] =	ssyncadd.remote.s32 $0x1  }
0xbe: {  	_ =	sfence.sel $0xFFFF  }
0xbf: {  	[dreg:$0x0] =	wrdreg $0xFFFFFFFF;
	(pc) =	sbr.abs _section_cstart, $3  }
0xc0: {  	[dreg:$0x1] =	wrdreg $0xFFFFFFFF  }
0xc1: {  	_ =	task.clear_ibuf [dreg:s6], $0x2FFFF;
	_ =	strace $0x9FFFFFFF  }
0xc2: {  	(tm) =	ssettm $0x7FFFFFFF  }
0xc3: {  	_ =	shalt  }
tec
execute0_lowered:
.L_overlay_start_1:
0x0: {  	(tag) =	ssettag $0x1  }
0x1: {  	s6 =	rddreg [dreg:$0x0]  }
0x2: {  	s1 =	rddreg [dreg:$0x1];
	s2 =	srdreg.scid  }
0x3: {  	s0 =	rddreg [dreg:$0x2];
	s3 =	simm.s32 $0x0;
	s16 =	simm.s32 $0x80  }
0x4: {  	s17 =	simm.s32 $0x2800;
	s18 =	simm.s32 $0x6800;
	s19 =	simm.s32 $0x1  }
0x5: {  	s20 =	simm.s32 $0x2;
	s21 =	simm.s32 $0x100;
	s22 =	simm.s32 $0x1480  }
0x6: {  	s23 =	simm.s32 $0x1380;
	s24 =	simm.s32 $0x2700;
	s25 =	simm.s32 $0x2780  }
0x7: {  	s26 =	simm.s32 $0x0;
	s7 =	sand.u32 $0x1, s2;
	s2 =	stileid.u32  }
0x8: {  	[smem:$0x7FF] =	sst s3;
	s4 =	sadd.s32 $0x67E00, s6;
	s5 =	smul.u32 $0x140000, s7  }
0x9: {  	s9 =	sadd.s32 $0xDE00, s6;
	s10 =	sadd.s32 $0x3E00, s6;
	s8 =	smul.u32 $0x14000, s2  }
0xa: {  	_ =	strace $0x8000004A;
	s11 =	sshll.u32 s7, $0x4;
	s7 =	ssub.s32 $0x2, s7  }
0xb: {  	s12 =	smul.u32 $0x50000, s2;
	s31 =	sshll.u32 s2, $0x6;
	s11 =	sor.u32 s2, s11  }
0xc: {  	s28 =	sshrl.u32 s7, $0x1;
	s8 =	sadd.s32 s8, s5;
	s5 =	sadd.s32 $0x8F000, s6  }
0xd: {  	s29 =	smul.u32 $0x2800, s11;
	s14 =	ssub.s32 s7, s28;
	s30 =	sshrl.u32 s12, $0x2  }
0xe: {  	s8 =	sshrl.u32 s8, $0x3;
	s15 =	sadd.s32 s30, s1;
	s12 =	smax.u32 s14, $0x1  }
0xf: {  	s14 =	simm.s32 $0x3;
	s13 =	sadd.s32 s8, s6;
	s11 =	sshrl.u32 s29, $0x3  }
0x10: {  	s7 =	sadd.s32 s9, s11;
	s8 =	sadd.s32 s10, s11;
	s11 =	sadd.s32 $0x280, s11  }
0x11: {  	s6 =	sor.u32 $0x1C03, s31;
	s9 =	sadd.s32 s9, s11;
	s10 =	sadd.s32 s10, s11  }
0x12: {  	s11 =	sadd.s32 $0x91800, s13;
	s13 =	sshrl.u32 s15, $0x3;
	s15 =	simm.s32 $0x1400  }
.LBB2_1:
0x13: {  	[spmem:s13], [sflag:s6] =	dma.local [hbm:s5], $0x2800  }
0x14: {  	_ =	swait.ge [sflag:s14], $0x2800  }
0x15: {  	[sflag:s14] =	ssyncset.done $0x0  }
0x16: {  	[sflag:s14] =	ssyncadd.s32 $0xFFFFD800  }
0x17: {  	[bflag:$0x0] =	sbarrier.arrive $0xFFFF  }
0x18: {  	[tilespmem:s3], [sflag:$0x3] =	stream.linear.gather [hbm4b:s7+s3], $0x1400, $0x38;
	[tilespmem:$0x1E800] =	vst v63  }
0x19: {  	_ =	swait.ge [sflag:s14], $0x1400  }
0x1a: {  	[sflag:s14] =	ssyncset.done $0x0  }
0x1b: {  	[sflag:s14] =	ssyncadd.s32 $0xFFFFEC00  }
0x1c: {  	[tilespmem:s15], [sflag:$0x3] =	stream.linear.gather [hbm4b:s8+s3], $0x1400, $0x38;
	[tilespmem:$0x1E800] =	vst v63  }
0x1d: {  	_ =	swait.ge [sflag:s14], $0x1400  }
0x1e: {  	[sflag:s14] =	ssyncset.done $0x0  }
0x1f: {  	[sflag:s14] =	ssyncadd.s32 $0xFFFFEC00  }
0x20: {  	[tilespmem:s17], [sflag:$0x1] =	stream.indirect.gather [hbm4b:s4+s16], $0x80, s3, s16, $0xb8;
	[tilespmem:$0x1E800] =	vst v63  }
0x21: {  	_ = 	snop  }
0x22: {  	[tilespmem:s18], [sflag:$0x1] =	stream.indirect.gather [hbm4b:s4+s16], $0x80, s16, s16, $0xb8;
	[tilespmem:$0x1E800] =	vst v63  }
0x23: {  	_ =	swait.ge [sflag:s19], $0x4000  }
0x24: {  	[sflag:s19] =	ssyncset.done $0x0  }
0x25: {  	[sflag:s19] =	ssyncadd.s32 $0xFFFFC000  }
0x26: {  	[spmem:s1] =	stream.indirect.scatter.add.f32 [tilespmem:s17], [sflag:$0x2], $0x80, s15, s16, $0xb8;
	[tilespmem:$0x1E800] =	vst v63  }
0x27: {  	_ =	swait.ge [sflag:s20], $0x4000  }
0x28: {  	[sflag:s20] =	ssyncset.done $0x0  }
0x29: {  	[sflag:s20] =	ssyncadd.s32 $0xFFFFC000  }
0x2a: {  	[tilespmem:s17], [sflag:$0x1] =	stream.indirect.gather [hbm4b:s4+s16], $0x80, s21, s16, $0xb8;
	[tilespmem:$0x1E800] =	vst v63  }
0x2b: {  	_ =	swait.ge [sflag:s19], $0x4000  }
0x2c: {  	[sflag:s19] =	ssyncset.done $0x0  }
0x2d: {  	[sflag:s19] =	ssyncadd.s32 $0xFFFFC000  }
0x2e: {  	[spmem:s1] =	stream.indirect.scatter.add.f32 [tilespmem:s18], [sflag:$0x2], $0x80, s22, s16, $0xb8;
	[tilespmem:$0x1E800] =	vst v63  }
0x2f: {  	_ =	swait.ge [sflag:s20], $0x4000  }
0x30: {  	[sflag:s20] =	ssyncset.done $0x0  }
0x31: {  	s28 =	simm.s32 $0x180;
	[sflag:s20] =	ssyncadd.s32 $0xFFFFC000  }
0x32: {  	[tilespmem:s18], [sflag:$0x1] =	stream.indirect.gather [hbm4b:s4+s16], $0x80, s28, s16, $0xb8;
	[tilespmem:$0x1E800] =	vst v63  }
0x33: {  	_ =	swait.ge [sflag:s19], $0x4000  }
0x34: {  	[sflag:s19] =	ssyncset.done $0x0  }
0x35: {  	s28 =	simm.s32 $0x1500;
	[sflag:s19] =	ssyncadd.s32 $0xFFFFC000  }
0x36: {  	[spmem:s1] =	stream.indirect.scatter.add.f32 [tilespmem:s17], [sflag:$0x2], $0x80, s28, s16, $0xb8;
	[tilespmem:$0x1E800] =	vst v63  }
0x37: {  	_ =	swait.ge [sflag:s20], $0x4000  }
0x38: {  	[sflag:s20] =	ssyncset.done $0x0  }
0x39: {  	s28 =	simm.s32 $0x200;
	[sflag:s20] =	ssyncadd.s32 $0xFFFFC000  }
0x3a: {  	[tilespmem:s17], [sflag:$0x1] =	stream.indirect.gather [hbm4b:s4+s16], $0x80, s28, s16, $0xb8;
	[tilespmem:$0x1E800] =	vst v63  }
0x3b: {  	_ =	swait.ge [sflag:s19], $0x4000  }
0x3c: {  	[sflag:s19] =	ssyncset.done $0x0  }
0x3d: {  	s29 =	simm.s32 $0x1580;
	s28 =	simm.s32 $0xFFFFBC00;
	[sflag:s19] =	ssyncadd.s32 $0xFFFFC000  }
.LBB2_2:
0x3e: {  	[spmem:s1] =	stream.indirect.scatter.add.f32 [tilespmem:s18], [sflag:$0x2], $0x80, s29, s16, $0xb8;
	[tilespmem:$0x1E800] =	vst v63  }
0x3f: {  	s29 =	smov.u32 s28  }
0x40: {  	p0 =	sne.s32 s28, $0xFFFFFC00;
	s28 =	sadd.s32 $0x400, s28;
	_ =	swait.ge [sflag:s20], $0x4000  }
0x41: {  	s29 =	sshra.s32 s29, $0x2;
	[sflag:s20] =	ssyncset.done $0x0  }
0x42: {  	s30 =	sadd.s32 $0x1380, s29;
	[sflag:s20] =	ssyncadd.s32 $0xFFFFC000  }
0x43: {  	[tilespmem:s18], [sflag:$0x1] =	stream.indirect.gather [hbm4b:s4+s16], $0x80, s30, s16, $0xb8;
	[tilespmem:$0x1E800] =	vst v63  }
0x44: {  	_ =	swait.ge [sflag:s19], $0x4000  }
0x45: {  	[sflag:s19] =	ssyncset.done $0x0  }
0x46: {  	s30 =	sadd.s32 $0x2700, s29;
	[sflag:s19] =	ssyncadd.s32 $0xFFFFC000  }
0x47: {  	[spmem:s1] =	stream.indirect.scatter.add.f32 [tilespmem:s17], [sflag:$0x2], $0x80, s30, s16, $0xb8;
	[tilespmem:$0x1E800] =	vst v63  }
0x48: {  	_ =	swait.ge [sflag:s20], $0x4000  }
0x49: {  	[sflag:s20] =	ssyncset.done $0x0  }
.Ltmp0:
0x4a: {  	s30 =	sadd.s32 $0x1400, s29;
	[sflag:s20] =	ssyncadd.s32 $0xFFFFC000;
	(pc) =	sbr.rel @p0 .LBB2_2-.Ltmp0, $4  }
0x4b: {  	[tilespmem:s17], [sflag:$0x1] =	stream.indirect.gather [hbm4b:s4+s16], $0x80, s30, s16, $0xb8;
	[tilespmem:$0x1E800] =	vst v63  }
0x4c: {  	_ =	swait.ge [sflag:s19], $0x4000  }
0x4d: {  	[sflag:s19] =	ssyncset.done $0x0  }
0x4e: {  	s29 =	sadd.s32 $0x2780, s29;
	[sflag:s19] =	ssyncadd.s32 $0xFFFFC000  }
0x4f: {  	[spmem:s1] =	stream.indirect.scatter.add.f32 [tilespmem:s18], [sflag:$0x2], $0x80, s29, s16, $0xb8;
	[tilespmem:$0x1E800] =	vst v63  }
0x50: {  	_ =	swait.ge [sflag:s20], $0x4000  }
0x51: {  	[sflag:s20] =	ssyncset.done $0x0  }
0x52: {  	[sflag:s20] =	ssyncadd.s32 $0xFFFFC000  }
0x53: {  	[tilespmem:s18], [sflag:$0x1] =	stream.indirect.gather [hbm4b:s4+s16], $0x80, s23, s16, $0xb8;
	[tilespmem:$0x1E800] =	vst v63  }
0x54: {  	_ =	swait.ge [sflag:s19], $0x4000  }
0x55: {  	[sflag:s19] =	ssyncset.done $0x0  }
0x56: {  	[sflag:s19] =	ssyncadd.s32 $0xFFFFC000  }
0x57: {  	[spmem:s1] =	stream.indirect.scatter.add.f32 [tilespmem:s17], [sflag:$0x2], $0x80, s24, s16, $0xb8;
	[tilespmem:$0x1E800] =	vst v63  }
0x58: {  	_ =	swait.ge [sflag:s20], $0x4000  }
0x59: {  	[sflag:s20] =	ssyncset.done $0x0  }
0x5a: {  	[sflag:s20] =	ssyncadd.s32 $0xFFFFC000  }
0x5b: {  	_ =	swait.ge [sflag:s19], $0x4000  }
0x5c: {  	[sflag:s19] =	ssyncset.done $0x0  }
0x5d: {  	[sflag:s19] =	ssyncadd.s32 $0xFFFFC000  }
0x5e: {  	[spmem:s1] =	stream.indirect.scatter.add.f32 [tilespmem:s18], [sflag:$0x2], $0x80, s25, s16, $0xb8;
	[tilespmem:$0x1E800] =	vst v63  }
0x5f: {  	_ =	swait.ge [sflag:s20], $0x4000  }
0x60: {  	[sflag:s20] =	ssyncset.done $0x0  }
0x61: {  	[sflag:s20] =	ssyncadd.s32 $0xFFFFC000  }
0x62: {  	[tilespmem:s3], [sflag:$0x3] =	stream.linear.gather [hbm4b:s9+s3], $0x1400, $0x38;
	[tilespmem:$0x1E800] =	vst v63  }
0x63: {  	_ =	swait.ge [sflag:s14], $0x1400  }
0x64: {  	[sflag:s14] =	ssyncset.done $0x0  }
0x65: {  	[sflag:s14] =	ssyncadd.s32 $0xFFFFEC00  }
0x66: {  	[tilespmem:s15], [sflag:$0x3] =	stream.linear.gather [hbm4b:s10+s3], $0x1400, $0x38;
	[tilespmem:$0x1E800] =	vst v63  }
0x67: {  	_ =	swait.ge [sflag:s14], $0x1400  }
0x68: {  	[sflag:s14] =	ssyncset.done $0x0  }
0x69: {  	[sflag:s14] =	ssyncadd.s32 $0xFFFFEC00  }
0x6a: {  	[tilespmem:s17], [sflag:$0x1] =	stream.indirect.gather [hbm4b:s4+s16], $0x80, s3, s16, $0xb8;
	[tilespmem:$0x1E800] =	vst v63  }
0x6b: {  	_ = 	snop  }
0x6c: {  	[tilespmem:s18], [sflag:$0x1] =	stream.indirect.gather [hbm4b:s4+s16], $0x80, s16, s16, $0xb8;
	[tilespmem:$0x1E800] =	vst v63  }
0x6d: {  	_ =	swait.ge [sflag:s19], $0x4000  }
0x6e: {  	[sflag:s19] =	ssyncset.done $0x0  }
0x6f: {  	[sflag:s19] =	ssyncadd.s32 $0xFFFFC000  }
0x70: {  	[spmem:s1] =	stream.indirect.scatter.add.f32 [tilespmem:s17], [sflag:$0x2], $0x80, s15, s16, $0xb8;
	[tilespmem:$0x1E800] =	vst v63  }
0x71: {  	_ =	swait.ge [sflag:s20], $0x4000  }
0x72: {  	[sflag:s20] =	ssyncset.done $0x0  }
0x73: {  	[sflag:s20] =	ssyncadd.s32 $0xFFFFC000  }
0x74: {  	[tilespmem:s17], [sflag:$0x1] =	stream.indirect.gather [hbm4b:s4+s16], $0x80, s21, s16, $0xb8;
	[tilespmem:$0x1E800] =	vst v63  }
0x75: {  	_ =	swait.ge [sflag:s19], $0x4000  }
0x76: {  	[sflag:s19] =	ssyncset.done $0x0  }
0x77: {  	[sflag:s19] =	ssyncadd.s32 $0xFFFFC000  }
0x78: {  	[spmem:s1] =	stream.indirect.scatter.add.f32 [tilespmem:s18], [sflag:$0x2], $0x80, s22, s16, $0xb8;
	[tilespmem:$0x1E800] =	vst v63  }
0x79: {  	_ =	swait.ge [sflag:s20], $0x4000  }
0x7a: {  	[sflag:s20] =	ssyncset.done $0x0  }
0x7b: {  	s28 =	simm.s32 $0x180;
	[sflag:s20] =	ssyncadd.s32 $0xFFFFC000  }
0x7c: {  	[tilespmem:s18], [sflag:$0x1] =	stream.indirect.gather [hbm4b:s4+s16], $0x80, s28, s16, $0xb8;
	[tilespmem:$0x1E800] =	vst v63  }
0x7d: {  	_ =	swait.ge [sflag:s19], $0x4000  }
0x7e: {  	[sflag:s19] =	ssyncset.done $0x0  }
0x7f: {  	s28 =	simm.s32 $0x1500;
	[sflag:s19] =	ssyncadd.s32 $0xFFFFC000  }
0x80: {  	[spmem:s1] =	stream.indirect.scatter.add.f32 [tilespmem:s17], [sflag:$0x2], $0x80, s28, s16, $0xb8;
	[tilespmem:$0x1E800] =	vst v63  }
0x81: {  	_ =	swait.ge [sflag:s20], $0x4000  }
0x82: {  	[sflag:s20] =	ssyncset.done $0x0  }
0x83: {  	s28 =	simm.s32 $0x200;
	[sflag:s20] =	ssyncadd.s32 $0xFFFFC000  }
0x84: {  	[tilespmem:s17], [sflag:$0x1] =	stream.indirect.gather [hbm4b:s4+s16], $0x80, s28, s16, $0xb8;
	[tilespmem:$0x1E800] =	vst v63  }
0x85: {  	_ =	swait.ge [sflag:s19], $0x4000  }
0x86: {  	[sflag:s19] =	ssyncset.done $0x0  }
0x87: {  	s29 =	simm.s32 $0x1580;
	s28 =	simm.s32 $0xFFFFBC00;
	[sflag:s19] =	ssyncadd.s32 $0xFFFFC000  }
.LBB2_4:
0x88: {  	[spmem:s1] =	stream.indirect.scatter.add.f32 [tilespmem:s18], [sflag:$0x2], $0x80, s29, s16, $0xb8;
	[tilespmem:$0x1E800] =	vst v63  }
0x89: {  	s29 =	smov.u32 s28  }
0x8a: {  	p0 =	sne.s32 s28, $0xFFFFFC00;
	s28 =	sadd.s32 $0x400, s28;
	_ =	swait.ge [sflag:s20], $0x4000  }
0x8b: {  	s29 =	sshra.s32 s29, $0x2;
	[sflag:s20] =	ssyncset.done $0x0  }
0x8c: {  	s30 =	sadd.s32 $0x1380, s29;
	[sflag:s20] =	ssyncadd.s32 $0xFFFFC000  }
0x8d: {  	[tilespmem:s18], [sflag:$0x1] =	stream.indirect.gather [hbm4b:s4+s16], $0x80, s30, s16, $0xb8;
	[tilespmem:$0x1E800] =	vst v63  }
0x8e: {  	_ =	swait.ge [sflag:s19], $0x4000  }
0x8f: {  	[sflag:s19] =	ssyncset.done $0x0  }
0x90: {  	s30 =	sadd.s32 $0x2700, s29;
	[sflag:s19] =	ssyncadd.s32 $0xFFFFC000  }
0x91: {  	[spmem:s1] =	stream.indirect.scatter.add.f32 [tilespmem:s17], [sflag:$0x2], $0x80, s30, s16, $0xb8;
	[tilespmem:$0x1E800] =	vst v63  }
0x92: {  	_ =	swait.ge [sflag:s20], $0x4000  }
0x93: {  	[sflag:s20] =	ssyncset.done $0x0  }
.Ltmp1:
0x94: {  	s30 =	sadd.s32 $0x1400, s29;
	[sflag:s20] =	ssyncadd.s32 $0xFFFFC000;
	(pc) =	sbr.rel @p0 .LBB2_4-.Ltmp1, $4  }
0x95: {  	[tilespmem:s17], [sflag:$0x1] =	stream.indirect.gather [hbm4b:s4+s16], $0x80, s30, s16, $0xb8;
	[tilespmem:$0x1E800] =	vst v63  }
0x96: {  	_ =	swait.ge [sflag:s19], $0x4000  }
0x97: {  	[sflag:s19] =	ssyncset.done $0x0  }
0x98: {  	s29 =	sadd.s32 $0x2780, s29;
	[sflag:s19] =	ssyncadd.s32 $0xFFFFC000  }
0x99: {  	[spmem:s1] =	stream.indirect.scatter.add.f32 [tilespmem:s18], [sflag:$0x2], $0x80, s29, s16, $0xb8;
	[tilespmem:$0x1E800] =	vst v63  }
0x9a: {  	_ =	swait.ge [sflag:s20], $0x4000  }
0x9b: {  	[sflag:s20] =	ssyncset.done $0x0  }
0x9c: {  	[sflag:s20] =	ssyncadd.s32 $0xFFFFC000  }
0x9d: {  	[tilespmem:s18], [sflag:$0x1] =	stream.indirect.gather [hbm4b:s4+s16], $0x80, s23, s16, $0xb8;
	[tilespmem:$0x1E800] =	vst v63  }
0x9e: {  	_ =	swait.ge [sflag:s19], $0x4000  }
0x9f: {  	[sflag:s19] =	ssyncset.done $0x0  }
0xa0: {  	[sflag:s19] =	ssyncadd.s32 $0xFFFFC000  }
0xa1: {  	[spmem:s1] =	stream.indirect.scatter.add.f32 [tilespmem:s17], [sflag:$0x2], $0x80, s24, s16, $0xb8;
	[tilespmem:$0x1E800] =	vst v63  }
0xa2: {  	_ =	swait.ge [sflag:s20], $0x4000  }
0xa3: {  	[sflag:s20] =	ssyncset.done $0x0  }
0xa4: {  	[sflag:s20] =	ssyncadd.s32 $0xFFFFC000  }
0xa5: {  	_ =	swait.ge [sflag:s19], $0x4000  }
0xa6: {  	[sflag:s19] =	ssyncset.done $0x0  }
0xa7: {  	[sflag:s19] =	ssyncadd.s32 $0xFFFFC000  }
0xa8: {  	[spmem:s1] =	stream.indirect.scatter.add.f32 [tilespmem:s18], [sflag:$0x2], $0x80, s25, s16, $0xb8;
	[tilespmem:$0x1E800] =	vst v63  }
0xa9: {  	_ =	swait.ge [sflag:s20], $0x4000  }
0xaa: {  	s26 =	sadd.s32 $0x1, s26;
	[sflag:s20] =	ssyncset.done $0x0  }
0xab: {  	p0 =	sne.s32 s26, s12;
	[sflag:s20] =	ssyncadd.s32 $0xFFFFC000  }
.Ltmp2:
0xac: {  	[bflag:$0x0] =	sbarrier.arrive $0xFFFF;
	(pc) =	sbr.rel @p0 .LBB2_1-.Ltmp2, $4  }
0xad: {  	[hbm:s11], [sflag:s6] =	dma.local [spmem:s13], $0x2800  }
0xae: {  	_ =	swait.ge [sflag:s14], $0x2800  }
0xaf: {  	[sflag:s14] =	ssyncset.done $0x0  }
0xb0: {  	[sflag:s14] =	ssyncadd.s32 $0xFFFFD800  }
0xb1: {  	_ =	sfence.sel $0x180000  }
0xb2: {  	[bflag:$0x0] =	sbarrier.arrive $0xFFFF  }
0xb3: {  	p0 =	sne.s32 s2, $0x0;
	_ =	strace $0x9000004A  }
0xb4: {  	s0 =	sadd.s32 @!p0 $0x100000, s0;
	[bflag:$0x2] =	sbarrier.arrive $0xFFFF  }
0xb5: {  	[sflag:s0] =	ssyncadd.tile.s32 @!p0 $0x1;
	_ =	shalt  }
.Lfunc_end2:
_tile_overlayer_lowered:
.L_overlay_start_2:
0xb6: {  	(tag) =	ssettag $0x2  }
0xb7: {  	s0 =	rddreg [dreg:$0x0];
	s2 =	stileid.u32  }
0xb8: {  	s1 =	rddreg [dreg:$0x1];
	p0 =	sne.s32 s2, $0x0  }
0xb9: {  	s3 =	rddreg [dreg:$0x2];
	[bflag:$0x3] =	sbarrier.arrive $0xFFFF;
	s2 =	simm.s32 @!p0 $0x1C03  }
0xba: {  	[timem:s3], [sflag:s2] =	dma.local @!p0 [hbm:s0], s1  }
0xbb: {  	s0 =	simm.s32 @!p0 $0x3  }
0xbc: {  	_ =	swait.ge @!p0 [sflag:s0], s1  }
0xbd: {  	s1 =	ssub.s32 @!p0 $0x0, s1;
	[sflag:s0] =	ssyncset.done @!p0 $0x0  }
0xbe: {  	[sflag:s0] =	ssyncadd.s32 @!p0 s1  }
0xbf: {  	[bflag:$0x3] =	sbarrier.arrive $0xFFFF  }
0xc0: {  	_ =	shalt  }

// kernel: kernel.16.cloned.1.call-start
scs
__scs_entry_jumppad:
0x0: {  	(pc) =	sbr.rel $0x88, $3  }
0x1: {  	(tag) =	ssettag $0x0;
	lr =	simm.s32 $0x1  }
0x2: {  	[smem:$0x3F95] =	sst lr;
	_ =	strace $0xD0000000  }
0x3: {  	_ = 	snop  }
0x4: {  	_ = 	snop  }
0x5: {  	_ = 	snop  }
0x6: {  	_ = 	snop  }
0x7: {  	_ = 	snop  }
__scs_overlays_trampoline_lowered:
0x8: {  	[smem:$0x3FA4] =	sst s0  }
0x9: {  	[smem:$0x3FA5] =	sst s1  }
0xa: {  	[smem:$0x3FA6] =	sst s2  }
0xb: {  	[smem:$0x3FA7] =	sst s3  }
0xc: {  	[smem:$0x3FA8] =	sst s4  }
0xd: {  	[smem:$0x3FA9] =	sst s5  }
0xe: {  	[smem:$0x3FAA] =	sst s6  }
0xf: {  	[smem:$0x3FAB] =	sst s7  }
0x10: {  	[smem:$0x3FAC] =	sst s8  }
0x11: {  	[smem:$0x3FAD] =	sst s9;
	s0 =	simm.s32 @!p0 $0x0  }
0x12: {  	s1 =	sld [smem:$0x3F93];
	s0 =	simm.s32 @p0 $0x1  }
0x13: {  	[smem:$0x3FAE] =	sst s0;
	s0 =	simm.s32 @!p1 $0x0  }
0x14: {  	s2 =	sld [smem:$0x3F92];
	s0 =	simm.s32 @p1 $0x1  }
0x15: {  	[smem:$0x3FAF] =	sst s0;
	s0 =	simm.s32 @!p2 $0x0  }
0x16: {  	s3 =	sld [smem:$0x3FDB];
	s0 =	simm.s32 @p2 $0x1  }
0x17: {  	s4 =	simm.s32 $0x1BF5;
	[smem:$0x3FB1] =	sst s0  }
0x18: {  	s0 =	sld [smem:$0x3F94];
	_ =	swait.ge [sflag:s4], $0x0  }
0x19: {  	s7 =	sld [smem:$0x3F95]  }
0x1a: {  	s8 =	sadd.s32 $0xFFFFE003, lr  }
0x1b: {  	s9 =	sadd.s32 $0xFFFFFEF7, lr;
	s5 =	simm.s32 $0xFFFFFFFF;
	p2 =	slt.u32 s8, $0xFFFFF086  }
0x1c: {  	p1 =	slt.u32 s9, $0xF7A;
	s5 =	simm.s32 @!p2 $0x0  }
0x1d: {  	s5 =	simm.s32 @p1 $0x1;
	p0 =	seq.s32 s7, s2  }
0x1e: {  	s7 =	smul.u32 @!p0 $0xF7A, s2;
	p2 =	seq.s32 @!p0 s5, $0x0  }
0x1f: {  	s9 =	smul.u32 $0xF7A, s1;
	s8 =	simm.s32 @!p0 $0x1BF5;
	p2 =	por !p2, p0  }
0x20: {  	[sflag:s8] =	ssyncset.s32 @!p0 $0xFFFFF086;
	s6 =	sadd.s32 @!p0 s3, s7;
	s7 =	simm.s32 @!p0 $0x108  }
0x21: {  	s3 =	sadd.s32 s3, s9;
	s6 =	sadd.s32 @!p0 $0x88, s6;
	s7 =	simm.s32 @p2 $0x1082  }
0x22: {  	[simem:s7], [sflag:s8] =	dma.local @!p0 [hbm:s6], $0xF7A  }
0x23: {  	s9 =	sor.u32 $0xD0000000, s2;
	s6 =	simm.s32 $0x108;
	_ =	swait.ge @!p0 [sflag:s8], $0x0  }
0x24: {  	s3 =	sadd.s32 $0x88, s3;
	s6 =	simm.s32 @!p1 $0x1082;
	[sflag:s4] =	ssyncset.s32 $0xFFFFF086  }
0x25: {  	[simem:s6], [sflag:s4] =	dma.local [hbm:s3], $0xF7A  }
0x26: {  	[smem:$0x3F95] =	sst s1;
	(tag) =	ssettag s2;
	_ =	strace s9  }
0x27: {  	s1 =	sld [smem:$0x3FA5]  }
0x28: {  	s2 =	sld [smem:$0x3FA6]  }
0x29: {  	s4 =	sld [smem:$0x3FA8]  }
0x2a: {  	p0 =	seq.s32 s5, $0x0;
	s5 =	sld [smem:$0x3FA9]  }
0x2b: {  	s6 =	sld [smem:$0x3FAA]  }
0x2c: {  	s7 =	sld [smem:$0x3FAB]  }
0x2d: {  	s3 =	simm.s32 $0x108;
	s8 =	sld [smem:$0x3FAC]  }
0x2e: {  	s3 =	simm.s32 @!p0 $0x1082;
	s9 =	sld [smem:$0x3FAD]  }
0x2f: {  	lr =	sadd.s32 s0, s3;
	s0 =	sld [smem:$0x3FA4]  }
0x30: {  	s3 =	sld [smem:$0x3FA7]  }
0x31: {  	[smem:$0x3FB0] =	sst s10  }
0x32: {  	s10 =	sld [smem:$0x3FAE];
	_ =	sdelay $0x3  }
0x33: {  	p0 =	seq.s32 s10, $0x1;
	s10 =	sld [smem:$0x3FB0];
	_ =	sdelay $0x3  }
0x34: {  	[smem:$0x3FB0] =	sst s10  }
0x35: {  	s10 =	sld [smem:$0x3FAF];
	_ =	sdelay $0x3  }
0x36: {  	p1 =	seq.s32 s10, $0x1;
	s10 =	sld [smem:$0x3FB0];
	_ =	sdelay $0x3  }
0x37: {  	[smem:$0x3FB0] =	sst s10  }
0x38: {  	s10 =	sld [smem:$0x3FB1]  }
0x39: {  	_ = 	snop;
	(pc) =	sbr.ind lr, $3  }
0x3a: {  	_ = 	snop  }
0x3b: {  	_ = 	snop  }
0x3c: {  	p2 =	seq.s32 s10, $0x1;
	s10 =	sld [smem:$0x3FB0]  }
0x3d: {  	_ =	shalt  }
0x3e: {  	_ =	shalt  }
0x3f: {  	_ =	shalt  }
0x40: {  	_ =	shalt  }
0x41: {  	_ =	shalt  }
0x42: {  	_ =	shalt  }
0x43: {  	_ =	shalt  }
0x44: {  	_ =	shalt  }
0x45: {  	_ =	shalt  }
0x46: {  	_ =	shalt  }
0x47: {  	_ =	shalt  }
0x48: {  	_ =	shalt  }
0x49: {  	_ =	shalt  }
0x4a: {  	_ =	shalt  }
0x4b: {  	_ =	shalt  }
0x4c: {  	_ =	shalt  }
0x4d: {  	_ =	shalt  }
0x4e: {  	_ =	shalt  }
0x4f: {  	_ =	shalt  }
0x50: {  	_ =	shalt  }
0x51: {  	_ =	shalt  }
0x52: {  	_ =	shalt  }
0x53: {  	_ =	shalt  }
0x54: {  	_ =	shalt  }
0x55: {  	_ =	shalt  }
0x56: {  	_ =	shalt  }
0x57: {  	_ =	shalt  }
0x58: {  	_ =	shalt  }
0x59: {  	_ =	shalt  }
0x5a: {  	_ =	shalt  }
0x5b: {  	_ =	shalt  }
0x5c: {  	_ =	shalt  }
0x5d: {  	_ =	shalt  }
0x5e: {  	_ =	shalt  }
0x5f: {  	_ =	shalt  }
0x60: {  	_ =	shalt  }
0x61: {  	_ =	shalt  }
0x62: {  	_ =	shalt  }
0x63: {  	_ =	shalt  }
0x64: {  	_ =	shalt  }
0x65: {  	_ =	shalt  }
0x66: {  	_ =	shalt  }
0x67: {  	_ =	shalt  }
0x68: {  	_ =	shalt  }
0x69: {  	_ =	shalt  }
0x6a: {  	_ =	shalt  }
0x6b: {  	_ =	shalt  }
0x6c: {  	_ =	shalt  }
0x6d: {  	_ =	shalt  }
0x6e: {  	_ =	shalt  }
0x6f: {  	_ =	shalt  }
0x70: {  	_ =	shalt  }
0x71: {  	_ =	shalt  }
0x72: {  	_ =	shalt  }
0x73: {  	_ =	shalt  }
0x74: {  	_ =	shalt  }
0x75: {  	_ =	shalt  }
0x76: {  	_ =	shalt  }
0x77: {  	_ =	shalt  }
0x78: {  	_ =	shalt  }
0x79: {  	_ =	shalt  }
0x7a: {  	_ =	shalt  }
0x7b: {  	_ =	shalt  }
0x7c: {  	_ =	shalt  }
0x7d: {  	_ =	shalt  }
0x7e: {  	_ =	shalt  }
0x7f: {  	_ =	shalt  }
0x80: {  	_ =	shalt  }
0x81: {  	_ =	shalt  }
0x82: {  	_ =	shalt  }
0x83: {  	_ =	shalt  }
0x84: {  	_ =	shalt  }
0x85: {  	_ =	shalt  }
0x86: {  	_ =	shalt  }
0x87: {  	_ =	shalt  }
.Lfunc_end0:
.L_simem_size_0:
called_computation.2_lowered:
.L_overlay_start_0:
0x88: {  	s2 =	sld [smem:$0x3FD9]  }
0x89: {  	s3 =	sld [smem:$0x3FFE];
	_ =	sdelay $0x1  }
0x8a: {  	s1 =	srdreg.scid  }
0x8b: {  	s0 =	sand.u32 $0x1, s1  }
0x8c: {  	s16 =	sshll.u32 s0, $0xA;
	s2 =	sadd.s32 s3, s2  }
0x8d: {  	s2 =	sadd.s32 s2, s16  }
0x8e: {  	[smem:$0x3FBC] =	sst s2  }
0x8f: {  	_ = 	snop  }
0x90: {  	(tm) =	ssettm $0x1  }
0x91: {  	s17 =	sld [smem:$0x3FFB];
	_ =	sdelay $0x3  }
0x92: {  	_ =	strace s17  }
0x93: {  	s2 =	sld [smem:$0x3FFC];
	_ =	sdelay $0x3  }
0x94: {  	_ =	strace s2  }
0x95: {  	s2 =	sld [smem:$0x3FFD];
	_ =	sdelay $0x3  }
0x96: {  	_ =	strace s2  }
0x97: {  	_ =	strace $0x8FFFFFFF  }
0x98: {  	s18 =	sld [smem:$0x3FDB];
	_ =	sdelay $0x1  }
0x99: {  	s19 =	simm.s32 $_scs_section_size  }
0x9a: {  	s4 =	simm.s32 $_size__tile_overlayer_lowered;
	s5 =	simm.s32 $_tile_overlayer_lowered  }
0x9b: {  	s22 =	simm.s32 $0x1BFF;
	s21 =	sshll.u32 s5, $0x1;
	s2 =	sadd.s32 s19, s18  }
0x9c: {  	s6 =	simm.s32 $0x0;
	s20 =	sshll.u32 s4, $0x1;
	s4 =	sadd.s32 s21, s2  }
0x9d: {  	[timem:s6], [sflag:s22] =	dma.local [hbm:s4], s20  }
0x9e: {  	_ =	swait.ge [sflag:s22], s20  }
0x9f: {  	s3 =	ssub.s32 $0x0, s20;
	[sflag:s22] =	ssyncset.done $0x0  }
0xa0: {  	[sflag:s22] =	ssyncadd.s32 s3;
	_ =	sdelay $0x1  }
0xa1: {  	s23 =	simm.s32 $0x1B8B  }
0xa2: {  	_ =	swait.ge [sflag:s23], $0x1  }
0xa3: {  	[sflag:s23] =	ssyncset.done $0x0  }
0xa4: {  	s25 =	simm.s32 $0x1B8E;
	s24 =	sld [smem:$0x3FFE];
	[sflag:s23] =	ssyncadd.s32 $0xFFFFFFFF  }
0xa5: {  	s26 =	simm.s32 $execute0_lowered;
	[smem:$0x3FD2] =	sst s25  }
0xa6: {  	s4 =	sshll.u32 s26, $0x1;
	_ =	strace $0x8000004C;
	[dreg:$0x1] =	wrdreg $0xFFFFFFFF  }
0xa7: {  	s28 =	simm.s32 $_size_execute0_lowered;
	s2 =	sadd.s32 s2, s4;
	[dreg:$0x0] =	wrdreg $0x0  }
0xa8: {  	s4 =	sshll.u32 s28, $0x1;
	[dreg:$0x2] =	wrdreg s2  }
0xa9: {  	[dreg:$0x3] =	wrdreg s4  }
0xaa: {  	[dreg:$0x4] =	wrdreg $0xC0  }
0xab: {  	_ =	task [dreg:s6], $0x5FFFF  }
0xac: {  	[dreg:$0x1] =	wrdreg $0xFFFFFFFF  }
0xad: {  	[dreg:$0x0] =	wrdreg $0x60  }
0xae: {  	[dreg:$0x2] =	wrdreg s24  }
0xaf: {  	[dreg:$0x3] =	wrdreg $0xA8000  }
0xb0: {  	[dreg:$0x4] =	wrdreg $0x9  }
0xb1: {  	_ =	task.clear_ibuf [dreg:s6], $0x5FFFF;
	_ =	strace $0x9000004C  }
0xb2: {  	s29 =	simm.s32 $0x9;
	_ =	strace $0x8000004E  }
0xb3: {  	_ =	swait.ge [sflag:s29], $0x1  }
0xb4: {  	[sflag:s29] =	ssyncadd.s32 $0xFFFFFFFF  }
0xb5: {  	_ =	strace $0x9000004E  }
0xb6: {  	_ =	sfence  }
0xb7: {  	s30 =	sld [smem:$0x0];
	_ =	sdelay $0x2  }
0xb8: {  	s31 =	sshll.u32 s1, $0xD;
	s1 =	sshrl.u32 s1, $0x2  }
0xb9: {  	s3 =	sand.u32 $0x4000, s31;
	s1 =	sadd.s32 s1, s30  }
0xba: {  	s0 =	sor.u32 s3, s0;
	s1 =	sshll.u32 s1, $0x11  }
0xbb: {  	s0 =	sor.u32 s1, s0  }
0xbc: {  	s0 =	sadd.s32 $0x8F2B, s0  }
0xbd: {  	[sflag:s0] =	ssyncadd.remote.s32 $0x1  }
0xbe: {  	_ =	sfence.sel $0xFFFF  }
0xbf: {  	[dreg:$0x0] =	wrdreg $0xFFFFFFFF;
	(pc) =	sbr.abs _section_cstart, $3  }
0xc0: {  	[dreg:$0x1] =	wrdreg $0xFFFFFFFF  }
0xc1: {  	_ =	task.clear_ibuf [dreg:s6], $0x2FFFF;
	_ =	strace $0x9FFFFFFF  }
0xc2: {  	(tm) =	ssettm $0x7FFFFFFF  }
0xc3: {  	_ =	shalt  }
tec
execute0_lowered:
.L_overlay_start_1:
0x0: {  	(tag) =	ssettag $0x1  }
0x1: {  	s6 =	rddreg [dreg:$0x0]  }
0x2: {  	s1 =	rddreg [dreg:$0x1];
	s2 =	srdreg.scid  }
0x3: {  	s0 =	rddreg [dreg:$0x2];
	s3 =	simm.s32 $0x0;
	s16 =	simm.s32 $0x80  }
0x4: {  	s17 =	simm.s32 $0x2800;
	s18 =	simm.s32 $0x6800;
	s19 =	simm.s32 $0x1  }
0x5: {  	s20 =	simm.s32 $0x2;
	s21 =	simm.s32 $0x100;
	s22 =	simm.s32 $0x1480  }
0x6: {  	s23 =	simm.s32 $0x1380;
	s24 =	simm.s32 $0x2700;
	s25 =	simm.s32 $0x2780  }
0x7: {  	s26 =	simm.s32 $0x0;
	s7 =	sand.u32 $0x1, s2;
	s2 =	stileid.u32  }
0x8: {  	[smem:$0x7FF] =	sst s3;
	s4 =	sadd.s32 $0x67E00, s6;
	s5 =	smul.u32 $0x140000, s7  }
0x9: {  	s9 =	sadd.s32 $0xDE00, s6;
	s10 =	sadd.s32 $0x3E00, s6;
	s8 =	smul.u32 $0x14000, s2  }
0xa: {  	_ =	strace $0x8000004D;
	s11 =	sshll.u32 s7, $0x4;
	s7 =	ssub.s32 $0x2, s7  }
0xb: {  	s12 =	smul.u32 $0x50000, s2;
	s31 =	sshll.u32 s2, $0x6;
	s11 =	sor.u32 s2, s11  }
0xc: {  	s28 =	sshrl.u32 s7, $0x1;
	s8 =	sadd.s32 s8, s5;
	s5 =	sadd.s32 $0x8F000, s6  }
0xd: {  	s29 =	smul.u32 $0x2800, s11;
	s14 =	ssub.s32 s7, s28;
	s30 =	sshrl.u32 s12, $0x2  }
0xe: {  	s8 =	sshrl.u32 s8, $0x3;
	s15 =	sadd.s32 s30, s1;
	s12 =	smax.u32 s14, $0x1  }
0xf: {  	s14 =	simm.s32 $0x3;
	s13 =	sadd.s32 s8, s6;
	s11 =	sshrl.u32 s29, $0x3  }
0x10: {  	s7 =	sadd.s32 s9, s11;
	s8 =	sadd.s32 s10, s11;
	s11 =	sadd.s32 $0x280, s11  }
0x11: {  	s6 =	sor.u32 $0x1C03, s31;
	s9 =	sadd.s32 s9, s11;
	s10 =	sadd.s32 s10, s11  }
0x12: {  	s11 =	sadd.s32 $0x91800, s13;
	s13 =	sshrl.u32 s15, $0x3;
	s15 =	simm.s32 $0x1400  }
.LBB2_1:
0x13: {  	[spmem:s13], [sflag:s6] =	dma.local [hbm:s5], $0x2800  }
0x14: {  	_ =	swait.ge [sflag:s14], $0x2800  }
0x15: {  	[sflag:s14] =	ssyncset.done $0x0  }
0x16: {  	[sflag:s14] =	ssyncadd.s32 $0xFFFFD800  }
0x17: {  	[bflag:$0x0] =	sbarrier.arrive $0xFFFF  }
0x18: {  	[tilespmem:s3], [sflag:$0x3] =	stream.linear.gather [hbm4b:s7+s3], $0x1400, $0x38;
	[tilespmem:$0x1E800] =	vst v63  }
0x19: {  	_ =	swait.ge [sflag:s14], $0x1400  }
0x1a: {  	[sflag:s14] =	ssyncset.done $0x0  }
0x1b: {  	[sflag:s14] =	ssyncadd.s32 $0xFFFFEC00  }
0x1c: {  	[tilespmem:s15], [sflag:$0x3] =	stream.linear.gather [hbm4b:s8+s3], $0x1400, $0x38;
	[tilespmem:$0x1E800] =	vst v63  }
0x1d: {  	_ =	swait.ge [sflag:s14], $0x1400  }
0x1e: {  	[sflag:s14] =	ssyncset.done $0x0  }
0x1f: {  	[sflag:s14] =	ssyncadd.s32 $0xFFFFEC00  }
0x20: {  	[tilespmem:s17], [sflag:$0x1] =	stream.indirect.gather [hbm4b:s4+s16], $0x80, s3, s16, $0xb8;
	[tilespmem:$0x1E800] =	vst v63  }
0x21: {  	_ = 	snop  }
0x22: {  	[tilespmem:s18], [sflag:$0x1] =	stream.indirect.gather [hbm4b:s4+s16], $0x80, s16, s16, $0xb8;
	[tilespmem:$0x1E800] =	vst v63  }
0x23: {  	_ =	swait.ge [sflag:s19], $0x4000  }
0x24: {  	[sflag:s19] =	ssyncset.done $0x0  }
0x25: {  	[sflag:s19] =	ssyncadd.s32 $0xFFFFC000  }
0x26: {  	[spmem:s1] =	stream.indirect.scatter.add.f32 [tilespmem:s17], [sflag:$0x2], $0x80, s15, s16, $0xb8;
	[tilespmem:$0x1E800] =	vst v63  }
0x27: {  	_ =	swait.ge [sflag:s20], $0x4000  }
0x28: {  	[sflag:s20] =	ssyncset.done $0x0  }
0x29: {  	[sflag:s20] =	ssyncadd.s32 $0xFFFFC000  }
0x2a: {  	[tilespmem:s17], [sflag:$0x1] =	stream.indirect.gather [hbm4b:s4+s16], $0x80, s21, s16, $0xb8;
	[tilespmem:$0x1E800] =	vst v63  }
0x2b: {  	_ =	swait.ge [sflag:s19], $0x4000  }
0x2c: {  	[sflag:s19] =	ssyncset.done $0x0  }
0x2d: {  	[sflag:s19] =	ssyncadd.s32 $0xFFFFC000  }
0x2e: {  	[spmem:s1] =	stream.indirect.scatter.add.f32 [tilespmem:s18], [sflag:$0x2], $0x80, s22, s16, $0xb8;
	[tilespmem:$0x1E800] =	vst v63  }
0x2f: {  	_ =	swait.ge [sflag:s20], $0x4000  }
0x30: {  	[sflag:s20] =	ssyncset.done $0x0  }
0x31: {  	s28 =	simm.s32 $0x180;
	[sflag:s20] =	ssyncadd.s32 $0xFFFFC000  }
0x32: {  	[tilespmem:s18], [sflag:$0x1] =	stream.indirect.gather [hbm4b:s4+s16], $0x80, s28, s16, $0xb8;
	[tilespmem:$0x1E800] =	vst v63  }
0x33: {  	_ =	swait.ge [sflag:s19], $0x4000  }
0x34: {  	[sflag:s19] =	ssyncset.done $0x0  }
0x35: {  	s28 =	simm.s32 $0x1500;
	[sflag:s19] =	ssyncadd.s32 $0xFFFFC000  }
0x36: {  	[spmem:s1] =	stream.indirect.scatter.add.f32 [tilespmem:s17], [sflag:$0x2], $0x80, s28, s16, $0xb8;
	[tilespmem:$0x1E800] =	vst v63  }
0x37: {  	_ =	swait.ge [sflag:s20], $0x4000  }
0x38: {  	[sflag:s20] =	ssyncset.done $0x0  }
0x39: {  	s28 =	simm.s32 $0x200;
	[sflag:s20] =	ssyncadd.s32 $0xFFFFC000  }
0x3a: {  	[tilespmem:s17], [sflag:$0x1] =	stream.indirect.gather [hbm4b:s4+s16], $0x80, s28, s16, $0xb8;
	[tilespmem:$0x1E800] =	vst v63  }
0x3b: {  	_ =	swait.ge [sflag:s19], $0x4000  }
0x3c: {  	[sflag:s19] =	ssyncset.done $0x0  }
0x3d: {  	s29 =	simm.s32 $0x1580;
	s28 =	simm.s32 $0xFFFFBC00;
	[sflag:s19] =	ssyncadd.s32 $0xFFFFC000  }
.LBB2_2:
0x3e: {  	[spmem:s1] =	stream.indirect.scatter.add.f32 [tilespmem:s18], [sflag:$0x2], $0x80, s29, s16, $0xb8;
	[tilespmem:$0x1E800] =	vst v63  }
0x3f: {  	s29 =	smov.u32 s28  }
0x40: {  	p0 =	sne.s32 s28, $0xFFFFFC00;
	s28 =	sadd.s32 $0x400, s28;
	_ =	swait.ge [sflag:s20], $0x4000  }
0x41: {  	s29 =	sshra.s32 s29, $0x2;
	[sflag:s20] =	ssyncset.done $0x0  }
0x42: {  	s30 =	sadd.s32 $0x1380, s29;
	[sflag:s20] =	ssyncadd.s32 $0xFFFFC000  }
0x43: {  	[tilespmem:s18], [sflag:$0x1] =	stream.indirect.gather [hbm4b:s4+s16], $0x80, s30, s16, $0xb8;
	[tilespmem:$0x1E800] =	vst v63  }
0x44: {  	_ =	swait.ge [sflag:s19], $0x4000  }
0x45: {  	[sflag:s19] =	ssyncset.done $0x0  }
0x46: {  	s30 =	sadd.s32 $0x2700, s29;
	[sflag:s19] =	ssyncadd.s32 $0xFFFFC000  }
0x47: {  	[spmem:s1] =	stream.indirect.scatter.add.f32 [tilespmem:s17], [sflag:$0x2], $0x80, s30, s16, $0xb8;
	[tilespmem:$0x1E800] =	vst v63  }
0x48: {  	_ =	swait.ge [sflag:s20], $0x4000  }
0x49: {  	[sflag:s20] =	ssyncset.done $0x0  }
.Ltmp0:
0x4a: {  	s30 =	sadd.s32 $0x1400, s29;
	[sflag:s20] =	ssyncadd.s32 $0xFFFFC000;
	(pc) =	sbr.rel @p0 .LBB2_2-.Ltmp0, $4  }
0x4b: {  	[tilespmem:s17], [sflag:$0x1] =	stream.indirect.gather [hbm4b:s4+s16], $0x80, s30, s16, $0xb8;
	[tilespmem:$0x1E800] =	vst v63  }
0x4c: {  	_ =	swait.ge [sflag:s19], $0x4000  }
0x4d: {  	[sflag:s19] =	ssyncset.done $0x0  }
0x4e: {  	s29 =	sadd.s32 $0x2780, s29;
	[sflag:s19] =	ssyncadd.s32 $0xFFFFC000  }
0x4f: {  	[spmem:s1] =	stream.indirect.scatter.add.f32 [tilespmem:s18], [sflag:$0x2], $0x80, s29, s16, $0xb8;
	[tilespmem:$0x1E800] =	vst v63  }
0x50: {  	_ =	swait.ge [sflag:s20], $0x4000  }
0x51: {  	[sflag:s20] =	ssyncset.done $0x0  }
0x52: {  	[sflag:s20] =	ssyncadd.s32 $0xFFFFC000  }
0x53: {  	[tilespmem:s18], [sflag:$0x1] =	stream.indirect.gather [hbm4b:s4+s16], $0x80, s23, s16, $0xb8;
	[tilespmem:$0x1E800] =	vst v63  }
0x54: {  	_ =	swait.ge [sflag:s19], $0x4000  }
0x55: {  	[sflag:s19] =	ssyncset.done $0x0  }
0x56: {  	[sflag:s19] =	ssyncadd.s32 $0xFFFFC000  }
0x57: {  	[spmem:s1] =	stream.indirect.scatter.add.f32 [tilespmem:s17], [sflag:$0x2], $0x80, s24, s16, $0xb8;
	[tilespmem:$0x1E800] =	vst v63  }
0x58: {  	_ =	swait.ge [sflag:s20], $0x4000  }
0x59: {  	[sflag:s20] =	ssyncset.done $0x0  }
0x5a: {  	[sflag:s20] =	ssyncadd.s32 $0xFFFFC000  }
0x5b: {  	_ =	swait.ge [sflag:s19], $0x4000  }
0x5c: {  	[sflag:s19] =	ssyncset.done $0x0  }
0x5d: {  	[sflag:s19] =	ssyncadd.s32 $0xFFFFC000  }
0x5e: {  	[spmem:s1] =	stream.indirect.scatter.add.f32 [tilespmem:s18], [sflag:$0x2], $0x80, s25, s16, $0xb8;
	[tilespmem:$0x1E800] =	vst v63  }
0x5f: {  	_ =	swait.ge [sflag:s20], $0x4000  }
0x60: {  	[sflag:s20] =	ssyncset.done $0x0  }
0x61: {  	[sflag:s20] =	ssyncadd.s32 $0xFFFFC000  }
0x62: {  	[tilespmem:s3], [sflag:$0x3] =	stream.linear.gather [hbm4b:s9+s3], $0x1400, $0x38;
	[tilespmem:$0x1E800] =	vst v63  }
0x63: {  	_ =	swait.ge [sflag:s14], $0x1400  }
0x64: {  	[sflag:s14] =	ssyncset.done $0x0  }
0x65: {  	[sflag:s14] =	ssyncadd.s32 $0xFFFFEC00  }
0x66: {  	[tilespmem:s15], [sflag:$0x3] =	stream.linear.gather [hbm4b:s10+s3], $0x1400, $0x38;
	[tilespmem:$0x1E800] =	vst v63  }
0x67: {  	_ =	swait.ge [sflag:s14], $0x1400  }
0x68: {  	[sflag:s14] =	ssyncset.done $0x0  }
0x69: {  	[sflag:s14] =	ssyncadd.s32 $0xFFFFEC00  }
0x6a: {  	[tilespmem:s17], [sflag:$0x1] =	stream.indirect.gather [hbm4b:s4+s16], $0x80, s3, s16, $0xb8;
	[tilespmem:$0x1E800] =	vst v63  }
0x6b: {  	_ = 	snop  }
0x6c: {  	[tilespmem:s18], [sflag:$0x1] =	stream.indirect.gather [hbm4b:s4+s16], $0x80, s16, s16, $0xb8;
	[tilespmem:$0x1E800] =	vst v63  }
0x6d: {  	_ =	swait.ge [sflag:s19], $0x4000  }
0x6e: {  	[sflag:s19] =	ssyncset.done $0x0  }
0x6f: {  	[sflag:s19] =	ssyncadd.s32 $0xFFFFC000  }
0x70: {  	[spmem:s1] =	stream.indirect.scatter.add.f32 [tilespmem:s17], [sflag:$0x2], $0x80, s15, s16, $0xb8;
	[tilespmem:$0x1E800] =	vst v63  }
0x71: {  	_ =	swait.ge [sflag:s20], $0x4000  }
0x72: {  	[sflag:s20] =	ssyncset.done $0x0  }
0x73: {  	[sflag:s20] =	ssyncadd.s32 $0xFFFFC000  }
0x74: {  	[tilespmem:s17], [sflag:$0x1] =	stream.indirect.gather [hbm4b:s4+s16], $0x80, s21, s16, $0xb8;
	[tilespmem:$0x1E800] =	vst v63  }
0x75: {  	_ =	swait.ge [sflag:s19], $0x4000  }
0x76: {  	[sflag:s19] =	ssyncset.done $0x0  }
0x77: {  	[sflag:s19] =	ssyncadd.s32 $0xFFFFC000  }
0x78: {  	[spmem:s1] =	stream.indirect.scatter.add.f32 [tilespmem:s18], [sflag:$0x2], $0x80, s22, s16, $0xb8;
	[tilespmem:$0x1E800] =	vst v63  }
0x79: {  	_ =	swait.ge [sflag:s20], $0x4000  }
0x7a: {  	[sflag:s20] =	ssyncset.done $0x0  }
0x7b: {  	s28 =	simm.s32 $0x180;
	[sflag:s20] =	ssyncadd.s32 $0xFFFFC000  }
0x7c: {  	[tilespmem:s18], [sflag:$0x1] =	stream.indirect.gather [hbm4b:s4+s16], $0x80, s28, s16, $0xb8;
	[tilespmem:$0x1E800] =	vst v63  }
0x7d: {  	_ =	swait.ge [sflag:s19], $0x4000  }
0x7e: {  	[sflag:s19] =	ssyncset.done $0x0  }
0x7f: {  	s28 =	simm.s32 $0x1500;
	[sflag:s19] =	ssyncadd.s32 $0xFFFFC000  }
0x80: {  	[spmem:s1] =	stream.indirect.scatter.add.f32 [tilespmem:s17], [sflag:$0x2], $0x80, s28, s16, $0xb8;
	[tilespmem:$0x1E800] =	vst v63  }
0x81: {  	_ =	swait.ge [sflag:s20], $0x4000  }
0x82: {  	[sflag:s20] =	ssyncset.done $0x0  }
0x83: {  	s28 =	simm.s32 $0x200;
	[sflag:s20] =	ssyncadd.s32 $0xFFFFC000  }
0x84: {  	[tilespmem:s17], [sflag:$0x1] =	stream.indirect.gather [hbm4b:s4+s16], $0x80, s28, s16, $0xb8;
	[tilespmem:$0x1E800] =	vst v63  }
0x85: {  	_ =	swait.ge [sflag:s19], $0x4000  }
0x86: {  	[sflag:s19] =	ssyncset.done $0x0  }
0x87: {  	s29 =	simm.s32 $0x1580;
	s28 =	simm.s32 $0xFFFFBC00;
	[sflag:s19] =	ssyncadd.s32 $0xFFFFC000  }
.LBB2_4:
0x88: {  	[spmem:s1] =	stream.indirect.scatter.add.f32 [tilespmem:s18], [sflag:$0x2], $0x80, s29, s16, $0xb8;
	[tilespmem:$0x1E800] =	vst v63  }
0x89: {  	s29 =	smov.u32 s28  }
0x8a: {  	p0 =	sne.s32 s28, $0xFFFFFC00;
	s28 =	sadd.s32 $0x400, s28;
	_ =	swait.ge [sflag:s20], $0x4000  }
0x8b: {  	s29 =	sshra.s32 s29, $0x2;
	[sflag:s20] =	ssyncset.done $0x0  }
0x8c: {  	s30 =	sadd.s32 $0x1380, s29;
	[sflag:s20] =	ssyncadd.s32 $0xFFFFC000  }
0x8d: {  	[tilespmem:s18], [sflag:$0x1] =	stream.indirect.gather [hbm4b:s4+s16], $0x80, s30, s16, $0xb8;
	[tilespmem:$0x1E800] =	vst v63  }
0x8e: {  	_ =	swait.ge [sflag:s19], $0x4000  }
0x8f: {  	[sflag:s19] =	ssyncset.done $0x0  }
0x90: {  	s30 =	sadd.s32 $0x2700, s29;
	[sflag:s19] =	ssyncadd.s32 $0xFFFFC000  }
0x91: {  	[spmem:s1] =	stream.indirect.scatter.add.f32 [tilespmem:s17], [sflag:$0x2], $0x80, s30, s16, $0xb8;
	[tilespmem:$0x1E800] =	vst v63  }
0x92: {  	_ =	swait.ge [sflag:s20], $0x4000  }
0x93: {  	[sflag:s20] =	ssyncset.done $0x0  }
.Ltmp1:
0x94: {  	s30 =	sadd.s32 $0x1400, s29;
	[sflag:s20] =	ssyncadd.s32 $0xFFFFC000;
	(pc) =	sbr.rel @p0 .LBB2_4-.Ltmp1, $4  }
0x95: {  	[tilespmem:s17], [sflag:$0x1] =	stream.indirect.gather [hbm4b:s4+s16], $0x80, s30, s16, $0xb8;
	[tilespmem:$0x1E800] =	vst v63  }
0x96: {  	_ =	swait.ge [sflag:s19], $0x4000  }
0x97: {  	[sflag:s19] =	ssyncset.done $0x0  }
0x98: {  	s29 =	sadd.s32 $0x2780, s29;
	[sflag:s19] =	ssyncadd.s32 $0xFFFFC000  }
0x99: {  	[spmem:s1] =	stream.indirect.scatter.add.f32 [tilespmem:s18], [sflag:$0x2], $0x80, s29, s16, $0xb8;
	[tilespmem:$0x1E800] =	vst v63  }
0x9a: {  	_ =	swait.ge [sflag:s20], $0x4000  }
0x9b: {  	[sflag:s20] =	ssyncset.done $0x0  }
0x9c: {  	[sflag:s20] =	ssyncadd.s32 $0xFFFFC000  }
0x9d: {  	[tilespmem:s18], [sflag:$0x1] =	stream.indirect.gather [hbm4b:s4+s16], $0x80, s23, s16, $0xb8;
	[tilespmem:$0x1E800] =	vst v63  }
0x9e: {  	_ =	swait.ge [sflag:s19], $0x4000  }
0x9f: {  	[sflag:s19] =	ssyncset.done $0x0  }
0xa0: {  	[sflag:s19] =	ssyncadd.s32 $0xFFFFC000  }
0xa1: {  	[spmem:s1] =	stream.indirect.scatter.add.f32 [tilespmem:s17], [sflag:$0x2], $0x80, s24, s16, $0xb8;
	[tilespmem:$0x1E800] =	vst v63  }
0xa2: {  	_ =	swait.ge [sflag:s20], $0x4000  }
0xa3: {  	[sflag:s20] =	ssyncset.done $0x0  }
0xa4: {  	[sflag:s20] =	ssyncadd.s32 $0xFFFFC000  }
0xa5: {  	_ =	swait.ge [sflag:s19], $0x4000  }
0xa6: {  	[sflag:s19] =	ssyncset.done $0x0  }
0xa7: {  	[sflag:s19] =	ssyncadd.s32 $0xFFFFC000  }
0xa8: {  	[spmem:s1] =	stream.indirect.scatter.add.f32 [tilespmem:s18], [sflag:$0x2], $0x80, s25, s16, $0xb8;
	[tilespmem:$0x1E800] =	vst v63  }
0xa9: {  	_ =	swait.ge [sflag:s20], $0x4000  }
0xaa: {  	s26 =	sadd.s32 $0x1, s26;
	[sflag:s20] =	ssyncset.done $0x0  }
0xab: {  	p0 =	sne.s32 s26, s12;
	[sflag:s20] =	ssyncadd.s32 $0xFFFFC000  }
.Ltmp2:
0xac: {  	[bflag:$0x0] =	sbarrier.arrive $0xFFFF;
	(pc) =	sbr.rel @p0 .LBB2_1-.Ltmp2, $4  }
0xad: {  	[hbm:s11], [sflag:s6] =	dma.local [spmem:s13], $0x2800  }
0xae: {  	_ =	swait.ge [sflag:s14], $0x2800  }
0xaf: {  	[sflag:s14] =	ssyncset.done $0x0  }
0xb0: {  	[sflag:s14] =	ssyncadd.s32 $0xFFFFD800  }
0xb1: {  	_ =	sfence.sel $0x180000  }
0xb2: {  	[bflag:$0x0] =	sbarrier.arrive $0xFFFF  }
0xb3: {  	p0 =	sne.s32 s2, $0x0;
	_ =	strace $0x9000004D  }
0xb4: {  	s0 =	sadd.s32 @!p0 $0x100000, s0;
	[bflag:$0x2] =	sbarrier.arrive $0xFFFF  }
0xb5: {  	[sflag:s0] =	ssyncadd.tile.s32 @!p0 $0x1;
	_ =	shalt  }
.Lfunc_end2:
_tile_overlayer_lowered:
.L_overlay_start_2:
0xb6: {  	(tag) =	ssettag $0x2  }
0xb7: {  	s0 =	rddreg [dreg:$0x0];
	s2 =	stileid.u32  }
0xb8: {  	s1 =	rddreg [dreg:$0x1];
	p0 =	sne.s32 s2, $0x0  }
0xb9: {  	s3 =	rddreg [dreg:$0x2];
	[bflag:$0x3] =	sbarrier.arrive $0xFFFF;
	s2 =	simm.s32 @!p0 $0x1C03  }
0xba: {  	[timem:s3], [sflag:s2] =	dma.local @!p0 [hbm:s0], s1  }
0xbb: {  	s0 =	simm.s32 @!p0 $0x3  }
0xbc: {  	_ =	swait.ge @!p0 [sflag:s0], s1  }
0xbd: {  	s1 =	ssub.s32 @!p0 $0x0, s1;
	[sflag:s0] =	ssyncset.done @!p0 $0x0  }
0xbe: {  	[sflag:s0] =	ssyncadd.s32 @!p0 s1  }
0xbf: {  	[bflag:$0x3] =	sbarrier.arrive $0xFFFF  }
0xc0: {  	_ =	shalt  }

// kernel: kernel.19.cloned.1.call-start
scs
__scs_entry_jumppad:
0x0: {  	(pc) =	sbr.rel $0x88, $3  }
0x1: {  	(tag) =	ssettag $0x0;
	lr =	simm.s32 $0x1  }
0x2: {  	[smem:$0x3F95] =	sst lr;
	_ =	strace $0xD0000000  }
0x3: {  	_ = 	snop  }
0x4: {  	_ = 	snop  }
0x5: {  	_ = 	snop  }
0x6: {  	_ = 	snop  }
0x7: {  	_ = 	snop  }
__scs_overlays_trampoline_lowered:
0x8: {  	[smem:$0x3FA4] =	sst s0  }
0x9: {  	[smem:$0x3FA5] =	sst s1  }
0xa: {  	[smem:$0x3FA6] =	sst s2  }
0xb: {  	[smem:$0x3FA7] =	sst s3  }
0xc: {  	[smem:$0x3FA8] =	sst s4  }
0xd: {  	[smem:$0x3FA9] =	sst s5  }
0xe: {  	[smem:$0x3FAA] =	sst s6  }
0xf: {  	[smem:$0x3FAB] =	sst s7  }
0x10: {  	[smem:$0x3FAC] =	sst s8  }
0x11: {  	[smem:$0x3FAD] =	sst s9;
	s0 =	simm.s32 @!p0 $0x0  }
0x12: {  	s1 =	sld [smem:$0x3F93];
	s0 =	simm.s32 @p0 $0x1  }
0x13: {  	[smem:$0x3FAE] =	sst s0;
	s0 =	simm.s32 @!p1 $0x0  }
0x14: {  	s2 =	sld [smem:$0x3F92];
	s0 =	simm.s32 @p1 $0x1  }
0x15: {  	[smem:$0x3FAF] =	sst s0;
	s0 =	simm.s32 @!p2 $0x0  }
0x16: {  	s3 =	sld [smem:$0x3FDB];
	s0 =	simm.s32 @p2 $0x1  }
0x17: {  	s4 =	simm.s32 $0x1BF5;
	[smem:$0x3FB1] =	sst s0  }
0x18: {  	s0 =	sld [smem:$0x3F94];
	_ =	swait.ge [sflag:s4], $0x0  }
0x19: {  	s7 =	sld [smem:$0x3F95]  }
0x1a: {  	s8 =	sadd.s32 $0xFFFFE003, lr  }
0x1b: {  	s9 =	sadd.s32 $0xFFFFFEF7, lr;
	s5 =	simm.s32 $0xFFFFFFFF;
	p2 =	slt.u32 s8, $0xFFFFF086  }
0x1c: {  	p1 =	slt.u32 s9, $0xF7A;
	s5 =	simm.s32 @!p2 $0x0  }
0x1d: {  	s5 =	simm.s32 @p1 $0x1;
	p0 =	seq.s32 s7, s2  }
0x1e: {  	s7 =	smul.u32 @!p0 $0xF7A, s2;
	p2 =	seq.s32 @!p0 s5, $0x0  }
0x1f: {  	s9 =	smul.u32 $0xF7A, s1;
	s8 =	simm.s32 @!p0 $0x1BF5;
	p2 =	por !p2, p0  }
0x20: {  	[sflag:s8] =	ssyncset.s32 @!p0 $0xFFFFF086;
	s6 =	sadd.s32 @!p0 s3, s7;
	s7 =	simm.s32 @!p0 $0x108  }
0x21: {  	s3 =	sadd.s32 s3, s9;
	s6 =	sadd.s32 @!p0 $0x88, s6;
	s7 =	simm.s32 @p2 $0x1082  }
0x22: {  	[simem:s7], [sflag:s8] =	dma.local @!p0 [hbm:s6], $0xF7A  }
0x23: {  	s9 =	sor.u32 $0xD0000000, s2;
	s6 =	simm.s32 $0x108;
	_ =	swait.ge @!p0 [sflag:s8], $0x0  }
0x24: {  	s3 =	sadd.s32 $0x88, s3;
	s6 =	simm.s32 @!p1 $0x1082;
	[sflag:s4] =	ssyncset.s32 $0xFFFFF086  }
0x25: {  	[simem:s6], [sflag:s4] =	dma.local [hbm:s3], $0xF7A  }
0x26: {  	[smem:$0x3F95] =	sst s1;
	(tag) =	ssettag s2;
	_ =	strace s9  }
0x27: {  	s1 =	sld [smem:$0x3FA5]  }
0x28: {  	s2 =	sld [smem:$0x3FA6]  }
0x29: {  	s4 =	sld [smem:$0x3FA8]  }
0x2a: {  	p0 =	seq.s32 s5, $0x0;
	s5 =	sld [smem:$0x3FA9]  }
0x2b: {  	s6 =	sld [smem:$0x3FAA]  }
0x2c: {  	s7 =	sld [smem:$0x3FAB]  }
0x2d: {  	s3 =	simm.s32 $0x108;
	s8 =	sld [smem:$0x3FAC]  }
0x2e: {  	s3 =	simm.s32 @!p0 $0x1082;
	s9 =	sld [smem:$0x3FAD]  }
0x2f: {  	lr =	sadd.s32 s0, s3;
	s0 =	sld [smem:$0x3FA4]  }
0x30: {  	s3 =	sld [smem:$0x3FA7]  }
0x31: {  	[smem:$0x3FB0] =	sst s10  }
0x32: {  	s10 =	sld [smem:$0x3FAE];
	_ =	sdelay $0x3  }
0x33: {  	p0 =	seq.s32 s10, $0x1;
	s10 =	sld [smem:$0x3FB0];
	_ =	sdelay $0x3  }
0x34: {  	[smem:$0x3FB0] =	sst s10  }
0x35: {  	s10 =	sld [smem:$0x3FAF];
	_ =	sdelay $0x3  }
0x36: {  	p1 =	seq.s32 s10, $0x1;
	s10 =	sld [smem:$0x3FB0];
	_ =	sdelay $0x3  }
0x37: {  	[smem:$0x3FB0] =	sst s10  }
0x38: {  	s10 =	sld [smem:$0x3FB1]  }
0x39: {  	_ = 	snop;
	(pc) =	sbr.ind lr, $3  }
0x3a: {  	_ = 	snop  }
0x3b: {  	_ = 	snop  }
0x3c: {  	p2 =	seq.s32 s10, $0x1;
	s10 =	sld [smem:$0x3FB0]  }
0x3d: {  	_ =	shalt  }
0x3e: {  	_ =	shalt  }
0x3f: {  	_ =	shalt  }
0x40: {  	_ =	shalt  }
0x41: {  	_ =	shalt  }
0x42: {  	_ =	shalt  }
0x43: {  	_ =	shalt  }
0x44: {  	_ =	shalt  }
0x45: {  	_ =	shalt  }
0x46: {  	_ =	shalt  }
0x47: {  	_ =	shalt  }
0x48: {  	_ =	shalt  }
0x49: {  	_ =	shalt  }
0x4a: {  	_ =	shalt  }
0x4b: {  	_ =	shalt  }
0x4c: {  	_ =	shalt  }
0x4d: {  	_ =	shalt  }
0x4e: {  	_ =	shalt  }
0x4f: {  	_ =	shalt  }
0x50: {  	_ =	shalt  }
0x51: {  	_ =	shalt  }
0x52: {  	_ =	shalt  }
0x53: {  	_ =	shalt  }
0x54: {  	_ =	shalt  }
0x55: {  	_ =	shalt  }
0x56: {  	_ =	shalt  }
0x57: {  	_ =	shalt  }
0x58: {  	_ =	shalt  }
0x59: {  	_ =	shalt  }
0x5a: {  	_ =	shalt  }
0x5b: {  	_ =	shalt  }
0x5c: {  	_ =	shalt  }
0x5d: {  	_ =	shalt  }
0x5e: {  	_ =	shalt  }
0x5f: {  	_ =	shalt  }
0x60: {  	_ =	shalt  }
0x61: {  	_ =	shalt  }
0x62: {  	_ =	shalt  }
0x63: {  	_ =	shalt  }
0x64: {  	_ =	shalt  }
0x65: {  	_ =	shalt  }
0x66: {  	_ =	shalt  }
0x67: {  	_ =	shalt  }
0x68: {  	_ =	shalt  }
0x69: {  	_ =	shalt  }
0x6a: {  	_ =	shalt  }
0x6b: {  	_ =	shalt  }
0x6c: {  	_ =	shalt  }
0x6d: {  	_ =	shalt  }
0x6e: {  	_ =	shalt  }
0x6f: {  	_ =	shalt  }
0x70: {  	_ =	shalt  }
0x71: {  	_ =	shalt  }
0x72: {  	_ =	shalt  }
0x73: {  	_ =	shalt  }
0x74: {  	_ =	shalt  }
0x75: {  	_ =	shalt  }
0x76: {  	_ =	shalt  }
0x77: {  	_ =	shalt  }
0x78: {  	_ =	shalt  }
0x79: {  	_ =	shalt  }
0x7a: {  	_ =	shalt  }
0x7b: {  	_ =	shalt  }
0x7c: {  	_ =	shalt  }
0x7d: {  	_ =	shalt  }
0x7e: {  	_ =	shalt  }
0x7f: {  	_ =	shalt  }
0x80: {  	_ =	shalt  }
0x81: {  	_ =	shalt  }
0x82: {  	_ =	shalt  }
0x83: {  	_ =	shalt  }
0x84: {  	_ =	shalt  }
0x85: {  	_ =	shalt  }
0x86: {  	_ =	shalt  }
0x87: {  	_ =	shalt  }
.Lfunc_end0:
.L_simem_size_0:
called_computation.3_lowered:
.L_overlay_start_0:
0x88: {  	s2 =	sld [smem:$0x3FD9]  }
0x89: {  	s3 =	sld [smem:$0x3FFE];
	_ =	sdelay $0x1  }
0x8a: {  	s1 =	srdreg.scid  }
0x8b: {  	s0 =	sand.u32 $0x1, s1  }
0x8c: {  	s16 =	sshll.u32 s0, $0xA;
	s2 =	sadd.s32 s3, s2  }
0x8d: {  	s2 =	sadd.s32 s2, s16  }
0x8e: {  	[smem:$0x3FBC] =	sst s2  }
0x8f: {  	_ = 	snop  }
0x90: {  	(tm) =	ssettm $0x1  }
0x91: {  	s17 =	sld [smem:$0x3FFB];
	_ =	sdelay $0x3  }
0x92: {  	_ =	strace s17  }
0x93: {  	s2 =	sld [smem:$0x3FFC];
	_ =	sdelay $0x3  }
0x94: {  	_ =	strace s2  }
0x95: {  	s2 =	sld [smem:$0x3FFD];
	_ =	sdelay $0x3  }
0x96: {  	_ =	strace s2  }
0x97: {  	_ =	strace $0x8FFFFFFF  }
0x98: {  	s18 =	sld [smem:$0x3FDB];
	_ =	sdelay $0x1  }
0x99: {  	s19 =	simm.s32 $_scs_section_size  }
0x9a: {  	s4 =	simm.s32 $_size__tile_overlayer_lowered;
	s5 =	simm.s32 $_tile_overlayer_lowered  }
0x9b: {  	s22 =	simm.s32 $0x1BFF;
	s21 =	sshll.u32 s5, $0x1;
	s2 =	sadd.s32 s19, s18  }
0x9c: {  	s6 =	simm.s32 $0x0;
	s20 =	sshll.u32 s4, $0x1;
	s4 =	sadd.s32 s21, s2  }
0x9d: {  	[timem:s6], [sflag:s22] =	dma.local [hbm:s4], s20  }
0x9e: {  	_ =	swait.ge [sflag:s22], s20  }
0x9f: {  	s3 =	ssub.s32 $0x0, s20;
	[sflag:s22] =	ssyncset.done $0x0  }
0xa0: {  	[sflag:s22] =	ssyncadd.s32 s3;
	_ =	sdelay $0x1  }
0xa1: {  	s23 =	simm.s32 $0x1B8B  }
0xa2: {  	_ =	swait.ge [sflag:s23], $0x1  }
0xa3: {  	[sflag:s23] =	ssyncset.done $0x0  }
0xa4: {  	s25 =	simm.s32 $0x1B8E;
	s24 =	sld [smem:$0x3FFE];
	[sflag:s23] =	ssyncadd.s32 $0xFFFFFFFF  }
0xa5: {  	s26 =	simm.s32 $execute0_lowered;
	[smem:$0x3FD2] =	sst s25  }
0xa6: {  	s4 =	sshll.u32 s26, $0x1;
	_ =	strace $0x8000004F;
	[dreg:$0x1] =	wrdreg $0xFFFFFFFF  }
0xa7: {  	s28 =	simm.s32 $_size_execute0_lowered;
	s2 =	sadd.s32 s2, s4;
	[dreg:$0x0] =	wrdreg $0x0  }
0xa8: {  	s4 =	sshll.u32 s28, $0x1;
	[dreg:$0x2] =	wrdreg s2  }
0xa9: {  	[dreg:$0x3] =	wrdreg s4  }
0xaa: {  	[dreg:$0x4] =	wrdreg $0xC0  }
0xab: {  	_ =	task [dreg:s6], $0x5FFFF  }
0xac: {  	[dreg:$0x1] =	wrdreg $0xFFFFFFFF  }
0xad: {  	[dreg:$0x0] =	wrdreg $0x60  }
0xae: {  	[dreg:$0x2] =	wrdreg s24  }
0xaf: {  	[dreg:$0x3] =	wrdreg $0xA8000  }
0xb0: {  	[dreg:$0x4] =	wrdreg $0x9  }
0xb1: {  	_ =	task.clear_ibuf [dreg:s6], $0x5FFFF;
	_ =	strace $0x9000004F  }
0xb2: {  	s29 =	simm.s32 $0x9;
	_ =	strace $0x80000051  }
0xb3: {  	_ =	swait.ge [sflag:s29], $0x1  }
0xb4: {  	[sflag:s29] =	ssyncadd.s32 $0xFFFFFFFF  }
0xb5: {  	_ =	strace $0x90000051  }
0xb6: {  	_ =	sfence  }
0xb7: {  	s30 =	sld [smem:$0x0];
	_ =	sdelay $0x2  }
0xb8: {  	s31 =	sshll.u32 s1, $0xD;
	s1 =	sshrl.u32 s1, $0x2  }
0xb9: {  	s3 =	sand.u32 $0x4000, s31;
	s1 =	sadd.s32 s1, s30  }
0xba: {  	s0 =	sor.u32 s3, s0;
	s1 =	sshll.u32 s1, $0x11  }
0xbb: {  	s0 =	sor.u32 s1, s0  }
0xbc: {  	s0 =	sadd.s32 $0x8F2B, s0  }
0xbd: {  	[sflag:s0] =	ssyncadd.remote.s32 $0x1  }
0xbe: {  	_ =	sfence.sel $0xFFFF  }
0xbf: {  	[dreg:$0x0] =	wrdreg $0xFFFFFFFF;
	(pc) =	sbr.abs _section_cstart, $3  }
0xc0: {  	[dreg:$0x1] =	wrdreg $0xFFFFFFFF  }
0xc1: {  	_ =	task.clear_ibuf [dreg:s6], $0x2FFFF;
	_ =	strace $0x9FFFFFFF  }
0xc2: {  	(tm) =	ssettm $0x7FFFFFFF  }
0xc3: {  	_ =	shalt  }
tec
execute0_lowered:
.L_overlay_start_1:
0x0: {  	(tag) =	ssettag $0x1  }
0x1: {  	s6 =	rddreg [dreg:$0x0]  }
0x2: {  	s1 =	rddreg [dreg:$0x1];
	s2 =	srdreg.scid  }
0x3: {  	s0 =	rddreg [dreg:$0x2];
	s3 =	simm.s32 $0x0;
	s16 =	simm.s32 $0x80  }
0x4: {  	s17 =	simm.s32 $0x2800;
	s18 =	simm.s32 $0x6800;
	s19 =	simm.s32 $0x1  }
0x5: {  	s20 =	simm.s32 $0x2;
	s21 =	simm.s32 $0x100;
	s22 =	simm.s32 $0x1480  }
0x6: {  	s23 =	simm.s32 $0x1380;
	s24 =	simm.s32 $0x2700;
	s25 =	simm.s32 $0x2780  }
0x7: {  	s26 =	simm.s32 $0x0;
	s7 =	sand.u32 $0x1, s2;
	s2 =	stileid.u32  }
0x8: {  	[smem:$0x7FF] =	sst s3;
	s4 =	sadd.s32 $0x67E00, s6;
	s5 =	smul.u32 $0x140000, s7  }
0x9: {  	s9 =	sadd.s32 $0xDE00, s6;
	s10 =	sadd.s32 $0x3E00, s6;
	s8 =	smul.u32 $0x14000, s2  }
0xa: {  	_ =	strace $0x80000050;
	s11 =	sshll.u32 s7, $0x4;
	s7 =	ssub.s32 $0x2, s7  }
0xb: {  	s12 =	smul.u32 $0x50000, s2;
	s31 =	sshll.u32 s2, $0x6;
	s11 =	sor.u32 s2, s11  }
0xc: {  	s28 =	sshrl.u32 s7, $0x1;
	s8 =	sadd.s32 s8, s5;
	s5 =	sadd.s32 $0x8F000, s6  }
0xd: {  	s29 =	smul.u32 $0x2800, s11;
	s14 =	ssub.s32 s7, s28;
	s30 =	sshrl.u32 s12, $0x2  }
0xe: {  	s8 =	sshrl.u32 s8, $0x3;
	s15 =	sadd.s32 s30, s1;
	s12 =	smax.u32 s14, $0x1  }
0xf: {  	s14 =	simm.s32 $0x3;
	s13 =	sadd.s32 s8, s6;
	s11 =	sshrl.u32 s29, $0x3  }
0x10: {  	s7 =	sadd.s32 s9, s11;
	s8 =	sadd.s32 s10, s11;
	s11 =	sadd.s32 $0x280, s11  }
0x11: {  	s6 =	sor.u32 $0x1C03, s31;
	s9 =	sadd.s32 s9, s11;
	s10 =	sadd.s32 s10, s11  }
0x12: {  	s11 =	sadd.s32 $0x91800, s13;
	s13 =	sshrl.u32 s15, $0x3;
	s15 =	simm.s32 $0x1400  }
.LBB2_1:
0x13: {  	[spmem:s13], [sflag:s6] =	dma.local [hbm:s5], $0x2800  }
0x14: {  	_ =	swait.ge [sflag:s14], $0x2800  }
0x15: {  	[sflag:s14] =	ssyncset.done $0x0  }
0x16: {  	[sflag:s14] =	ssyncadd.s32 $0xFFFFD800  }
0x17: {  	[bflag:$0x0] =	sbarrier.arrive $0xFFFF  }
0x18: {  	[tilespmem:s3], [sflag:$0x3] =	stream.linear.gather [hbm4b:s7+s3], $0x1400, $0x38;
	[tilespmem:$0x1E800] =	vst v63  }
0x19: {  	_ =	swait.ge [sflag:s14], $0x1400  }
0x1a: {  	[sflag:s14] =	ssyncset.done $0x0  }
0x1b: {  	[sflag:s14] =	ssyncadd.s32 $0xFFFFEC00  }
0x1c: {  	[tilespmem:s15], [sflag:$0x3] =	stream.linear.gather [hbm4b:s8+s3], $0x1400, $0x38;
	[tilespmem:$0x1E800] =	vst v63  }
0x1d: {  	_ =	swait.ge [sflag:s14], $0x1400  }
0x1e: {  	[sflag:s14] =	ssyncset.done $0x0  }
0x1f: {  	[sflag:s14] =	ssyncadd.s32 $0xFFFFEC00  }
0x20: {  	[tilespmem:s17], [sflag:$0x1] =	stream.indirect.gather [hbm4b:s4+s16], $0x80, s3, s16, $0xb8;
	[tilespmem:$0x1E800] =	vst v63  }
0x21: {  	_ = 	snop  }
0x22: {  	[tilespmem:s18], [sflag:$0x1] =	stream.indirect.gather [hbm4b:s4+s16], $0x80, s16, s16, $0xb8;
	[tilespmem:$0x1E800] =	vst v63  }
0x23: {  	_ =	swait.ge [sflag:s19], $0x4000  }
0x24: {  	[sflag:s19] =	ssyncset.done $0x0  }
0x25: {  	[sflag:s19] =	ssyncadd.s32 $0xFFFFC000  }
0x26: {  	[spmem:s1] =	stream.indirect.scatter.add.f32 [tilespmem:s17], [sflag:$0x2], $0x80, s15, s16, $0xb8;
	[tilespmem:$0x1E800] =	vst v63  }
0x27: {  	_ =	swait.ge [sflag:s20], $0x4000  }
0x28: {  	[sflag:s20] =	ssyncset.done $0x0  }
0x29: {  	[sflag:s20] =	ssyncadd.s32 $0xFFFFC000  }
0x2a: {  	[tilespmem:s17], [sflag:$0x1] =	stream.indirect.gather [hbm4b:s4+s16], $0x80, s21, s16, $0xb8;
	[tilespmem:$0x1E800] =	vst v63  }
0x2b: {  	_ =	swait.ge [sflag:s19], $0x4000  }
0x2c: {  	[sflag:s19] =	ssyncset.done $0x0  }
0x2d: {  	[sflag:s19] =	ssyncadd.s32 $0xFFFFC000  }
0x2e: {  	[spmem:s1] =	stream.indirect.scatter.add.f32 [tilespmem:s18], [sflag:$0x2], $0x80, s22, s16, $0xb8;
	[tilespmem:$0x1E800] =	vst v63  }
0x2f: {  	_ =	swait.ge [sflag:s20], $0x4000  }
0x30: {  	[sflag:s20] =	ssyncset.done $0x0  }
0x31: {  	s28 =	simm.s32 $0x180;
	[sflag:s20] =	ssyncadd.s32 $0xFFFFC000  }
0x32: {  	[tilespmem:s18], [sflag:$0x1] =	stream.indirect.gather [hbm4b:s4+s16], $0x80, s28, s16, $0xb8;
	[tilespmem:$0x1E800] =	vst v63  }
0x33: {  	_ =	swait.ge [sflag:s19], $0x4000  }
0x34: {  	[sflag:s19] =	ssyncset.done $0x0  }
0x35: {  	s28 =	simm.s32 $0x1500;
	[sflag:s19] =	ssyncadd.s32 $0xFFFFC000  }
0x36: {  	[spmem:s1] =	stream.indirect.scatter.add.f32 [tilespmem:s17], [sflag:$0x2], $0x80, s28, s16, $0xb8;
	[tilespmem:$0x1E800] =	vst v63  }
0x37: {  	_ =	swait.ge [sflag:s20], $0x4000  }
0x38: {  	[sflag:s20] =	ssyncset.done $0x0  }
0x39: {  	s28 =	simm.s32 $0x200;
	[sflag:s20] =	ssyncadd.s32 $0xFFFFC000  }
0x3a: {  	[tilespmem:s17], [sflag:$0x1] =	stream.indirect.gather [hbm4b:s4+s16], $0x80, s28, s16, $0xb8;
	[tilespmem:$0x1E800] =	vst v63  }
0x3b: {  	_ =	swait.ge [sflag:s19], $0x4000  }
0x3c: {  	[sflag:s19] =	ssyncset.done $0x0  }
0x3d: {  	s29 =	simm.s32 $0x1580;
	s28 =	simm.s32 $0xFFFFBC00;
	[sflag:s19] =	ssyncadd.s32 $0xFFFFC000  }
.LBB2_2:
0x3e: {  	[spmem:s1] =	stream.indirect.scatter.add.f32 [tilespmem:s18], [sflag:$0x2], $0x80, s29, s16, $0xb8;
	[tilespmem:$0x1E800] =	vst v63  }
0x3f: {  	s29 =	smov.u32 s28  }
0x40: {  	p0 =	sne.s32 s28, $0xFFFFFC00;
	s28 =	sadd.s32 $0x400, s28;
	_ =	swait.ge [sflag:s20], $0x4000  }
0x41: {  	s29 =	sshra.s32 s29, $0x2;
	[sflag:s20] =	ssyncset.done $0x0  }
0x42: {  	s30 =	sadd.s32 $0x1380, s29;
	[sflag:s20] =	ssyncadd.s32 $0xFFFFC000  }
0x43: {  	[tilespmem:s18], [sflag:$0x1] =	stream.indirect.gather [hbm4b:s4+s16], $0x80, s30, s16, $0xb8;
	[tilespmem:$0x1E800] =	vst v63  }
0x44: {  	_ =	swait.ge [sflag:s19], $0x4000  }
0x45: {  	[sflag:s19] =	ssyncset.done $0x0  }
0x46: {  	s30 =	sadd.s32 $0x2700, s29;
	[sflag:s19] =	ssyncadd.s32 $0xFFFFC000  }
0x47: {  	[spmem:s1] =	stream.indirect.scatter.add.f32 [tilespmem:s17], [sflag:$0x2], $0x80, s30, s16, $0xb8;
	[tilespmem:$0x1E800] =	vst v63  }
0x48: {  	_ =	swait.ge [sflag:s20], $0x4000  }
0x49: {  	[sflag:s20] =	ssyncset.done $0x0  }
.Ltmp0:
0x4a: {  	s30 =	sadd.s32 $0x1400, s29;
	[sflag:s20] =	ssyncadd.s32 $0xFFFFC000;
	(pc) =	sbr.rel @p0 .LBB2_2-.Ltmp0, $4  }
0x4b: {  	[tilespmem:s17], [sflag:$0x1] =	stream.indirect.gather [hbm4b:s4+s16], $0x80, s30, s16, $0xb8;
	[tilespmem:$0x1E800] =	vst v63  }
0x4c: {  	_ =	swait.ge [sflag:s19], $0x4000  }
0x4d: {  	[sflag:s19] =	ssyncset.done $0x0  }
0x4e: {  	s29 =	sadd.s32 $0x2780, s29;
	[sflag:s19] =	ssyncadd.s32 $0xFFFFC000  }
0x4f: {  	[spmem:s1] =	stream.indirect.scatter.add.f32 [tilespmem:s18], [sflag:$0x2], $0x80, s29, s16, $0xb8;
	[tilespmem:$0x1E800] =	vst v63  }
0x50: {  	_ =	swait.ge [sflag:s20], $0x4000  }
0x51: {  	[sflag:s20] =	ssyncset.done $0x0  }
0x52: {  	[sflag:s20] =	ssyncadd.s32 $0xFFFFC000  }
0x53: {  	[tilespmem:s18], [sflag:$0x1] =	stream.indirect.gather [hbm4b:s4+s16], $0x80, s23, s16, $0xb8;
	[tilespmem:$0x1E800] =	vst v63  }
0x54: {  	_ =	swait.ge [sflag:s19], $0x4000  }
0x55: {  	[sflag:s19] =	ssyncset.done $0x0  }
0x56: {  	[sflag:s19] =	ssyncadd.s32 $0xFFFFC000  }
0x57: {  	[spmem:s1] =	stream.indirect.scatter.add.f32 [tilespmem:s17], [sflag:$0x2], $0x80, s24, s16, $0xb8;
	[tilespmem:$0x1E800] =	vst v63  }
0x58: {  	_ =	swait.ge [sflag:s20], $0x4000  }
0x59: {  	[sflag:s20] =	ssyncset.done $0x0  }
0x5a: {  	[sflag:s20] =	ssyncadd.s32 $0xFFFFC000  }
0x5b: {  	_ =	swait.ge [sflag:s19], $0x4000  }
0x5c: {  	[sflag:s19] =	ssyncset.done $0x0  }
0x5d: {  	[sflag:s19] =	ssyncadd.s32 $0xFFFFC000  }
0x5e: {  	[spmem:s1] =	stream.indirect.scatter.add.f32 [tilespmem:s18], [sflag:$0x2], $0x80, s25, s16, $0xb8;
	[tilespmem:$0x1E800] =	vst v63  }
0x5f: {  	_ =	swait.ge [sflag:s20], $0x4000  }
0x60: {  	[sflag:s20] =	ssyncset.done $0x0  }
0x61: {  	[sflag:s20] =	ssyncadd.s32 $0xFFFFC000  }
0x62: {  	[tilespmem:s3], [sflag:$0x3] =	stream.linear.gather [hbm4b:s9+s3], $0x1400, $0x38;
	[tilespmem:$0x1E800] =	vst v63  }
0x63: {  	_ =	swait.ge [sflag:s14], $0x1400  }
0x64: {  	[sflag:s14] =	ssyncset.done $0x0  }
0x65: {  	[sflag:s14] =	ssyncadd.s32 $0xFFFFEC00  }
0x66: {  	[tilespmem:s15], [sflag:$0x3] =	stream.linear.gather [hbm4b:s10+s3], $0x1400, $0x38;
	[tilespmem:$0x1E800] =	vst v63  }
0x67: {  	_ =	swait.ge [sflag:s14], $0x1400  }
0x68: {  	[sflag:s14] =	ssyncset.done $0x0  }
0x69: {  	[sflag:s14] =	ssyncadd.s32 $0xFFFFEC00  }
0x6a: {  	[tilespmem:s17], [sflag:$0x1] =	stream.indirect.gather [hbm4b:s4+s16], $0x80, s3, s16, $0xb8;
	[tilespmem:$0x1E800] =	vst v63  }
0x6b: {  	_ = 	snop  }
0x6c: {  	[tilespmem:s18], [sflag:$0x1] =	stream.indirect.gather [hbm4b:s4+s16], $0x80, s16, s16, $0xb8;
	[tilespmem:$0x1E800] =	vst v63  }
0x6d: {  	_ =	swait.ge [sflag:s19], $0x4000  }
0x6e: {  	[sflag:s19] =	ssyncset.done $0x0  }
0x6f: {  	[sflag:s19] =	ssyncadd.s32 $0xFFFFC000  }
0x70: {  	[spmem:s1] =	stream.indirect.scatter.add.f32 [tilespmem:s17], [sflag:$0x2], $0x80, s15, s16, $0xb8;
	[tilespmem:$0x1E800] =	vst v63  }
0x71: {  	_ =	swait.ge [sflag:s20], $0x4000  }
0x72: {  	[sflag:s20] =	ssyncset.done $0x0  }
0x73: {  	[sflag:s20] =	ssyncadd.s32 $0xFFFFC000  }
0x74: {  	[tilespmem:s17], [sflag:$0x1] =	stream.indirect.gather [hbm4b:s4+s16], $0x80, s21, s16, $0xb8;
	[tilespmem:$0x1E800] =	vst v63  }
0x75: {  	_ =	swait.ge [sflag:s19], $0x4000  }
0x76: {  	[sflag:s19] =	ssyncset.done $0x0  }
0x77: {  	[sflag:s19] =	ssyncadd.s32 $0xFFFFC000  }
0x78: {  	[spmem:s1] =	stream.indirect.scatter.add.f32 [tilespmem:s18], [sflag:$0x2], $0x80, s22, s16, $0xb8;
	[tilespmem:$0x1E800] =	vst v63  }
0x79: {  	_ =	swait.ge [sflag:s20], $0x4000  }
0x7a: {  	[sflag:s20] =	ssyncset.done $0x0  }
0x7b: {  	s28 =	simm.s32 $0x180;
	[sflag:s20] =	ssyncadd.s32 $0xFFFFC000  }
0x7c: {  	[tilespmem:s18], [sflag:$0x1] =	stream.indirect.gather [hbm4b:s4+s16], $0x80, s28, s16, $0xb8;
	[tilespmem:$0x1E800] =	vst v63  }
0x7d: {  	_ =	swait.ge [sflag:s19], $0x4000  }
0x7e: {  	[sflag:s19] =	ssyncset.done $0x0  }
0x7f: {  	s28 =	simm.s32 $0x1500;
	[sflag:s19] =	ssyncadd.s32 $0xFFFFC000  }
0x80: {  	[spmem:s1] =	stream.indirect.scatter.add.f32 [tilespmem:s17], [sflag:$0x2], $0x80, s28, s16, $0xb8;
	[tilespmem:$0x1E800] =	vst v63  }
0x81: {  	_ =	swait.ge [sflag:s20], $0x4000  }
0x82: {  	[sflag:s20] =	ssyncset.done $0x0  }
0x83: {  	s28 =	simm.s32 $0x200;
	[sflag:s20] =	ssyncadd.s32 $0xFFFFC000  }
0x84: {  	[tilespmem:s17], [sflag:$0x1] =	stream.indirect.gather [hbm4b:s4+s16], $0x80, s28, s16, $0xb8;
	[tilespmem:$0x1E800] =	vst v63  }
0x85: {  	_ =	swait.ge [sflag:s19], $0x4000  }
0x86: {  	[sflag:s19] =	ssyncset.done $0x0  }
0x87: {  	s29 =	simm.s32 $0x1580;
	s28 =	simm.s32 $0xFFFFBC00;
	[sflag:s19] =	ssyncadd.s32 $0xFFFFC000  }
.LBB2_4:
0x88: {  	[spmem:s1] =	stream.indirect.scatter.add.f32 [tilespmem:s18], [sflag:$0x2], $0x80, s29, s16, $0xb8;
	[tilespmem:$0x1E800] =	vst v63  }
0x89: {  	s29 =	smov.u32 s28  }
0x8a: {  	p0 =	sne.s32 s28, $0xFFFFFC00;
	s28 =	sadd.s32 $0x400, s28;
	_ =	swait.ge [sflag:s20], $0x4000  }
0x8b: {  	s29 =	sshra.s32 s29, $0x2;
	[sflag:s20] =	ssyncset.done $0x0  }
0x8c: {  	s30 =	sadd.s32 $0x1380, s29;
	[sflag:s20] =	ssyncadd.s32 $0xFFFFC000  }
0x8d: {  	[tilespmem:s18], [sflag:$0x1] =	stream.indirect.gather [hbm4b:s4+s16], $0x80, s30, s16, $0xb8;
	[tilespmem:$0x1E800] =	vst v63  }
0x8e: {  	_ =	swait.ge [sflag:s19], $0x4000  }
0x8f: {  	[sflag:s19] =	ssyncset.done $0x0  }
0x90: {  	s30 =	sadd.s32 $0x2700, s29;
	[sflag:s19] =	ssyncadd.s32 $0xFFFFC000  }
0x91: {  	[spmem:s1] =	stream.indirect.scatter.add.f32 [tilespmem:s17], [sflag:$0x2], $0x80, s30, s16, $0xb8;
	[tilespmem:$0x1E800] =	vst v63  }
0x92: {  	_ =	swait.ge [sflag:s20], $0x4000  }
0x93: {  	[sflag:s20] =	ssyncset.done $0x0  }
.Ltmp1:
0x94: {  	s30 =	sadd.s32 $0x1400, s29;
	[sflag:s20] =	ssyncadd.s32 $0xFFFFC000;
	(pc) =	sbr.rel @p0 .LBB2_4-.Ltmp1, $4  }
0x95: {  	[tilespmem:s17], [sflag:$0x1] =	stream.indirect.gather [hbm4b:s4+s16], $0x80, s30, s16, $0xb8;
	[tilespmem:$0x1E800] =	vst v63  }
0x96: {  	_ =	swait.ge [sflag:s19], $0x4000  }
0x97: {  	[sflag:s19] =	ssyncset.done $0x0  }
0x98: {  	s29 =	sadd.s32 $0x2780, s29;
	[sflag:s19] =	ssyncadd.s32 $0xFFFFC000  }
0x99: {  	[spmem:s1] =	stream.indirect.scatter.add.f32 [tilespmem:s18], [sflag:$0x2], $0x80, s29, s16, $0xb8;
	[tilespmem:$0x1E800] =	vst v63  }
0x9a: {  	_ =	swait.ge [sflag:s20], $0x4000  }
0x9b: {  	[sflag:s20] =	ssyncset.done $0x0  }
0x9c: {  	[sflag:s20] =	ssyncadd.s32 $0xFFFFC000  }
0x9d: {  	[tilespmem:s18], [sflag:$0x1] =	stream.indirect.gather [hbm4b:s4+s16], $0x80, s23, s16, $0xb8;
	[tilespmem:$0x1E800] =	vst v63  }
0x9e: {  	_ =	swait.ge [sflag:s19], $0x4000  }
0x9f: {  	[sflag:s19] =	ssyncset.done $0x0  }
0xa0: {  	[sflag:s19] =	ssyncadd.s32 $0xFFFFC000  }
0xa1: {  	[spmem:s1] =	stream.indirect.scatter.add.f32 [tilespmem:s17], [sflag:$0x2], $0x80, s24, s16, $0xb8;
	[tilespmem:$0x1E800] =	vst v63  }
0xa2: {  	_ =	swait.ge [sflag:s20], $0x4000  }
0xa3: {  	[sflag:s20] =	ssyncset.done $0x0  }
0xa4: {  	[sflag:s20] =	ssyncadd.s32 $0xFFFFC000  }
0xa5: {  	_ =	swait.ge [sflag:s19], $0x4000  }
0xa6: {  	[sflag:s19] =	ssyncset.done $0x0  }
0xa7: {  	[sflag:s19] =	ssyncadd.s32 $0xFFFFC000  }
0xa8: {  	[spmem:s1] =	stream.indirect.scatter.add.f32 [tilespmem:s18], [sflag:$0x2], $0x80, s25, s16, $0xb8;
	[tilespmem:$0x1E800] =	vst v63  }
0xa9: {  	_ =	swait.ge [sflag:s20], $0x4000  }
0xaa: {  	s26 =	sadd.s32 $0x1, s26;
	[sflag:s20] =	ssyncset.done $0x0  }
0xab: {  	p0 =	sne.s32 s26, s12;
	[sflag:s20] =	ssyncadd.s32 $0xFFFFC000  }
.Ltmp2:
0xac: {  	[bflag:$0x0] =	sbarrier.arrive $0xFFFF;
	(pc) =	sbr.rel @p0 .LBB2_1-.Ltmp2, $4  }
0xad: {  	[hbm:s11], [sflag:s6] =	dma.local [spmem:s13], $0x2800  }
0xae: {  	_ =	swait.ge [sflag:s14], $0x2800  }
0xaf: {  	[sflag:s14] =	ssyncset.done $0x0  }
0xb0: {  	[sflag:s14] =	ssyncadd.s32 $0xFFFFD800  }
0xb1: {  	_ =	sfence.sel $0x180000  }
0xb2: {  	[bflag:$0x0] =	sbarrier.arrive $0xFFFF  }
0xb3: {  	p0 =	sne.s32 s2, $0x0;
	_ =	strace $0x90000050  }
0xb4: {  	s0 =	sadd.s32 @!p0 $0x100000, s0;
	[bflag:$0x2] =	sbarrier.arrive $0xFFFF  }
0xb5: {  	[sflag:s0] =	ssyncadd.tile.s32 @!p0 $0x1;
	_ =	shalt  }
.Lfunc_end2:
_tile_overlayer_lowered:
.L_overlay_start_2:
0xb6: {  	(tag) =	ssettag $0x2  }
0xb7: {  	s0 =	rddreg [dreg:$0x0];
	s2 =	stileid.u32  }
0xb8: {  	s1 =	rddreg [dreg:$0x1];
	p0 =	sne.s32 s2, $0x0  }
0xb9: {  	s3 =	rddreg [dreg:$0x2];
	[bflag:$0x3] =	sbarrier.arrive $0xFFFF;
	s2 =	simm.s32 @!p0 $0x1C03  }
0xba: {  	[timem:s3], [sflag:s2] =	dma.local @!p0 [hbm:s0], s1  }
0xbb: {  	s0 =	simm.s32 @!p0 $0x3  }
0xbc: {  	_ =	swait.ge @!p0 [sflag:s0], s1  }
0xbd: {  	s1 =	ssub.s32 @!p0 $0x0, s1;
	[sflag:s0] =	ssyncset.done @!p0 $0x0  }
0xbe: {  	[sflag:s0] =	ssyncadd.s32 @!p0 s1  }
0xbf: {  	[bflag:$0x3] =	sbarrier.arrive $0xFFFF  }
0xc0: {  	_ =	shalt  }

</sc_bundles>
